<compile_context>
chip_gen: v7x
topology: tpu7x:2x2x1
jax: 0.10.2.dev20260603
libtpu: 0.0.44.dev20260713+nightly
codegen_flags: <defaults>
</compile_context>

<pallas_src>
import functools

import jax
import jax.numpy as jnp
from jax import lax
from jax.experimental import pallas as pl
from jax.experimental.pallas import tpu as pltpu
from jax.experimental.pallas import tpu_sc as plsc

SIGMA = 1e-4
GAMMA = 1e-4
ZFAR = 100.0
ZNEAR = 1.0
EPS = 1e-10

f32 = jnp.float32
i32 = jnp.int32

NC = 2
NS = 16
NW = NC * NS
L = 16


def _wid():
    return lax.axis_index("s") * NC + lax.axis_index("c")


def _mesh():
    return plsc.VectorSubcoreMesh(core_axis_name="c", subcore_axis_name="s")


_CPARAMS = pltpu.CompilerParams(
    needs_layout_passes=False, use_tc_tiling_on_sc=False)


def _rsqrt(s):
    i = lax.bitcast_convert_type(s, i32)
    i = jnp.int32(0x5F3759DF) - (i >> 1)
    y = lax.bitcast_convert_type(i, f32)
    for _ in range(3):
        y = y * (1.5 - 0.5 * s * y * y)
    return y


def _splat(v):
    return jnp.full((L,), v, i32)


def _normalize_vertices(vtf, V):
    per_w = ((V + NW - 1) // NW + L - 1) // L * L
    groups = per_w // L

    @functools.partial(
        pl.kernel,
        mesh=_mesh(),
        compiler_params=_CPARAMS,
        out_type=jax.ShapeDtypeStruct((8 * V,), f32),
        scratch_types=[
            pltpu.VMEM((3 * per_w,), f32),
            pltpu.VMEM((8 * per_w,), f32),
        ],
    )
    def k(vt_hbm, out_hbm, inb, outb):
        base = jnp.minimum(_wid() * per_w, V - per_w)
        pltpu.sync_copy(vt_hbm.at[pl.ds(base * 3, per_w * 3)], inb)
        lanes = jnp.arange(L, dtype=i32)
        stride3 = lanes * 3
        stride8 = lanes * 8

        def body(g, carry):
            x = plsc.load_gather(inb, [stride3 + (g * 48 + 0)])
            y = plsc.load_gather(inb, [stride3 + (g * 48 + 1)])
            z = plsc.load_gather(inb, [stride3 + (g * 48 + 2)])
            x = (x + 1.0) / 2.0
            y = (y + 1.0) / 2.0
            z = (z + 3.0) / 4.0
            inv = _rsqrt(x * x + y * y + z * z)
            plsc.store_scatter(outb, [stride8 + (g * 128 + 0)], x * inv)
            plsc.store_scatter(outb, [stride8 + (g * 128 + 1)], y * inv)
            plsc.store_scatter(outb, [stride8 + (g * 128 + 2)], z * inv)
            return carry

        lax.fori_loop(0, groups, body, 0)
        pltpu.sync_copy(outb, out_hbm.at[pl.ds(base * 8, per_w * 8)])

    return k(vtf)


def _build_face_table(fp3_flat, vtn):
    T = fp3_flat.shape[0]
    F = T // 3
    CK = 4704
    nck = 4
    per_w = CK * nck
    CKF = CK // 3

    @functools.partial(
        pl.kernel,
        mesh=_mesh(),
        compiler_params=_CPARAMS,
        out_type=jax.ShapeDtypeStruct((8 * F,), f32),
        scratch_types=[
            pltpu.VMEM((CK,), i32),
            pltpu.VMEM((CK, 8), f32),
            pltpu.VMEM((8 * CKF,), f32),
            pltpu.SemaphoreType.DMA,
        ],
    )
    def k(idx_hbm, vtn_hbm, out_hbm, idxb, rows, fatb, sem):
        wbase = jnp.minimum(_wid() * per_w, T - per_w)
        lanes = jnp.arange(L, dtype=i32)
        hmask = jnp.int32(-65536)

        def body(ck, carry):
            base = wbase + ck * CK
            pltpu.sync_copy(idx_hbm.at[pl.ds(base, CK)], idxb)
            pltpu.async_copy(vtn_hbm.at[idxb], rows, sem).wait()

            def compact(fg, c2):
                fb = fg * L
                frow = (lanes + fb) * 3
                seq = []
                for j in range(3):
                    for c in range(3):
                        v = plsc.load_gather(rows, [frow + j, _splat(c)])
                        u = lax.bitcast_convert_type(v, i32)
                        r = (u + 0x7FFF + ((u >> 16) & 1)) & hmask
                        seq.append(r)
                dst = (lanes + fb) * 8
                for i in range(4):
                    w = seq[2 * i] | lax.shift_right_logical(seq[2 * i + 1], 16)
                    plsc.store_scatter(
                        fatb, [dst + i], lax.bitcast_convert_type(w, f32))
                plsc.store_scatter(
                    fatb, [dst + 4], lax.bitcast_convert_type(seq[8], f32))
                return c2

            lax.fori_loop(0, CKF // L, compact, 0)
            pltpu.sync_copy(fatb, out_hbm.at[pl.ds((base // 3) * 8, CKF * 8)])
            return carry

        lax.fori_loop(0, nck, body, 0)

    return k(fp3_flat, vtn)


def _shade(p2f, baryf, zbf, dbf, ft):
    S = p2f.shape[0]
    P = S // 4
    per_w = S // NW
    CH = 2048
    PCH = CH // 4
    nch = per_w // CH

    @functools.partial(
        pl.kernel,
        mesh=_mesh(),
        compiler_params=_CPARAMS,
        out_type=jax.ShapeDtypeStruct((4 * P,), f32),
        scratch_types=[
            pltpu.VMEM((CH,), i32), pltpu.VMEM((CH,), i32),
            pltpu.VMEM((CH, 8), f32), pltpu.VMEM((CH, 8), f32),
            pltpu.VMEM((3 * CH,), f32), pltpu.VMEM((3 * CH,), f32),
            pltpu.VMEM((CH,), f32), pltpu.VMEM((CH,), f32),
            pltpu.VMEM((CH,), f32), pltpu.VMEM((CH,), f32),
            pltpu.VMEM((3 * CH,), f32),
            pltpu.VMEM((CH,), f32), pltpu.VMEM((CH,), f32),
            pltpu.SemaphoreType.DMA, pltpu.SemaphoreType.DMA,
            pltpu.SemaphoreType.DMA, pltpu.SemaphoreType.DMA,
            pltpu.SemaphoreType.DMA, pltpu.SemaphoreType.DMA,
            pltpu.SemaphoreType.DMA, pltpu.SemaphoreType.DMA,
        ],
    )
    def k(p2f_hbm, bary_hbm, zb_hbm, db_hbm, ft_hbm, out_hbm,
          idxb0, idxb1, rows0, rows1, baryb0, baryb1, zbb0, zbb1,
          dbb0, dbb1, texb, outb0, outb1,
          isem0, isem1, dsem0, dsem1, gsem0, gsem1, osem0, osem1):
        wid = _wid()
        lanes = jnp.arange(L, dtype=i32)
        idxb = (idxb0, idxb1)
        rows = (rows0, rows1)
        baryb = (baryb0, baryb1)
        zbb = (zbb0, zbb1)
        dbb = (dbb0, dbb1)
        outb = (outb0, outb1)
        isem = (isem0, isem1)
        dsem = (dsem0, dsem1)
        gsem = (gsem0, gsem1)
        osem = (osem0, osem1)

        def sb(ci):
            return wid * per_w + ci * CH

        def issue_data(ci, s):
            pltpu.async_copy(bary_hbm.at[pl.ds(sb(ci) * 3, 3 * CH)],
                             baryb[s], dsem[s])
            pltpu.async_copy(zb_hbm.at[pl.ds(sb(ci), CH)], zbb[s], dsem[s])
            pltpu.async_copy(db_hbm.at[pl.ds(sb(ci), CH)], dbb[s], dsem[s])

        def wait_data(ci, s):
            pltpu.make_async_copy(bary_hbm.at[pl.ds(sb(ci) * 3, 3 * CH)],
                                  baryb[s], dsem[s]).wait()
            pltpu.make_async_copy(zb_hbm.at[pl.ds(sb(ci), CH)], zbb[s],
                                  dsem[s]).wait()
            pltpu.make_async_copy(db_hbm.at[pl.ds(sb(ci), CH)], dbb[s],
                                  dsem[s]).wait()

        def compute(s):
            def interp(g, c2):
                qb = g * L
                b0 = baryb[s][pl.ds(0 * CH + qb, L)]
                b1 = baryb[s][pl.ds(1 * CH + qb, L)]
                b2 = baryb[s][pl.ds(2 * CH + qb, L)]
                row = lanes + qb
                hmask = jnp.int32(-65536)
                w = [lax.bitcast_convert_type(
                        plsc.load_gather(rows[s], [row, _splat(t)]), i32)
                     for t in range(5)]

                def hi(x):
                    return lax.bitcast_convert_type(x & hmask, f32)

                def lo(x):
                    return lax.bitcast_convert_type(x << 16, f32)

                vs = ((hi(w[0]), lo(w[1]), hi(w[3])),
                      (lo(w[0]), hi(w[2]), lo(w[3])),
                      (hi(w[1]), lo(w[2]), hi(w[4])))
                for c in range(3):
                    v0, v1, v2 = vs[c]
                    texb[pl.ds(c * CH + qb, L)] = b0 * v0 + b1 * v1 + b2 * v2
                return c2

            lax.fori_loop(0, CH // L, interp, 0, unroll=2)

            def blend(pg, c2):
                wb = (pg >> 3) * 512 + (pg & 7) * L
                probs = []
                zs = []
                for kk in range(4):
                    dk = dbb[s][pl.ds(wb + kk * 128, L)]
                    xk = -(dk / SIGMA)
                    e = jnp.exp(-jnp.abs(xk))
                    num = jnp.where(xk >= 0, jnp.full((L,), 1.0, f32), e)
                    probs.append(num / (1.0 + e))
                    zraw = zbb[s][pl.ds(wb + kk * 128, L)]
                    zs.append((ZFAR - zraw) / (ZFAR - ZNEAR))
                alpha = 1.0 - ((1.0 - probs[0]) * (1.0 - probs[1])
                               * (1.0 - probs[2]) * (1.0 - probs[3]))
                zmax = jnp.maximum(
                    jnp.maximum(jnp.maximum(zs[0], zs[1]),
                                jnp.maximum(zs[2], zs[3])), EPS)
                nums = [probs[kk] * jnp.exp((zs[kk] - zmax) / GAMMA)
                        for kk in range(4)]
                delta = jnp.exp((EPS - zmax) / GAMMA)
                denom = nums[0] + nums[1] + nums[2] + nums[3] + delta
                inv = 1.0 / denom
                wts = [nums[kk] * inv for kk in range(4)]
                for c in range(3):
                    acc = delta * inv
                    for kk in range(4):
                        acc = acc + wts[kk] * texb[pl.ds(c * CH + wb + kk * 128, L)]
                    outb[s][pl.ds(wb + c * 128, L)] = acc
                outb[s][pl.ds(wb + 3 * 128, L)] = alpha
                return c2

            lax.fori_loop(0, CH // (4 * L), blend, 0)

        def step(ci, p):
            q = 1 - p
            @pl.when(ci + 1 < nch)
            def _():
                issue_data(ci + 1, q)
            pltpu.make_async_copy(ft_hbm.at[idxb[p]], rows[p], gsem[p]).wait()

            @pl.when(ci + 1 < nch)
            def _():
                pltpu.make_async_copy(p2f_hbm.at[pl.ds(sb(ci + 1), CH)],
                                      idxb[q], isem[q]).wait()
                pltpu.async_copy(ft_hbm.at[idxb[q]], rows[q], gsem[q])

            @pl.when(ci + 2 < nch)
            def _():
                pltpu.async_copy(p2f_hbm.at[pl.ds(sb(ci + 2), CH)],
                                 idxb[p], isem[p])
            wait_data(ci, p)

            @pl.when(ci >= 2)
            def _():
                pltpu.make_async_copy(outb[p], out_hbm.at[pl.ds(sb(ci - 2), CH)],
                                      osem[p]).wait()
            compute(p)
            pltpu.async_copy(outb[p], out_hbm.at[pl.ds(sb(ci), CH)], osem[p])

        pltpu.async_copy(p2f_hbm.at[pl.ds(sb(0), CH)], idxb[0], isem[0])
        issue_data(0, 0)
        pltpu.async_copy(p2f_hbm.at[pl.ds(sb(1), CH)], idxb[1], isem[1])
        pltpu.make_async_copy(p2f_hbm.at[pl.ds(sb(0), CH)], idxb[0],
                              isem[0]).wait()
        pltpu.async_copy(ft_hbm.at[idxb[0]], rows[0], gsem[0])

        def pair(t, carry):
            step(2 * t, 0)
            step(2 * t + 1, 1)
            return carry

        lax.fori_loop(0, nch // 2, pair, 0)
        pltpu.make_async_copy(outb[0], out_hbm.at[pl.ds(sb(nch - 2), CH)],
                              osem[0]).wait()
        pltpu.make_async_copy(outb[1], out_hbm.at[pl.ds(sb(nch - 1), CH)],
                              osem[1]).wait()

    return k(p2f, baryf, zbf, dbf, ft)


def kernel(pix_to_face, bary_coords, zbuf, dists, vertex_textures, faces_packed):
    N, H, W, K = pix_to_face.shape
    V = vertex_textures.shape[0]
    F = faces_packed.shape[0]
    WT = W // 128

    def flat_phys(x):
        return (x.reshape(N, H, WT, 128, K)
                .transpose(0, 1, 2, 4, 3).reshape(-1))

    def flat_phys_bary(x):
        return (x.reshape(N, H, WT, 128, K, 3)
                .transpose(0, 1, 5, 2, 4, 3).reshape(-1))

    vtn = _normalize_vertices(vertex_textures.reshape(-1), V).reshape(V, 8)
    ft = _build_face_table(faces_packed.reshape(-1), vtn).reshape(F, 8)
    out = _shade(
        flat_phys(pix_to_face),
        flat_phys_bary(bary_coords),
        flat_phys(zbuf),
        flat_phys(dists),
        ft,
    )
    return (out.reshape(N, H, WT, 4, 128)
            .transpose(0, 1, 2, 4, 3).reshape(N, H, W, 4))

# --- scband reference (transcript-rebuilt; emitter-appended) ---
"""Pipeline reference for scband-normal-shader-72086731096585 (READ-ONLY COPY).

The authoritative reference and input builder live on the scoring server;
editing this copy changes nothing except your own understanding.
"""

import jax, jax.numpy as jnp
import numpy as np

SIGMA = 1e-4
GAMMA = 1e-4
BACKGROUND = jnp.array([1.0, 1.0, 1.0], dtype=jnp.float32)
ZFAR = 100.0
ZNEAR = 1.0


def setup_inputs(seed: int = 0) -> dict:
    key = jax.random.key(seed)
    ks = jax.random.split(key, 6)
    N, H, W, K = 4, 512, 512, 4
    V, F = 100000, 200000
    pix_to_face = jax.random.randint(ks[0], (N, H, W, K), 0, F, dtype=jnp.int64 if jax.config.jax_enable_x64 else jnp.int32).astype(jnp.int32)
    bary_coords = jax.random.uniform(ks[1], (N, H, W, K, 3), dtype=jnp.float32)
    zbuf = jax.random.uniform(ks[2], (N, H, W, K), dtype=jnp.float32)
    dists = jax.random.normal(ks[3], (N, H, W, K), dtype=jnp.float32)
    vertex_textures = jax.random.normal(ks[4], (V, 3), dtype=jnp.float32)
    faces_packed = jax.random.randint(ks[5], (F, 3), 0, V, dtype=jnp.int64 if jax.config.jax_enable_x64 else jnp.int32).astype(jnp.int32)
    return {
        'pix_to_face': pix_to_face,
        'bary_coords': bary_coords,
        'zbuf': zbuf,
        'dists': dists,
        'vertex_textures': vertex_textures,
        'faces_packed': faces_packed,
    }


def _interpolate_face_attributes(pix_to_face, bary_coords, face_attrs):
    # pix_to_face: (N,H,W,K) int; bary: (N,H,W,K,3); face_attrs: (F,3,C)
    mask = pix_to_face < 0
    idx = jnp.where(mask, 0, pix_to_face)
    pixel_face_vals = jnp.take(face_attrs, idx, axis=0)  # (N,H,W,K,3,C)
    out = jnp.sum(bary_coords[..., None] * pixel_face_vals, axis=-2)  # (N,H,W,K,C)
    out = jnp.where(mask[..., None], 0.0, out)
    return out


def _interpolate_vertex_normals(pix_to_face, bary_coords, vertex_textures, faces_packed):
    vt = vertex_textures
    xy = (vt[:, :2] + 1.0) / 2.0
    z = (vt[:, 2:3] + 3.0) / 4.0
    vt = jnp.concatenate([xy, z], axis=-1)
    nrm = jnp.linalg.norm(vt, ord=2, axis=-1).reshape(vt.shape[0], 1)
    vt = vt / nrm
    faces_textures = jnp.take(vt, faces_packed, axis=0)  # (F,3,3)
    return _interpolate_face_attributes(pix_to_face, bary_coords, faces_textures)


def _softmax_rgb_blend(colors, pix_to_face, zbuf, dists):
    eps = 1e-10
    mask = (pix_to_face >= 0).astype(jnp.float32)
    prob_map = jax.nn.sigmoid(-dists / SIGMA) * mask  # (N,H,W,K)
    alpha = 1.0 - jnp.prod(1.0 - prob_map, axis=-1)  # (N,H,W)
    z_inv = (ZFAR - zbuf) / (ZFAR - ZNEAR) * mask
    z_inv_max = jnp.maximum(jnp.max(z_inv, axis=-1, keepdims=True), eps)
    weights_num = prob_map * jnp.exp((z_inv - z_inv_max) / GAMMA)
    delta = jnp.exp((eps - z_inv_max) / GAMMA)
    denom = jnp.sum(weights_num, axis=-1, keepdims=True) + delta  # (N,H,W,1)
    weights = weights_num / denom  # (N,H,W,K)
    weighted_colors = jnp.sum(weights[..., None] * colors, axis=-2)  # (N,H,W,3)
    weighted_background = (delta / denom) * BACKGROUND  # (N,H,W,3)
    rgb = weighted_colors + weighted_background
    images = jnp.concatenate([rgb, alpha[..., None]], axis=-1)  # (N,H,W,4)
    return images


def reference(pix_to_face, bary_coords, zbuf, dists, vertex_textures, faces_packed):
    texels = _interpolate_vertex_normals(pix_to_face, bary_coords, vertex_textures, faces_packed)
    images = _softmax_rgb_blend(texels, pix_to_face, zbuf, dists)
    return images

if __name__ == "__main__":
    import jax
    _d = setup_inputs()
    print(jax.jit(kernel)(*tuple(_d.values())))

</pallas_src>

<mosaic_0001>
#map = affine_map<(d0, d1) -> (0)>
#map1 = affine_map<(d0, d1) -> (0, 0)>
module attributes {stable_mosaic.version = 14 : i64} {
  func.func @k(%arg0: i32, %arg1: i32, %arg2: memref<600000xi32, #tpu.memory_space<hbm>>, %arg3: memref<100000x8xf32, #tpu.memory_space<hbm>>, %arg4: memref<1600000xf32, #tpu.memory_space<hbm>>, %arg5: memref<4704xi32, #tpu.memory_space<vmem>>, %arg6: memref<4704x8xf32, #tpu.memory_space<vmem>>, %arg7: memref<12544xf32, #tpu.memory_space<vmem>>, %arg8: memref<!tpu.dma_semaphore, #tpu.memory_space<semaphore_mem>>) attributes {dimension_semantics = [#tpu.dimension_semantics<core_parallel>, #tpu.dimension_semantics<subcore_parallel>], iteration_bounds = array<i64: 2, 16>, scalar_prefetch = 0 : i64, scratch_operands = 4 : i64, tpu.core_type = #tpu.core_type<sc_vector_subcore>, window_params = [{transform_indices = #map}, {transform_indices = #map1}, {transform_indices = #map}]} {
    %mul3A = arith.constant 2 : i32
    %mul3A_0 = arith.muli %arg1, %mul3A : i32
    %add3A = arith.addi %mul3A_0, %arg0 : i32
    %mul3A_1 = arith.constant 18816 : i32
    %mul3A_2 = arith.muli %add3A, %mul3A_1 : i32
    %min3A = arith.constant 581184 : i32
    %min3A_3 = arith.minsi %mul3A_2, %min3A : i32
    %iota3A = tpu.iota {dimensions = array<i32: 0>} : vector<16xi32>
    %scan3A = arith.constant 0 : i32
    %scan3A_4 = arith.constant -65536 : i32
    %scan3A_5 = arith.constant 0 : i32
    %scan3A_6 = arith.constant 4 : i32
    %scan3A_7 = arith.addi %scan3A_5, %scan3A_6 : i32
    %scan3A_8 = arith.constant 1 : i32
    scf.for %scan3A_10 = %scan3A_5 to %scan3A_7 step %scan3A_8  : i32 {
      %mul3A_11 = arith.constant 4704 : i32
      %mul3A_12 = arith.muli %scan3A_10, %mul3A_11 : i32
      %add3A_13 = arith.addi %min3A_3, %mul3A_12 : i32
      "tpu.region"() ({
        %run_scoped3A = tpu.sem_alloc : memref<!tpu.dma_semaphore, #tpu.memory_space<semaphore_mem>>
        %dma_start3A_42 = tpu.memref_slice %arg2[%add3A_13] : memref<600000xi32, #tpu.memory_space<hbm>> -> memref<4704xi32, #tpu.memory_space<hbm>>
        %dma_start3A_43 = tpu.memref_slice %arg2[%add3A_13] : memref<600000xi32, #tpu.memory_space<hbm>> -> memref<4704xi32, #tpu.memory_space<hbm>>
        tpu.enqueue_dma source(%dma_start3A_43 : memref<4704xi32, #tpu.memory_space<hbm>>) target(%arg5 : memref<4704xi32, #tpu.memory_space<vmem>>) target_semaphore(%run_scoped3A : memref<!tpu.dma_semaphore, #tpu.memory_space<semaphore_mem>>)
        %dma_wait3A_44 = tpu.memref_slice %arg2[%add3A_13] : memref<600000xi32, #tpu.memory_space<hbm>> -> memref<4704xi32, #tpu.memory_space<hbm>>
        %dma_wait3A_45 = tpu.memref_slice %arg2[%add3A_13] : memref<600000xi32, #tpu.memory_space<hbm>> -> memref<4704xi32, #tpu.memory_space<hbm>>
        tpu.wait_dma2 semaphore(%run_scoped3A : memref<!tpu.dma_semaphore, #tpu.memory_space<semaphore_mem>>) src(%dma_wait3A_45 : memref<4704xi32, #tpu.memory_space<hbm>>) dst(%arg5 : memref<4704xi32, #tpu.memory_space<vmem>>)
        tpu.yield
      }) : () -> ()
      %dma_start3A = arith.constant 0 : i32
      %dma_start3A_14 = arith.constant 0 : i32
      %dma_start3A_15 = tpu.memref_slice %arg3[%dma_start3A, %dma_start3A_14] : memref<100000x8xf32, #tpu.memory_space<hbm>> -> memref<100000x8xf32, #tpu.memory_space<hbm>>
      tpu.enqueue_indirect_dma source(%dma_start3A_15 : memref<100000x8xf32, #tpu.memory_space<hbm>>) target(%arg6 : memref<4704x8xf32, #tpu.memory_space<vmem>>) offsets(%arg5 : memref<4704xi32, #tpu.memory_space<vmem>>) semaphore(%arg8 : memref<!tpu.dma_semaphore, #tpu.memory_space<semaphore_mem>>)
      %dma_wait3A = arith.constant 0 : i32
      %dma_wait3A_16 = arith.constant 0 : i32
      %dma_wait3A_17 = tpu.memref_slice %arg3[%dma_wait3A, %dma_wait3A_16] : memref<100000x8xf32, #tpu.memory_space<hbm>> -> memref<100000x8xf32, #tpu.memory_space<hbm>>
      tpu.wait_indirect_dma semaphore(%arg8 : memref<!tpu.dma_semaphore, #tpu.memory_space<semaphore_mem>>) src(%dma_wait3A_17 : memref<100000x8xf32, #tpu.memory_space<hbm>>) dst(%arg6 : memref<4704x8xf32, #tpu.memory_space<vmem>>)
      %scan3A_18 = arith.constant 0 : i32
      %scan3A_19 = arith.constant 0 : i32
      %scan3A_20 = arith.constant 98 : i32
      %scan3A_21 = arith.addi %scan3A_19, %scan3A_20 : i32
      %scan3A_22 = arith.constant 1 : i32
      scf.for %scan3A_42 = %scan3A_19 to %scan3A_21 step %scan3A_22  : i32 {
        %mul3A_43 = arith.constant 16 : i32
        %mul3A_44 = arith.muli %scan3A_42, %mul3A_43 : i32
        %add3A_45 = vector.broadcast %mul3A_44 : i32 to vector<16xi32>
        %add3A_46 = arith.addi %iota3A, %add3A_45 : vector<16xi32>
        %mul3A_47 = arith.constant 3 : i32
        %mul3A_48 = vector.broadcast %mul3A_47 : i32 to vector<16xi32>
        %mul3A_49 = arith.muli %add3A_46, %mul3A_48 : vector<16xi32>
        %add3A_50 = arith.constant 0 : i32
        %add3A_51 = vector.broadcast %add3A_50 : i32 to vector<16xi32>
        %add3A_52 = arith.addi %mul3A_49, %add3A_51 : vector<16xi32>
        %broadcast_in_dim3A = arith.constant 0 : i32
        %broadcast_in_dim3A_53 = vector.broadcast %broadcast_in_dim3A : i32 to vector<16xi32>
        %gather3A = tpu.vector_load_idx %arg6[%add3A_52, %broadcast_in_dim3A_53] : memref<4704x8xf32, #tpu.memory_space<vmem>>[vector<16xi32>, vector<16xi32>], vector<16xf32>,
        %bitcast_convert_type3A = tpu.bitcast %gather3A : vector<16xf32> -> vector<16xi32>
        %add3A_54 = arith.constant 32767 : i32
        %add3A_55 = vector.broadcast %add3A_54 : i32 to vector<16xi32>
        %add3A_56 = arith.addi %bitcast_convert_type3A, %add3A_55 : vector<16xi32>
        %shift_right_arithmetic3A = arith.constant 16 : i32
        %shift_right_arithmetic3A_57 = vector.broadcast %shift_right_arithmetic3A : i32 to vector<16xi32>
        %shift_right_arithmetic3A_58 = arith.shrsi %bitcast_convert_type3A, %shift_right_arithmetic3A_57 : vector<16xi32>
        %and3A_59 = arith.constant 1 : i32
        %and3A_60 = vector.broadcast %and3A_59 : i32 to vector<16xi32>
        %and3A_61 = arith.andi %shift_right_arithmetic3A_58, %and3A_60 : vector<16xi32>
        %add3A_62 = arith.addi %add3A_56, %and3A_61 : vector<16xi32>
        %and3A_63 = vector.broadcast %scan3A_4 : i32 to vector<16xi32>
        %and3A_64 = arith.andi %add3A_62, %and3A_63 : vector<16xi32>
        %add3A_65 = arith.constant 0 : i32
        %add3A_66 = vector.broadcast %add3A_65 : i32 to vector<16xi32>
        %add3A_67 = arith.addi %mul3A_49, %add3A_66 : vector<16xi32>
        %broadcast_in_dim3A_68 = arith.constant 1 : i32
        %broadcast_in_dim3A_69 = vector.broadcast %broadcast_in_dim3A_68 : i32 to vector<16xi32>
        %gather3A_70 = tpu.vector_load_idx %arg6[%add3A_67, %broadcast_in_dim3A_69] : memref<4704x8xf32, #tpu.memory_space<vmem>>[vector<16xi32>, vector<16xi32>], vector<16xf32>,
        %bitcast_convert_type3A_71 = tpu.bitcast %gather3A_70 : vector<16xf32> -> vector<16xi32>
        %add3A_72 = arith.constant 32767 : i32
        %add3A_73 = vector.broadcast %add3A_72 : i32 to vector<16xi32>
        %add3A_74 = arith.addi %bitcast_convert_type3A_71, %add3A_73 : vector<16xi32>
        %shift_right_arithmetic3A_75 = arith.constant 16 : i32
        %shift_right_arithmetic3A_76 = vector.broadcast %shift_right_arithmetic3A_75 : i32 to vector<16xi32>
        %shift_right_arithmetic3A_77 = arith.shrsi %bitcast_convert_type3A_71, %shift_right_arithmetic3A_76 : vector<16xi32>
        %and3A_78 = arith.constant 1 : i32
        %and3A_79 = vector.broadcast %and3A_78 : i32 to vector<16xi32>
        %and3A_80 = arith.andi %shift_right_arithmetic3A_77, %and3A_79 : vector<16xi32>
        %add3A_81 = arith.addi %add3A_74, %and3A_80 : vector<16xi32>
        %and3A_82 = vector.broadcast %scan3A_4 : i32 to vector<16xi32>
        %and3A_83 = arith.andi %add3A_81, %and3A_82 : vector<16xi32>
        %add3A_84 = arith.constant 0 : i32
        %add3A_85 = vector.broadcast %add3A_84 : i32 to vector<16xi32>
        %add3A_86 = arith.addi %mul3A_49, %add3A_85 : vector<16xi32>
        %broadcast_in_dim3A_87 = arith.constant 2 : i32
        %broadcast_in_dim3A_88 = vector.broadcast %broadcast_in_dim3A_87 : i32 to vector<16xi32>
        %gather3A_89 = tpu.vector_load_idx %arg6[%add3A_86, %broadcast_in_dim3A_88] : memref<4704x8xf32, #tpu.memory_space<vmem>>[vector<16xi32>, vector<16xi32>], vector<16xf32>,
        %bitcast_convert_type3A_90 = tpu.bitcast %gather3A_89 : vector<16xf32> -> vector<16xi32>
        %add3A_91 = arith.constant 32767 : i32
        %add3A_92 = vector.broadcast %add3A_91 : i32 to vector<16xi32>
        %add3A_93 = arith.addi %bitcast_convert_type3A_90, %add3A_92 : vector<16xi32>
        %shift_right_arithmetic3A_94 = arith.constant 16 : i32
        %shift_right_arithmetic3A_95 = vector.broadcast %shift_right_arithmetic3A_94 : i32 to vector<16xi32>
        %shift_right_arithmetic3A_96 = arith.shrsi %bitcast_convert_type3A_90, %shift_right_arithmetic3A_95 : vector<16xi32>
        %and3A_97 = arith.constant 1 : i32
        %and3A_98 = vector.broadcast %and3A_97 : i32 to vector<16xi32>
        %and3A_99 = arith.andi %shift_right_arithmetic3A_96, %and3A_98 : vector<16xi32>
        %add3A_100 = arith.addi %add3A_93, %and3A_99 : vector<16xi32>
        %and3A_101 = vector.broadcast %scan3A_4 : i32 to vector<16xi32>
        %and3A_102 = arith.andi %add3A_100, %and3A_101 : vector<16xi32>
        %add3A_103 = arith.constant 1 : i32
        %add3A_104 = vector.broadcast %add3A_103 : i32 to vector<16xi32>
        %add3A_105 = arith.addi %mul3A_49, %add3A_104 : vector<16xi32>
        %broadcast_in_dim3A_106 = arith.constant 0 : i32
        %broadcast_in_dim3A_107 = vector.broadcast %broadcast_in_dim3A_106 : i32 to vector<16xi32>
        %gather3A_108 = tpu.vector_load_idx %arg6[%add3A_105, %broadcast_in_dim3A_107] : memref<4704x8xf32, #tpu.memory_space<vmem>>[vector<16xi32>, vector<16xi32>], vector<16xf32>,
        %bitcast_convert_type3A_109 = tpu.bitcast %gather3A_108 : vector<16xf32> -> vector<16xi32>
        %add3A_110 = arith.constant 32767 : i32
        %add3A_111 = vector.broadcast %add3A_110 : i32 to vector<16xi32>
        %add3A_112 = arith.addi %bitcast_convert_type3A_109, %add3A_111 : vector<16xi32>
        %shift_right_arithmetic3A_113 = arith.constant 16 : i32
        %shift_right_arithmetic3A_114 = vector.broadcast %shift_right_arithmetic3A_113 : i32 to vector<16xi32>
        %shift_right_arithmetic3A_115 = arith.shrsi %bitcast_convert_type3A_109, %shift_right_arithmetic3A_114 : vector<16xi32>
        %and3A_116 = arith.constant 1 : i32
        %and3A_117 = vector.broadcast %and3A_116 : i32 to vector<16xi32>
        %and3A_118 = arith.andi %shift_right_arithmetic3A_115, %and3A_117 : vector<16xi32>
        %add3A_119 = arith.addi %add3A_112, %and3A_118 : vector<16xi32>
        %and3A_120 = vector.broadcast %scan3A_4 : i32 to vector<16xi32>
        %and3A_121 = arith.andi %add3A_119, %and3A_120 : vector<16xi32>
        %add3A_122 = arith.constant 1 : i32
        %add3A_123 = vector.broadcast %add3A_122 : i32 to vector<16xi32>
        %add3A_124 = arith.addi %mul3A_49, %add3A_123 : vector<16xi32>
        %broadcast_in_dim3A_125 = arith.constant 1 : i32
        %broadcast_in_dim3A_126 = vector.broadcast %broadcast_in_dim3A_125 : i32 to vector<16xi32>
        %gather3A_127 = tpu.vector_load_idx %arg6[%add3A_124, %broadcast_in_dim3A_126] : memref<4704x8xf32, #tpu.memory_space<vmem>>[vector<16xi32>, vector<16xi32>], vector<16xf32>,
        %bitcast_convert_type3A_128 = tpu.bitcast %gather3A_127 : vector<16xf32> -> vector<16xi32>
        %add3A_129 = arith.constant 32767 : i32
        %add3A_130 = vector.broadcast %add3A_129 : i32 to vector<16xi32>
        %add3A_131 = arith.addi %bitcast_convert_type3A_128, %add3A_130 : vector<16xi32>
        %shift_right_arithmetic3A_132 = arith.constant 16 : i32
        %shift_right_arithmetic3A_133 = vector.broadcast %shift_right_arithmetic3A_132 : i32 to vector<16xi32>
        %shift_right_arithmetic3A_134 = arith.shrsi %bitcast_convert_type3A_128, %shift_right_arithmetic3A_133 : vector<16xi32>
        %and3A_135 = arith.constant 1 : i32
        %and3A_136 = vector.broadcast %and3A_135 : i32 to vector<16xi32>
        %and3A_137 = arith.andi %shift_right_arithmetic3A_134, %and3A_136 : vector<16xi32>
        %add3A_138 = arith.addi %add3A_131, %and3A_137 : vector<16xi32>
        %and3A_139 = vector.broadcast %scan3A_4 : i32 to vector<16xi32>
        %and3A_140 = arith.andi %add3A_138, %and3A_139 : vector<16xi32>
        %add3A_141 = arith.constant 1 : i32
        %add3A_142 = vector.broadcast %add3A_141 : i32 to vector<16xi32>
        %add3A_143 = arith.addi %mul3A_49, %add3A_142 : vector<16xi32>
        %broadcast_in_dim3A_144 = arith.constant 2 : i32
        %broadcast_in_dim3A_145 = vector.broadcast %broadcast_in_dim3A_144 : i32 to vector<16xi32>
        %gather3A_146 = tpu.vector_load_idx %arg6[%add3A_143, %broadcast_in_dim3A_145] : memref<4704x8xf32, #tpu.memory_space<vmem>>[vector<16xi32>, vector<16xi32>], vector<16xf32>,
        %bitcast_convert_type3A_147 = tpu.bitcast %gather3A_146 : vector<16xf32> -> vector<16xi32>
        %add3A_148 = arith.constant 32767 : i32
        %add3A_149 = vector.broadcast %add3A_148 : i32 to vector<16xi32>
        %add3A_150 = arith.addi %bitcast_convert_type3A_147, %add3A_149 : vector<16xi32>
        %shift_right_arithmetic3A_151 = arith.constant 16 : i32
        %shift_right_arithmetic3A_152 = vector.broadcast %shift_right_arithmetic3A_151 : i32 to vector<16xi32>
        %shift_right_arithmetic3A_153 = arith.shrsi %bitcast_convert_type3A_147, %shift_right_arithmetic3A_152 : vector<16xi32>
        %and3A_154 = arith.constant 1 : i32
        %and3A_155 = vector.broadcast %and3A_154 : i32 to vector<16xi32>
        %and3A_156 = arith.andi %shift_right_arithmetic3A_153, %and3A_155 : vector<16xi32>
        %add3A_157 = arith.addi %add3A_150, %and3A_156 : vector<16xi32>
        %and3A_158 = vector.broadcast %scan3A_4 : i32 to vector<16xi32>
        %and3A_159 = arith.andi %add3A_157, %and3A_158 : vector<16xi32>
        %add3A_160 = arith.constant 2 : i32
        %add3A_161 = vector.broadcast %add3A_160 : i32 to vector<16xi32>
        %add3A_162 = arith.addi %mul3A_49, %add3A_161 : vector<16xi32>
        %broadcast_in_dim3A_163 = arith.constant 0 : i32
        %broadcast_in_dim3A_164 = vector.broadcast %broadcast_in_dim3A_163 : i32 to vector<16xi32>
        %gather3A_165 = tpu.vector_load_idx %arg6[%add3A_162, %broadcast_in_dim3A_164] : memref<4704x8xf32, #tpu.memory_space<vmem>>[vector<16xi32>, vector<16xi32>], vector<16xf32>,
        %bitcast_convert_type3A_166 = tpu.bitcast %gather3A_165 : vector<16xf32> -> vector<16xi32>
        %add3A_167 = arith.constant 32767 : i32
        %add3A_168 = vector.broadcast %add3A_167 : i32 to vector<16xi32>
        %add3A_169 = arith.addi %bitcast_convert_type3A_166, %add3A_168 : vector<16xi32>
        %shift_right_arithmetic3A_170 = arith.constant 16 : i32
        %shift_right_arithmetic3A_171 = vector.broadcast %shift_right_arithmetic3A_170 : i32 to vector<16xi32>
        %shift_right_arithmetic3A_172 = arith.shrsi %bitcast_convert_type3A_166, %shift_right_arithmetic3A_171 : vector<16xi32>
        %and3A_173 = arith.constant 1 : i32
        %and3A_174 = vector.broadcast %and3A_173 : i32 to vector<16xi32>
        %and3A_175 = arith.andi %shift_right_arithmetic3A_172, %and3A_174 : vector<16xi32>
        %add3A_176 = arith.addi %add3A_169, %and3A_175 : vector<16xi32>
        %and3A_177 = vector.broadcast %scan3A_4 : i32 to vector<16xi32>
        %and3A_178 = arith.andi %add3A_176, %and3A_177 : vector<16xi32>
        %add3A_179 = arith.constant 2 : i32
        %add3A_180 = vector.broadcast %add3A_179 : i32 to vector<16xi32>
        %add3A_181 = arith.addi %mul3A_49, %add3A_180 : vector<16xi32>
        %broadcast_in_dim3A_182 = arith.constant 1 : i32
        %broadcast_in_dim3A_183 = vector.broadcast %broadcast_in_dim3A_182 : i32 to vector<16xi32>
        %gather3A_184 = tpu.vector_load_idx %arg6[%add3A_181, %broadcast_in_dim3A_183] : memref<4704x8xf32, #tpu.memory_space<vmem>>[vector<16xi32>, vector<16xi32>], vector<16xf32>,
        %bitcast_convert_type3A_185 = tpu.bitcast %gather3A_184 : vector<16xf32> -> vector<16xi32>
        %add3A_186 = arith.constant 32767 : i32
        %add3A_187 = vector.broadcast %add3A_186 : i32 to vector<16xi32>
        %add3A_188 = arith.addi %bitcast_convert_type3A_185, %add3A_187 : vector<16xi32>
        %shift_right_arithmetic3A_189 = arith.constant 16 : i32
        %shift_right_arithmetic3A_190 = vector.broadcast %shift_right_arithmetic3A_189 : i32 to vector<16xi32>
        %shift_right_arithmetic3A_191 = arith.shrsi %bitcast_convert_type3A_185, %shift_right_arithmetic3A_190 : vector<16xi32>
        %and3A_192 = arith.constant 1 : i32
        %and3A_193 = vector.broadcast %and3A_192 : i32 to vector<16xi32>
        %and3A_194 = arith.andi %shift_right_arithmetic3A_191, %and3A_193 : vector<16xi32>
        %add3A_195 = arith.addi %add3A_188, %and3A_194 : vector<16xi32>
        %and3A_196 = vector.broadcast %scan3A_4 : i32 to vector<16xi32>
        %and3A_197 = arith.andi %add3A_195, %and3A_196 : vector<16xi32>
        %add3A_198 = arith.constant 2 : i32
        %add3A_199 = vector.broadcast %add3A_198 : i32 to vector<16xi32>
        %add3A_200 = arith.addi %mul3A_49, %add3A_199 : vector<16xi32>
        %broadcast_in_dim3A_201 = arith.constant 2 : i32
        %broadcast_in_dim3A_202 = vector.broadcast %broadcast_in_dim3A_201 : i32 to vector<16xi32>
        %gather3A_203 = tpu.vector_load_idx %arg6[%add3A_200, %broadcast_in_dim3A_202] : memref<4704x8xf32, #tpu.memory_space<vmem>>[vector<16xi32>, vector<16xi32>], vector<16xf32>,
        %bitcast_convert_type3A_204 = tpu.bitcast %gather3A_203 : vector<16xf32> -> vector<16xi32>
        %add3A_205 = arith.constant 32767 : i32
        %add3A_206 = vector.broadcast %add3A_205 : i32 to vector<16xi32>
        %add3A_207 = arith.addi %bitcast_convert_type3A_204, %add3A_206 : vector<16xi32>
        %shift_right_arithmetic3A_208 = arith.constant 16 : i32
        %shift_right_arithmetic3A_209 = vector.broadcast %shift_right_arithmetic3A_208 : i32 to vector<16xi32>
        %shift_right_arithmetic3A_210 = arith.shrsi %bitcast_convert_type3A_204, %shift_right_arithmetic3A_209 : vector<16xi32>
        %and3A_211 = arith.constant 1 : i32
        %and3A_212 = vector.broadcast %and3A_211 : i32 to vector<16xi32>
        %and3A_213 = arith.andi %shift_right_arithmetic3A_210, %and3A_212 : vector<16xi32>
        %add3A_214 = arith.addi %add3A_207, %and3A_213 : vector<16xi32>
        %and3A_215 = vector.broadcast %scan3A_4 : i32 to vector<16xi32>
        %and3A_216 = arith.andi %add3A_214, %and3A_215 : vector<16xi32>
        %add3A_217 = vector.broadcast %mul3A_44 : i32 to vector<16xi32>
        %add3A_218 = arith.addi %iota3A, %add3A_217 : vector<16xi32>
        %mul3A_219 = arith.constant 8 : i32
        %mul3A_220 = vector.broadcast %mul3A_219 : i32 to vector<16xi32>
        %mul3A_221 = arith.muli %add3A_218, %mul3A_220 : vector<16xi32>
        %shift_right_logical3A = arith.constant 16 : i32
        %shift_right_logical3A_222 = vector.broadcast %shift_right_logical3A : i32 to vector<16xi32>
        %shift_right_logical3A_223 = arith.shrui %and3A_83, %shift_right_logical3A_222 : vector<16xi32>
        %or3A = arith.ori %and3A_64, %shift_right_logical3A_223 : vector<16xi32>
        %add3A_224 = arith.constant 0 : i32
        %add3A_225 = vector.broadcast %add3A_224 : i32 to vector<16xi32>
        %add3A_226 = arith.addi %mul3A_221, %add3A_225 : vector<16xi32>
        %bitcast_convert_type3A_227 = tpu.bitcast %or3A : vector<16xi32> -> vector<16xf32>
        tpu.vector_store_idx %arg7[%add3A_226], %bitcast_convert_type3A_227 : memref<12544xf32, #tpu.memory_space<vmem>>[vector<16xi32>], vector<16xf32>,
        %shift_right_logical3A_228 = arith.constant 16 : i32
        %shift_right_logical3A_229 = vector.broadcast %shift_right_logical3A_228 : i32 to vector<16xi32>
        %shift_right_logical3A_230 = arith.shrui %and3A_121, %shift_right_logical3A_229 : vector<16xi32>
        %or3A_231 = arith.ori %and3A_102, %shift_right_logical3A_230 : vector<16xi32>
        %add3A_232 = arith.constant 1 : i32
        %add3A_233 = vector.broadcast %add3A_232 : i32 to vector<16xi32>
        %add3A_234 = arith.addi %mul3A_221, %add3A_233 : vector<16xi32>
        %bitcast_convert_type3A_235 = tpu.bitcast %or3A_231 : vector<16xi32> -> vector<16xf32>
        tpu.vector_store_idx %arg7[%add3A_234], %bitcast_convert_type3A_235 : memref<12544xf32, #tpu.memory_space<vmem>>[vector<16xi32>], vector<16xf32>,
        %shift_right_logical3A_236 = arith.constant 16 : i32
        %shift_right_logical3A_237 = vector.broadcast %shift_right_logical3A_236 : i32 to vector<16xi32>
        %shift_right_logical3A_238 = arith.shrui %and3A_159, %shift_right_logical3A_237 : vector<16xi32>
        %or3A_239 = arith.ori %and3A_140, %shift_right_logical3A_238 : vector<16xi32>
        %add3A_240 = arith.constant 2 : i32
        %add3A_241 = vector.broadcast %add3A_240 : i32 to vector<16xi32>
        %add3A_242 = arith.addi %mul3A_221, %add3A_241 : vector<16xi32>
        %bitcast_convert_type3A_243 = tpu.bitcast %or3A_239 : vector<16xi32> -> vector<16xf32>
        tpu.vector_store_idx %arg7[%add3A_242], %bitcast_convert_type3A_243 : memref<12544xf32, #tpu.memory_space<vmem>>[vector<16xi32>], vector<16xf32>,
        %shift_right_logical3A_244 = arith.constant 16 : i32
        %shift_right_logical3A_245 = vector.broadcast %shift_right_logical3A_244 : i32 to vector<16xi32>
        %shift_right_logical3A_246 = arith.shrui %and3A_197, %shift_right_logical3A_245 : vector<16xi32>
        %or3A_247 = arith.ori %and3A_178, %shift_right_logical3A_246 : vector<16xi32>
        %add3A_248 = arith.constant 3 : i32
        %add3A_249 = vector.broadcast %add3A_248 : i32 to vector<16xi32>
        %add3A_250 = arith.addi %mul3A_221, %add3A_249 : vector<16xi32>
        %bitcast_convert_type3A_251 = tpu.bitcast %or3A_247 : vector<16xi32> -> vector<16xf32>
        tpu.vector_store_idx %arg7[%add3A_250], %bitcast_convert_type3A_251 : memref<12544xf32, #tpu.memory_space<vmem>>[vector<16xi32>], vector<16xf32>,
        %add3A_252 = arith.constant 4 : i32
        %add3A_253 = vector.broadcast %add3A_252 : i32 to vector<16xi32>
        %add3A_254 = arith.addi %mul3A_221, %add3A_253 : vector<16xi32>
        %bitcast_convert_type3A_255 = tpu.bitcast %and3A_216 : vector<16xi32> -> vector<16xf32>
        tpu.vector_store_idx %arg7[%add3A_254], %bitcast_convert_type3A_255 : memref<12544xf32, #tpu.memory_space<vmem>>[vector<16xi32>], vector<16xf32>,
      }
      %scan3A_23 = arith.constant 98 : i32
      %jit3A = arith.constant 3 : i32
      %div3A = arith.divsi %add3A_13, %jit3A : i32
      %sign3A = arith.constant 0 : i32
      %sign3A_24 = arith.cmpi sgt, %add3A_13, %sign3A : i32
      %sign3A_25 = arith.extui %sign3A_24 : i1 to i32
      %sign3A_26 = arith.constant 0 : i32
      %sign3A_27 = arith.cmpi slt, %add3A_13, %sign3A_26 : i32
      %sign3A_28 = arith.extui %sign3A_27 : i1 to i32
      %sign3A_29 = arith.subi %sign3A_25, %sign3A_28 : i32
      %sign3A_30 = arith.constant 0 : i32
      %sign3A_31 = arith.cmpi sgt, %jit3A, %sign3A_30 : i32
      %sign3A_32 = arith.extui %sign3A_31 : i1 to i32
      %sign3A_33 = arith.constant 0 : i32
      %sign3A_34 = arith.cmpi slt, %jit3A, %sign3A_33 : i32
      %sign3A_35 = arith.extui %sign3A_34 : i1 to i32
      %sign3A_36 = arith.subi %sign3A_32, %sign3A_35 : i32
      %ne3A = arith.cmpi ne, %sign3A_29, %sign3A_36 : i32
      %rem3A = arith.remsi %add3A_13, %jit3A : i32
      %ne3A_37 = arith.constant 0 : i32
      %ne3A_38 = arith.cmpi ne, %rem3A, %ne3A_37 : i32
      %and3A = arith.andi %ne3A, %ne3A_38 : i1
      %sub3A = arith.constant 1 : i32
      %sub3A_39 = arith.subi %div3A, %sub3A : i32
      %select_n3A = arith.select %and3A, %sub3A_39, %div3A : i32
      %mul3A_40 = arith.constant 8 : i32
      %mul3A_41 = arith.muli %select_n3A, %mul3A_40 : i32
      "tpu.region"() ({
        %run_scoped3A = tpu.sem_alloc : memref<!tpu.dma_semaphore, #tpu.memory_space<semaphore_mem>>
        %dma_start3A_42 = tpu.memref_slice %arg4[%mul3A_41] : memref<1600000xf32, #tpu.memory_space<hbm>> -> memref<12544xf32, #tpu.memory_space<hbm>>
        %dma_start3A_43 = tpu.memref_slice %arg4[%mul3A_41] : memref<1600000xf32, #tpu.memory_space<hbm>> -> memref<12544xf32, #tpu.memory_space<hbm>>
        tpu.enqueue_dma source(%arg7 : memref<12544xf32, #tpu.memory_space<vmem>>) target(%dma_start3A_43 : memref<12544xf32, #tpu.memory_space<hbm>>) target_semaphore(%run_scoped3A : memref<!tpu.dma_semaphore, #tpu.memory_space<semaphore_mem>>)
        %dma_wait3A_44 = tpu.memref_slice %arg4[%mul3A_41] : memref<1600000xf32, #tpu.memory_space<hbm>> -> memref<12544xf32, #tpu.memory_space<hbm>>
        %dma_wait3A_45 = tpu.memref_slice %arg4[%mul3A_41] : memref<1600000xf32, #tpu.memory_space<hbm>> -> memref<12544xf32, #tpu.memory_space<hbm>>
        tpu.wait_dma2 semaphore(%run_scoped3A : memref<!tpu.dma_semaphore, #tpu.memory_space<semaphore_mem>>) src(%arg7 : memref<12544xf32, #tpu.memory_space<vmem>>) dst(%dma_wait3A_45 : memref<12544xf32, #tpu.memory_space<hbm>>)
        tpu.yield
      }) : () -> ()
    }
    %scan3A_9 = arith.constant 4 : i32
    return
  }
}

#map = affine_map<(d0, d1) -> (0)>
#map1 = affine_map<(d0, d1) -> (0, 0)>
module attributes {stable_mosaic.version = 14 : i64} {
  func.func @k(%arg0: i32, %arg1: i32, %arg2: memref<4194304xi32, #tpu.memory_space<hbm>>, %arg3: memref<12582912xf32, #tpu.memory_space<hbm>>, %arg4: memref<4194304xf32, #tpu.memory_space<hbm>>, %arg5: memref<4194304xf32, #tpu.memory_space<hbm>>, %arg6: memref<200000x8xf32, #tpu.memory_space<hbm>>, %arg7: memref<4194304xf32, #tpu.memory_space<hbm>>, %arg8: memref<2048xi32, #tpu.memory_space<vmem>>, %arg9: memref<2048xi32, #tpu.memory_space<vmem>>, %arg10: memref<2048x8xf32, #tpu.memory_space<vmem>>, %arg11: memref<2048x8xf32, #tpu.memory_space<vmem>>, %arg12: memref<6144xf32, #tpu.memory_space<vmem>>, %arg13: memref<6144xf32, #tpu.memory_space<vmem>>, %arg14: memref<2048xf32, #tpu.memory_space<vmem>>, %arg15: memref<2048xf32, #tpu.memory_space<vmem>>, %arg16: memref<2048xf32, #tpu.memory_space<vmem>>, %arg17: memref<2048xf32, #tpu.memory_space<vmem>>, %arg18: memref<6144xf32, #tpu.memory_space<vmem>>, %arg19: memref<2048xf32, #tpu.memory_space<vmem>>, %arg20: memref<2048xf32, #tpu.memory_space<vmem>>, %arg21: memref<!tpu.dma_semaphore, #tpu.memory_space<semaphore_mem>>, %arg22: memref<!tpu.dma_semaphore, #tpu.memory_space<semaphore_mem>>, %arg23: memref<!tpu.dma_semaphore, #tpu.memory_space<semaphore_mem>>, %arg24: memref<!tpu.dma_semaphore, #tpu.memory_space<semaphore_mem>>, %arg25: memref<!tpu.dma_semaphore, #tpu.memory_space<semaphore_mem>>, %arg26: memref<!tpu.dma_semaphore, #tpu.memory_space<semaphore_mem>>, %arg27: memref<!tpu.dma_semaphore, #tpu.memory_space<semaphore_mem>>, %arg28: memref<!tpu.dma_semaphore, #tpu.memory_space<semaphore_mem>>) attributes {dimension_semantics = [#tpu.dimension_semantics<core_parallel>, #tpu.dimension_semantics<subcore_parallel>], iteration_bounds = array<i64: 2, 16>, scalar_prefetch = 0 : i64, scratch_operands = 21 : i64, tpu.core_type = #tpu.core_type<sc_vector_subcore>, window_params = [{transform_indices = #map}, {transform_indices = #map}, {transform_indices = #map}, {transform_indices = #map}, {transform_indices = #map1}, {transform_indices = #map}]} {
    %mul3A = arith.constant 2 : i32
    %mul3A_0 = arith.muli %arg1, %mul3A : i32
    %add3A = arith.addi %mul3A_0, %arg0 : i32
    %iota3A = tpu.iota {dimensions = array<i32: 0>} : vector<16xi32>
    %mul3A_1 = arith.constant 131072 : i32
    %mul3A_2 = arith.muli %add3A, %mul3A_1 : i32
    %add3A_3 = arith.constant 0 : i32
    %add3A_4 = arith.addi %mul3A_2, %add3A_3 : i32
    %dma_start3A = tpu.memref_slice %arg2[%add3A_4] : memref<4194304xi32, #tpu.memory_space<hbm>> -> memref<2048xi32, #tpu.memory_space<hbm>>
    %dma_start3A_5 = tpu.memref_slice %arg2[%add3A_4] : memref<4194304xi32, #tpu.memory_space<hbm>> -> memref<2048xi32, #tpu.memory_space<hbm>>
    tpu.enqueue_dma source(%dma_start3A_5 : memref<2048xi32, #tpu.memory_space<hbm>>) target(%arg8 : memref<2048xi32, #tpu.memory_space<vmem>>) target_semaphore(%arg21 : memref<!tpu.dma_semaphore, #tpu.memory_space<semaphore_mem>>)
    %mul3A_6 = arith.constant 131072 : i32
    %mul3A_7 = arith.muli %add3A, %mul3A_6 : i32
    %add3A_8 = arith.constant 0 : i32
    %add3A_9 = arith.addi %mul3A_7, %add3A_8 : i32
    %mul3A_10 = arith.constant 3 : i32
    %mul3A_11 = arith.muli %add3A_9, %mul3A_10 : i32
    %dma_start3A_12 = tpu.memref_slice %arg3[%mul3A_11] : memref<12582912xf32, #tpu.memory_space<hbm>> -> memref<6144xf32, #tpu.memory_space<hbm>>
    %dma_start3A_13 = tpu.memref_slice %arg3[%mul3A_11] : memref<12582912xf32, #tpu.memory_space<hbm>> -> memref<6144xf32, #tpu.memory_space<hbm>>
    tpu.enqueue_dma source(%dma_start3A_13 : memref<6144xf32, #tpu.memory_space<hbm>>) target(%arg12 : memref<6144xf32, #tpu.memory_space<vmem>>) target_semaphore(%arg23 : memref<!tpu.dma_semaphore, #tpu.memory_space<semaphore_mem>>)
    %mul3A_14 = arith.constant 131072 : i32
    %mul3A_15 = arith.muli %add3A, %mul3A_14 : i32
    %add3A_16 = arith.constant 0 : i32
    %add3A_17 = arith.addi %mul3A_15, %add3A_16 : i32
    %dma_start3A_18 = tpu.memref_slice %arg4[%add3A_17] : memref<4194304xf32, #tpu.memory_space<hbm>> -> memref<2048xf32, #tpu.memory_space<hbm>>
    %dma_start3A_19 = tpu.memref_slice %arg4[%add3A_17] : memref<4194304xf32, #tpu.memory_space<hbm>> -> memref<2048xf32, #tpu.memory_space<hbm>>
    tpu.enqueue_dma source(%dma_start3A_19 : memref<2048xf32, #tpu.memory_space<hbm>>) target(%arg14 : memref<2048xf32, #tpu.memory_space<vmem>>) target_semaphore(%arg23 : memref<!tpu.dma_semaphore, #tpu.memory_space<semaphore_mem>>)
    %mul3A_20 = arith.constant 131072 : i32
    %mul3A_21 = arith.muli %add3A, %mul3A_20 : i32
    %add3A_22 = arith.constant 0 : i32
    %add3A_23 = arith.addi %mul3A_21, %add3A_22 : i32
    %dma_start3A_24 = tpu.memref_slice %arg5[%add3A_23] : memref<4194304xf32, #tpu.memory_space<hbm>> -> memref<2048xf32, #tpu.memory_space<hbm>>
    %dma_start3A_25 = tpu.memref_slice %arg5[%add3A_23] : memref<4194304xf32, #tpu.memory_space<hbm>> -> memref<2048xf32, #tpu.memory_space<hbm>>
    tpu.enqueue_dma source(%dma_start3A_25 : memref<2048xf32, #tpu.memory_space<hbm>>) target(%arg16 : memref<2048xf32, #tpu.memory_space<vmem>>) target_semaphore(%arg23 : memref<!tpu.dma_semaphore, #tpu.memory_space<semaphore_mem>>)
    %mul3A_26 = arith.constant 131072 : i32
    %mul3A_27 = arith.muli %add3A, %mul3A_26 : i32
    %add3A_28 = arith.constant 2048 : i32
    %add3A_29 = arith.addi %mul3A_27, %add3A_28 : i32
    %dma_start3A_30 = tpu.memref_slice %arg2[%add3A_29] : memref<4194304xi32, #tpu.memory_space<hbm>> -> memref<2048xi32, #tpu.memory_space<hbm>>
    %dma_start3A_31 = tpu.memref_slice %arg2[%add3A_29] : memref<4194304xi32, #tpu.memory_space<hbm>> -> memref<2048xi32, #tpu.memory_space<hbm>>
    tpu.enqueue_dma source(%dma_start3A_31 : memref<2048xi32, #tpu.memory_space<hbm>>) target(%arg9 : memref<2048xi32, #tpu.memory_space<vmem>>) target_semaphore(%arg22 : memref<!tpu.dma_semaphore, #tpu.memory_space<semaphore_mem>>)
    %mul3A_32 = arith.constant 131072 : i32
    %mul3A_33 = arith.muli %add3A, %mul3A_32 : i32
    %add3A_34 = arith.constant 0 : i32
    %add3A_35 = arith.addi %mul3A_33, %add3A_34 : i32
    %dma_wait3A = tpu.memref_slice %arg2[%add3A_35] : memref<4194304xi32, #tpu.memory_space<hbm>> -> memref<2048xi32, #tpu.memory_space<hbm>>
    %dma_wait3A_36 = tpu.memref_slice %arg2[%add3A_35] : memref<4194304xi32, #tpu.memory_space<hbm>> -> memref<2048xi32, #tpu.memory_space<hbm>>
    tpu.wait_dma2 semaphore(%arg21 : memref<!tpu.dma_semaphore, #tpu.memory_space<semaphore_mem>>) src(%dma_wait3A_36 : memref<2048xi32, #tpu.memory_space<hbm>>) dst(%arg8 : memref<2048xi32, #tpu.memory_space<vmem>>)
    %dma_start3A_37 = arith.constant 0 : i32
    %dma_start3A_38 = arith.constant 0 : i32
    %dma_start3A_39 = tpu.memref_slice %arg6[%dma_start3A_37, %dma_start3A_38] : memref<200000x8xf32, #tpu.memory_space<hbm>> -> memref<200000x8xf32, #tpu.memory_space<hbm>>
    tpu.enqueue_indirect_dma source(%dma_start3A_39 : memref<200000x8xf32, #tpu.memory_space<hbm>>) target(%arg10 : memref<2048x8xf32, #tpu.memory_space<vmem>>) offsets(%arg8 : memref<2048xi32, #tpu.memory_space<vmem>>) semaphore(%arg25 : memref<!tpu.dma_semaphore, #tpu.memory_space<semaphore_mem>>)
    %scan3A = arith.constant 0 : i32
    %scan3A_40 = arith.constant 0 : i32
    %scan3A_41 = arith.constant 32 : i32
    %scan3A_42 = arith.addi %scan3A_40, %scan3A_41 : i32
    %scan3A_43 = arith.constant 1 : i32
    scf.for %scan3A_57 = %scan3A_40 to %scan3A_42 step %scan3A_43  : i32 {
      %mul3A_58 = arith.constant 2 : i32
      %mul3A_59 = arith.muli %mul3A_58, %scan3A_57 : i32
      %add3A_60 = arith.constant 1 : i32
      %add3A_61 = arith.addi %mul3A_59, %add3A_60 : i32
      %lt3A = arith.constant 64 : i32
      %lt3A_62 = arith.cmpi slt, %add3A_61, %lt3A : i32
      %convert_element_type3A = arith.extui %lt3A_62 : i1 to i32
      %cond3A = arith.constant 0 : i32
      %cond3A_63 = arith.cmpi ne, %convert_element_type3A, %cond3A : i32
      scf.if %cond3A_63 {
        %add3A_202 = arith.constant 1 : i32
        %add3A_203 = arith.addi %mul3A_59, %add3A_202 : i32
        %mul3A_204 = arith.constant 131072 : i32
        %mul3A_205 = arith.muli %add3A, %mul3A_204 : i32
        %mul3A_206 = arith.constant 2048 : i32
        %mul3A_207 = arith.muli %add3A_203, %mul3A_206 : i32
        %add3A_208 = arith.addi %mul3A_205, %mul3A_207 : i32
        %mul3A_209 = arith.constant 3 : i32
        %mul3A_210 = arith.muli %add3A_208, %mul3A_209 : i32
        %dma_start3A_211 = tpu.memref_slice %arg3[%mul3A_210] : memref<12582912xf32, #tpu.memory_space<hbm>> -> memref<6144xf32, #tpu.memory_space<hbm>>
        %dma_start3A_212 = tpu.memref_slice %arg3[%mul3A_210] : memref<12582912xf32, #tpu.memory_space<hbm>> -> memref<6144xf32, #tpu.memory_space<hbm>>
        tpu.enqueue_dma source(%dma_start3A_212 : memref<6144xf32, #tpu.memory_space<hbm>>) target(%arg13 : memref<6144xf32, #tpu.memory_space<vmem>>) target_semaphore(%arg24 : memref<!tpu.dma_semaphore, #tpu.memory_space<semaphore_mem>>)
        %mul3A_213 = arith.constant 131072 : i32
        %mul3A_214 = arith.muli %add3A, %mul3A_213 : i32
        %mul3A_215 = arith.constant 2048 : i32
        %mul3A_216 = arith.muli %add3A_203, %mul3A_215 : i32
        %add3A_217 = arith.addi %mul3A_214, %mul3A_216 : i32
        %dma_start3A_218 = tpu.memref_slice %arg4[%add3A_217] : memref<4194304xf32, #tpu.memory_space<hbm>> -> memref<2048xf32, #tpu.memory_space<hbm>>
        %dma_start3A_219 = tpu.memref_slice %arg4[%add3A_217] : memref<4194304xf32, #tpu.memory_space<hbm>> -> memref<2048xf32, #tpu.memory_space<hbm>>
        tpu.enqueue_dma source(%dma_start3A_219 : memref<2048xf32, #tpu.memory_space<hbm>>) target(%arg15 : memref<2048xf32, #tpu.memory_space<vmem>>) target_semaphore(%arg24 : memref<!tpu.dma_semaphore, #tpu.memory_space<semaphore_mem>>)
        %mul3A_220 = arith.constant 131072 : i32
        %mul3A_221 = arith.muli %add3A, %mul3A_220 : i32
        %mul3A_222 = arith.constant 2048 : i32
        %mul3A_223 = arith.muli %add3A_203, %mul3A_222 : i32
        %add3A_224 = arith.addi %mul3A_221, %mul3A_223 : i32
        %dma_start3A_225 = tpu.memref_slice %arg5[%add3A_224] : memref<4194304xf32, #tpu.memory_space<hbm>> -> memref<2048xf32, #tpu.memory_space<hbm>>
        %dma_start3A_226 = tpu.memref_slice %arg5[%add3A_224] : memref<4194304xf32, #tpu.memory_space<hbm>> -> memref<2048xf32, #tpu.memory_space<hbm>>
        tpu.enqueue_dma source(%dma_start3A_226 : memref<2048xf32, #tpu.memory_space<hbm>>) target(%arg17 : memref<2048xf32, #tpu.memory_space<vmem>>) target_semaphore(%arg24 : memref<!tpu.dma_semaphore, #tpu.memory_space<semaphore_mem>>)
      } else {
      }
      %dma_wait3A_64 = arith.constant 0 : i32
      %dma_wait3A_65 = arith.constant 0 : i32
      %dma_wait3A_66 = tpu.memref_slice %arg6[%dma_wait3A_64, %dma_wait3A_65] : memref<200000x8xf32, #tpu.memory_space<hbm>> -> memref<200000x8xf32, #tpu.memory_space<hbm>>
      tpu.wait_indirect_dma semaphore(%arg25 : memref<!tpu.dma_semaphore, #tpu.memory_space<semaphore_mem>>) src(%dma_wait3A_66 : memref<200000x8xf32, #tpu.memory_space<hbm>>) dst(%arg10 : memref<2048x8xf32, #tpu.memory_space<vmem>>)
      %add3A_67 = arith.constant 1 : i32
      %add3A_68 = arith.addi %mul3A_59, %add3A_67 : i32
      %lt3A_69 = arith.constant 64 : i32
      %lt3A_70 = arith.cmpi slt, %add3A_68, %lt3A_69 : i32
      %convert_element_type3A_71 = arith.extui %lt3A_70 : i1 to i32
      %cond3A_72 = arith.constant 0 : i32
      %cond3A_73 = arith.cmpi ne, %convert_element_type3A_71, %cond3A_72 : i32
      scf.if %cond3A_73 {
        %add3A_202 = arith.constant 1 : i32
        %add3A_203 = arith.addi %mul3A_59, %add3A_202 : i32
        %mul3A_204 = arith.constant 131072 : i32
        %mul3A_205 = arith.muli %add3A, %mul3A_204 : i32
        %mul3A_206 = arith.constant 2048 : i32
        %mul3A_207 = arith.muli %add3A_203, %mul3A_206 : i32
        %add3A_208 = arith.addi %mul3A_205, %mul3A_207 : i32
        %dma_wait3A_209 = tpu.memref_slice %arg2[%add3A_208] : memref<4194304xi32, #tpu.memory_space<hbm>> -> memref<2048xi32, #tpu.memory_space<hbm>>
        %dma_wait3A_210 = tpu.memref_slice %arg2[%add3A_208] : memref<4194304xi32, #tpu.memory_space<hbm>> -> memref<2048xi32, #tpu.memory_space<hbm>>
        tpu.wait_dma2 semaphore(%arg22 : memref<!tpu.dma_semaphore, #tpu.memory_space<semaphore_mem>>) src(%dma_wait3A_210 : memref<2048xi32, #tpu.memory_space<hbm>>) dst(%arg9 : memref<2048xi32, #tpu.memory_space<vmem>>)
        %dma_start3A_211 = arith.constant 0 : i32
        %dma_start3A_212 = arith.constant 0 : i32
        %dma_start3A_213 = tpu.memref_slice %arg6[%dma_start3A_211, %dma_start3A_212] : memref<200000x8xf32, #tpu.memory_space<hbm>> -> memref<200000x8xf32, #tpu.memory_space<hbm>>
        tpu.enqueue_indirect_dma source(%dma_start3A_213 : memref<200000x8xf32, #tpu.memory_space<hbm>>) target(%arg11 : memref<2048x8xf32, #tpu.memory_space<vmem>>) offsets(%arg9 : memref<2048xi32, #tpu.memory_space<vmem>>) semaphore(%arg26 : memref<!tpu.dma_semaphore, #tpu.memory_space<semaphore_mem>>)
      } else {
      }
      %add3A_74 = arith.constant 2 : i32
      %add3A_75 = arith.addi %mul3A_59, %add3A_74 : i32
      %lt3A_76 = arith.constant 64 : i32
      %lt3A_77 = arith.cmpi slt, %add3A_75, %lt3A_76 : i32
      %convert_element_type3A_78 = arith.extui %lt3A_77 : i1 to i32
      %cond3A_79 = arith.constant 0 : i32
      %cond3A_80 = arith.cmpi ne, %convert_element_type3A_78, %cond3A_79 : i32
      scf.if %cond3A_80 {
        %add3A_202 = arith.constant 2 : i32
        %add3A_203 = arith.addi %mul3A_59, %add3A_202 : i32
        %mul3A_204 = arith.constant 131072 : i32
        %mul3A_205 = arith.muli %add3A, %mul3A_204 : i32
        %mul3A_206 = arith.constant 2048 : i32
        %mul3A_207 = arith.muli %add3A_203, %mul3A_206 : i32
        %add3A_208 = arith.addi %mul3A_205, %mul3A_207 : i32
        %dma_start3A_209 = tpu.memref_slice %arg2[%add3A_208] : memref<4194304xi32, #tpu.memory_space<hbm>> -> memref<2048xi32, #tpu.memory_space<hbm>>
        %dma_start3A_210 = tpu.memref_slice %arg2[%add3A_208] : memref<4194304xi32, #tpu.memory_space<hbm>> -> memref<2048xi32, #tpu.memory_space<hbm>>
        tpu.enqueue_dma source(%dma_start3A_210 : memref<2048xi32, #tpu.memory_space<hbm>>) target(%arg8 : memref<2048xi32, #tpu.memory_space<vmem>>) target_semaphore(%arg21 : memref<!tpu.dma_semaphore, #tpu.memory_space<semaphore_mem>>)
      } else {
      }
      %mul3A_81 = arith.constant 131072 : i32
      %mul3A_82 = arith.muli %add3A, %mul3A_81 : i32
      %mul3A_83 = arith.constant 2048 : i32
      %mul3A_84 = arith.muli %mul3A_59, %mul3A_83 : i32
      %add3A_85 = arith.addi %mul3A_82, %mul3A_84 : i32
      %mul3A_86 = arith.constant 3 : i32
      %mul3A_87 = arith.muli %add3A_85, %mul3A_86 : i32
      %dma_wait3A_88 = tpu.memref_slice %arg3[%mul3A_87] : memref<12582912xf32, #tpu.memory_space<hbm>> -> memref<6144xf32, #tpu.memory_space<hbm>>
      %dma_wait3A_89 = tpu.memref_slice %arg3[%mul3A_87] : memref<12582912xf32, #tpu.memory_space<hbm>> -> memref<6144xf32, #tpu.memory_space<hbm>>
      tpu.wait_dma2 semaphore(%arg23 : memref<!tpu.dma_semaphore, #tpu.memory_space<semaphore_mem>>) src(%dma_wait3A_89 : memref<6144xf32, #tpu.memory_space<hbm>>) dst(%arg12 : memref<6144xf32, #tpu.memory_space<vmem>>)
      %mul3A_90 = arith.constant 131072 : i32
      %mul3A_91 = arith.muli %add3A, %mul3A_90 : i32
      %mul3A_92 = arith.constant 2048 : i32
      %mul3A_93 = arith.muli %mul3A_59, %mul3A_92 : i32
      %add3A_94 = arith.addi %mul3A_91, %mul3A_93 : i32
      %dma_wait3A_95 = tpu.memref_slice %arg4[%add3A_94] : memref<4194304xf32, #tpu.memory_space<hbm>> -> memref<2048xf32, #tpu.memory_space<hbm>>
      %dma_wait3A_96 = tpu.memref_slice %arg4[%add3A_94] : memref<4194304xf32, #tpu.memory_space<hbm>> -> memref<2048xf32, #tpu.memory_space<hbm>>
      tpu.wait_dma2 semaphore(%arg23 : memref<!tpu.dma_semaphore, #tpu.memory_space<semaphore_mem>>) src(%dma_wait3A_96 : memref<2048xf32, #tpu.memory_space<hbm>>) dst(%arg14 : memref<2048xf32, #tpu.memory_space<vmem>>)
      %mul3A_97 = arith.constant 131072 : i32
      %mul3A_98 = arith.muli %add3A, %mul3A_97 : i32
      %mul3A_99 = arith.constant 2048 : i32
      %mul3A_100 = arith.muli %mul3A_59, %mul3A_99 : i32
      %add3A_101 = arith.addi %mul3A_98, %mul3A_100 : i32
      %dma_wait3A_102 = tpu.memref_slice %arg5[%add3A_101] : memref<4194304xf32, #tpu.memory_space<hbm>> -> memref<2048xf32, #tpu.memory_space<hbm>>
      %dma_wait3A_103 = tpu.memref_slice %arg5[%add3A_101] : memref<4194304xf32, #tpu.memory_space<hbm>> -> memref<2048xf32, #tpu.memory_space<hbm>>
      tpu.wait_dma2 semaphore(%arg23 : memref<!tpu.dma_semaphore, #tpu.memory_space<semaphore_mem>>) src(%dma_wait3A_103 : memref<2048xf32, #tpu.memory_space<hbm>>) dst(%arg16 : memref<2048xf32, #tpu.memory_space<vmem>>)
      %ge3A = arith.constant 2 : i32
      %ge3A_104 = arith.cmpi sge, %mul3A_59, %ge3A : i32
      %convert_element_type3A_105 = arith.extui %ge3A_104 : i1 to i32
      %cond3A_106 = arith.constant 0 : i32
      %cond3A_107 = arith.cmpi ne, %convert_element_type3A_105, %cond3A_106 : i32
      scf.if %cond3A_107 {
        %sub3A = arith.constant 2 : i32
        %sub3A_202 = arith.subi %mul3A_59, %sub3A : i32
        %mul3A_203 = arith.constant 131072 : i32
        %mul3A_204 = arith.muli %add3A, %mul3A_203 : i32
        %mul3A_205 = arith.constant 2048 : i32
        %mul3A_206 = arith.muli %sub3A_202, %mul3A_205 : i32
        %add3A_207 = arith.addi %mul3A_204, %mul3A_206 : i32
        %dma_wait3A_208 = tpu.memref_slice %arg7[%add3A_207] : memref<4194304xf32, #tpu.memory_space<hbm>> -> memref<2048xf32, #tpu.memory_space<hbm>>
        %dma_wait3A_209 = tpu.memref_slice %arg7[%add3A_207] : memref<4194304xf32, #tpu.memory_space<hbm>> -> memref<2048xf32, #tpu.memory_space<hbm>>
        tpu.wait_dma2 semaphore(%arg27 : memref<!tpu.dma_semaphore, #tpu.memory_space<semaphore_mem>>) src(%arg19 : memref<2048xf32, #tpu.memory_space<vmem>>) dst(%dma_wait3A_209 : memref<2048xf32, #tpu.memory_space<hbm>>)
      } else {
      }
      %scan3A_108 = arith.constant 0 : i32
      %scan3A_109 = arith.constant 0 : i32
      %scan3A_110 = arith.constant 128 : i32
      %scan3A_111 = arith.addi %scan3A_109, %scan3A_110 : i32
      %scan3A_112 = arith.constant 2 : i32
      scf.for %scan3A_202 = %scan3A_109 to %scan3A_111 step %scan3A_112  : i32 {
        %mul3A_203 = arith.constant 16 : i32
        %mul3A_204 = arith.muli %scan3A_202, %mul3A_203 : i32
        %add3A_205 = arith.constant 0 : i32
        %add3A_206 = arith.addi %add3A_205, %mul3A_204 : i32
        %get3A = arith.index_cast %add3A_206 : i32 to index
        %get3A_207 = tpu.vector_load %arg12[%get3A] {strides = array<i32>} : memref<6144xf32, #tpu.memory_space<vmem>>, vector<16xf32>,
        %add3A_208 = arith.constant 2048 : i32
        %add3A_209 = arith.addi %add3A_208, %mul3A_204 : i32
        %get3A_210 = arith.index_cast %add3A_209 : i32 to index
        %get3A_211 = tpu.vector_load %arg12[%get3A_210] {strides = array<i32>} : memref<6144xf32, #tpu.memory_space<vmem>>, vector<16xf32>,
        %add3A_212 = arith.constant 4096 : i32
        %add3A_213 = arith.addi %add3A_212, %mul3A_204 : i32
        %get3A_214 = arith.index_cast %add3A_213 : i32 to index
        %get3A_215 = tpu.vector_load %arg12[%get3A_214] {strides = array<i32>} : memref<6144xf32, #tpu.memory_space<vmem>>, vector<16xf32>,
        %add3A_216 = vector.broadcast %mul3A_204 : i32 to vector<16xi32>
        %add3A_217 = arith.addi %iota3A, %add3A_216 : vector<16xi32>
        %broadcast_in_dim3A = arith.constant 0 : i32
        %broadcast_in_dim3A_218 = vector.broadcast %broadcast_in_dim3A : i32 to vector<16xi32>
        %gather3A = tpu.vector_load_idx %arg10[%add3A_217, %broadcast_in_dim3A_218] : memref<2048x8xf32, #tpu.memory_space<vmem>>[vector<16xi32>, vector<16xi32>], vector<16xf32>,
        %bitcast_convert_type3A = tpu.bitcast %gather3A : vector<16xf32> -> vector<16xi32>
        %broadcast_in_dim3A_219 = arith.constant 1 : i32
        %broadcast_in_dim3A_220 = vector.broadcast %broadcast_in_dim3A_219 : i32 to vector<16xi32>
        %gather3A_221 = tpu.vector_load_idx %arg10[%add3A_217, %broadcast_in_dim3A_220] : memref<2048x8xf32, #tpu.memory_space<vmem>>[vector<16xi32>, vector<16xi32>], vector<16xf32>,
        %bitcast_convert_type3A_222 = tpu.bitcast %gather3A_221 : vector<16xf32> -> vector<16xi32>
        %broadcast_in_dim3A_223 = arith.constant 2 : i32
        %broadcast_in_dim3A_224 = vector.broadcast %broadcast_in_dim3A_223 : i32 to vector<16xi32>
        %gather3A_225 = tpu.vector_load_idx %arg10[%add3A_217, %broadcast_in_dim3A_224] : memref<2048x8xf32, #tpu.memory_space<vmem>>[vector<16xi32>, vector<16xi32>], vector<16xf32>,
        %bitcast_convert_type3A_226 = tpu.bitcast %gather3A_225 : vector<16xf32> -> vector<16xi32>
        %broadcast_in_dim3A_227 = arith.constant 3 : i32
        %broadcast_in_dim3A_228 = vector.broadcast %broadcast_in_dim3A_227 : i32 to vector<16xi32>
        %gather3A_229 = tpu.vector_load_idx %arg10[%add3A_217, %broadcast_in_dim3A_228] : memref<2048x8xf32, #tpu.memory_space<vmem>>[vector<16xi32>, vector<16xi32>], vector<16xf32>,
        %bitcast_convert_type3A_230 = tpu.bitcast %gather3A_229 : vector<16xf32> -> vector<16xi32>
        %broadcast_in_dim3A_231 = arith.constant 4 : i32
        %broadcast_in_dim3A_232 = vector.broadcast %broadcast_in_dim3A_231 : i32 to vector<16xi32>
        %gather3A_233 = tpu.vector_load_idx %arg10[%add3A_217, %broadcast_in_dim3A_232] : memref<2048x8xf32, #tpu.memory_space<vmem>>[vector<16xi32>, vector<16xi32>], vector<16xf32>,
        %bitcast_convert_type3A_234 = tpu.bitcast %gather3A_233 : vector<16xf32> -> vector<16xi32>
        %and3A = arith.constant -65536 : i32
        %and3A_235 = vector.broadcast %and3A : i32 to vector<16xi32>
        %and3A_236 = arith.andi %bitcast_convert_type3A, %and3A_235 : vector<16xi32>
        %bitcast_convert_type3A_237 = tpu.bitcast %and3A_236 : vector<16xi32> -> vector<16xf32>
        %shift_left3A = arith.constant 16 : i32
        %shift_left3A_238 = vector.broadcast %shift_left3A : i32 to vector<16xi32>
        %shift_left3A_239 = arith.shli %bitcast_convert_type3A_222, %shift_left3A_238 : vector<16xi32>
        %bitcast_convert_type3A_240 = tpu.bitcast %shift_left3A_239 : vector<16xi32> -> vector<16xf32>
        %and3A_241 = arith.constant -65536 : i32
        %and3A_242 = vector.broadcast %and3A_241 : i32 to vector<16xi32>
        %and3A_243 = arith.andi %bitcast_convert_type3A_230, %and3A_242 : vector<16xi32>
        %bitcast_convert_type3A_244 = tpu.bitcast %and3A_243 : vector<16xi32> -> vector<16xf32>
        %shift_left3A_245 = arith.constant 16 : i32
        %shift_left3A_246 = vector.broadcast %shift_left3A_245 : i32 to vector<16xi32>
        %shift_left3A_247 = arith.shli %bitcast_convert_type3A, %shift_left3A_246 : vector<16xi32>
        %bitcast_convert_type3A_248 = tpu.bitcast %shift_left3A_247 : vector<16xi32> -> vector<16xf32>
        %and3A_249 = arith.constant -65536 : i32
        %and3A_250 = vector.broadcast %and3A_249 : i32 to vector<16xi32>
        %and3A_251 = arith.andi %bitcast_convert_type3A_226, %and3A_250 : vector<16xi32>
        %bitcast_convert_type3A_252 = tpu.bitcast %and3A_251 : vector<16xi32> -> vector<16xf32>
        %shift_left3A_253 = arith.constant 16 : i32
        %shift_left3A_254 = vector.broadcast %shift_left3A_253 : i32 to vector<16xi32>
        %shift_left3A_255 = arith.shli %bitcast_convert_type3A_230, %shift_left3A_254 : vector<16xi32>
        %bitcast_convert_type3A_256 = tpu.bitcast %shift_left3A_255 : vector<16xi32> -> vector<16xf32>
        %and3A_257 = arith.constant -65536 : i32
        %and3A_258 = vector.broadcast %and3A_257 : i32 to vector<16xi32>
        %and3A_259 = arith.andi %bitcast_convert_type3A_222, %and3A_258 : vector<16xi32>
        %bitcast_convert_type3A_260 = tpu.bitcast %and3A_259 : vector<16xi32> -> vector<16xf32>
        %shift_left3A_261 = arith.constant 16 : i32
        %shift_left3A_262 = vector.broadcast %shift_left3A_261 : i32 to vector<16xi32>
        %shift_left3A_263 = arith.shli %bitcast_convert_type3A_226, %shift_left3A_262 : vector<16xi32>
        %bitcast_convert_type3A_264 = tpu.bitcast %shift_left3A_263 : vector<16xi32> -> vector<16xf32>
        %and3A_265 = arith.constant -65536 : i32
        %and3A_266 = vector.broadcast %and3A_265 : i32 to vector<16xi32>
        %and3A_267 = arith.andi %bitcast_convert_type3A_234, %and3A_266 : vector<16xi32>
        %bitcast_convert_type3A_268 = tpu.bitcast %and3A_267 : vector<16xi32> -> vector<16xf32>
        %mul3A_269 = arith.mulf %get3A_207, %bitcast_convert_type3A_237 : vector<16xf32>
        %mul3A_270 = arith.mulf %get3A_211, %bitcast_convert_type3A_240 : vector<16xf32>
        %add3A_271 = arith.addf %mul3A_269, %mul3A_270 : vector<16xf32>
        %mul3A_272 = arith.mulf %get3A_215, %bitcast_convert_type3A_244 : vector<16xf32>
        %add3A_273 = arith.addf %add3A_271, %mul3A_272 : vector<16xf32>
        %add3A_274 = arith.constant 0 : i32
        %add3A_275 = arith.addi %add3A_274, %mul3A_204 : i32
        %swap3A = arith.index_cast %add3A_275 : i32 to index
        %swap3A_276 = tpu.vector_load %arg18[%swap3A] {strides = array<i32>} : memref<6144xf32, #tpu.memory_space<vmem>>, vector<16xf32>,
        tpu.vector_store %arg18[%swap3A], %add3A_273 {strides = array<i32>} : memref<6144xf32, #tpu.memory_space<vmem>>, vector<16xf32>,
        %mul3A_277 = arith.mulf %get3A_207, %bitcast_convert_type3A_248 : vector<16xf32>
        %mul3A_278 = arith.mulf %get3A_211, %bitcast_convert_type3A_252 : vector<16xf32>
        %add3A_279 = arith.addf %mul3A_277, %mul3A_278 : vector<16xf32>
        %mul3A_280 = arith.mulf %get3A_215, %bitcast_convert_type3A_256 : vector<16xf32>
        %add3A_281 = arith.addf %add3A_279, %mul3A_280 : vector<16xf32>
        %add3A_282 = arith.constant 2048 : i32
        %add3A_283 = arith.addi %add3A_282, %mul3A_204 : i32
        %swap3A_284 = arith.index_cast %add3A_283 : i32 to index
        %swap3A_285 = tpu.vector_load %arg18[%swap3A_284] {strides = array<i32>} : memref<6144xf32, #tpu.memory_space<vmem>>, vector<16xf32>,
        tpu.vector_store %arg18[%swap3A_284], %add3A_281 {strides = array<i32>} : memref<6144xf32, #tpu.memory_space<vmem>>, vector<16xf32>,
        %mul3A_286 = arith.mulf %get3A_207, %bitcast_convert_type3A_260 : vector<16xf32>
        %mul3A_287 = arith.mulf %get3A_211, %bitcast_convert_type3A_264 : vector<16xf32>
        %add3A_288 = arith.addf %mul3A_286, %mul3A_287 : vector<16xf32>
        %mul3A_289 = arith.mulf %get3A_215, %bitcast_convert_type3A_268 : vector<16xf32>
        %add3A_290 = arith.addf %add3A_288, %mul3A_289 : vector<16xf32>
        %add3A_291 = arith.constant 4096 : i32
        %add3A_292 = arith.addi %add3A_291, %mul3A_204 : i32
        %swap3A_293 = arith.index_cast %add3A_292 : i32 to index
        %swap3A_294 = tpu.vector_load %arg18[%swap3A_293] {strides = array<i32>} : memref<6144xf32, #tpu.memory_space<vmem>>, vector<16xf32>,
        tpu.vector_store %arg18[%swap3A_293], %add3A_290 {strides = array<i32>} : memref<6144xf32, #tpu.memory_space<vmem>>, vector<16xf32>,
        %scan3A_295 = arith.constant 1 : i32
        %scan3A_296 = arith.addi %scan3A_202, %scan3A_295 : i32
        %mul3A_297 = arith.constant 16 : i32
        %mul3A_298 = arith.muli %scan3A_296, %mul3A_297 : i32
        %add3A_299 = arith.constant 0 : i32
        %add3A_300 = arith.addi %add3A_299, %mul3A_298 : i32
        %get3A_301 = arith.index_cast %add3A_300 : i32 to index
        %get3A_302 = tpu.vector_load %arg12[%get3A_301] {strides = array<i32>} : memref<6144xf32, #tpu.memory_space<vmem>>, vector<16xf32>,
        %add3A_303 = arith.constant 2048 : i32
        %add3A_304 = arith.addi %add3A_303, %mul3A_298 : i32
        %get3A_305 = arith.index_cast %add3A_304 : i32 to index
        %get3A_306 = tpu.vector_load %arg12[%get3A_305] {strides = array<i32>} : memref<6144xf32, #tpu.memory_space<vmem>>, vector<16xf32>,
        %add3A_307 = arith.constant 4096 : i32
        %add3A_308 = arith.addi %add3A_307, %mul3A_298 : i32
        %get3A_309 = arith.index_cast %add3A_308 : i32 to index
        %get3A_310 = tpu.vector_load %arg12[%get3A_309] {strides = array<i32>} : memref<6144xf32, #tpu.memory_space<vmem>>, vector<16xf32>,
        %add3A_311 = vector.broadcast %mul3A_298 : i32 to vector<16xi32>
        %add3A_312 = arith.addi %iota3A, %add3A_311 : vector<16xi32>
        %broadcast_in_dim3A_313 = arith.constant 0 : i32
        %broadcast_in_dim3A_314 = vector.broadcast %broadcast_in_dim3A_313 : i32 to vector<16xi32>
        %gather3A_315 = tpu.vector_load_idx %arg10[%add3A_312, %broadcast_in_dim3A_314] : memref<2048x8xf32, #tpu.memory_space<vmem>>[vector<16xi32>, vector<16xi32>], vector<16xf32>,
        %bitcast_convert_type3A_316 = tpu.bitcast %gather3A_315 : vector<16xf32> -> vector<16xi32>
        %broadcast_in_dim3A_317 = arith.constant 1 : i32
        %broadcast_in_dim3A_318 = vector.broadcast %broadcast_in_dim3A_317 : i32 to vector<16xi32>
        %gather3A_319 = tpu.vector_load_idx %arg10[%add3A_312, %broadcast_in_dim3A_318] : memref<2048x8xf32, #tpu.memory_space<vmem>>[vector<16xi32>, vector<16xi32>], vector<16xf32>,
        %bitcast_convert_type3A_320 = tpu.bitcast %gather3A_319 : vector<16xf32> -> vector<16xi32>
        %broadcast_in_dim3A_321 = arith.constant 2 : i32
        %broadcast_in_dim3A_322 = vector.broadcast %broadcast_in_dim3A_321 : i32 to vector<16xi32>
        %gather3A_323 = tpu.vector_load_idx %arg10[%add3A_312, %broadcast_in_dim3A_322] : memref<2048x8xf32, #tpu.memory_space<vmem>>[vector<16xi32>, vector<16xi32>], vector<16xf32>,
        %bitcast_convert_type3A_324 = tpu.bitcast %gather3A_323 : vector<16xf32> -> vector<16xi32>
        %broadcast_in_dim3A_325 = arith.constant 3 : i32
        %broadcast_in_dim3A_326 = vector.broadcast %broadcast_in_dim3A_325 : i32 to vector<16xi32>
        %gather3A_327 = tpu.vector_load_idx %arg10[%add3A_312, %broadcast_in_dim3A_326] : memref<2048x8xf32, #tpu.memory_space<vmem>>[vector<16xi32>, vector<16xi32>], vector<16xf32>,
        %bitcast_convert_type3A_328 = tpu.bitcast %gather3A_327 : vector<16xf32> -> vector<16xi32>
        %broadcast_in_dim3A_329 = arith.constant 4 : i32
        %broadcast_in_dim3A_330 = vector.broadcast %broadcast_in_dim3A_329 : i32 to vector<16xi32>
        %gather3A_331 = tpu.vector_load_idx %arg10[%add3A_312, %broadcast_in_dim3A_330] : memref<2048x8xf32, #tpu.memory_space<vmem>>[vector<16xi32>, vector<16xi32>], vector<16xf32>,
        %bitcast_convert_type3A_332 = tpu.bitcast %gather3A_331 : vector<16xf32> -> vector<16xi32>
        %and3A_333 = arith.constant -65536 : i32
        %and3A_334 = vector.broadcast %and3A_333 : i32 to vector<16xi32>
        %and3A_335 = arith.andi %bitcast_convert_type3A_316, %and3A_334 : vector<16xi32>
        %bitcast_convert_type3A_336 = tpu.bitcast %and3A_335 : vector<16xi32> -> vector<16xf32>
        %shift_left3A_337 = arith.constant 16 : i32
        %shift_left3A_338 = vector.broadcast %shift_left3A_337 : i32 to vector<16xi32>
        %shift_left3A_339 = arith.shli %bitcast_convert_type3A_320, %shift_left3A_338 : vector<16xi32>
        %bitcast_convert_type3A_340 = tpu.bitcast %shift_left3A_339 : vector<16xi32> -> vector<16xf32>
        %and3A_341 = arith.constant -65536 : i32
        %and3A_342 = vector.broadcast %and3A_341 : i32 to vector<16xi32>
        %and3A_343 = arith.andi %bitcast_convert_type3A_328, %and3A_342 : vector<16xi32>
        %bitcast_convert_type3A_344 = tpu.bitcast %and3A_343 : vector<16xi32> -> vector<16xf32>
        %shift_left3A_345 = arith.constant 16 : i32
        %shift_left3A_346 = vector.broadcast %shift_left3A_345 : i32 to vector<16xi32>
        %shift_left3A_347 = arith.shli %bitcast_convert_type3A_316, %shift_left3A_346 : vector<16xi32>
        %bitcast_convert_type3A_348 = tpu.bitcast %shift_left3A_347 : vector<16xi32> -> vector<16xf32>
        %and3A_349 = arith.constant -65536 : i32
        %and3A_350 = vector.broadcast %and3A_349 : i32 to vector<16xi32>
        %and3A_351 = arith.andi %bitcast_convert_type3A_324, %and3A_350 : vector<16xi32>
        %bitcast_convert_type3A_352 = tpu.bitcast %and3A_351 : vector<16xi32> -> vector<16xf32>
        %shift_left3A_353 = arith.constant 16 : i32
        %shift_left3A_354 = vector.broadcast %shift_left3A_353 : i32 to vector<16xi32>
        %shift_left3A_355 = arith.shli %bitcast_convert_type3A_328, %shift_left3A_354 : vector<16xi32>
        %bitcast_convert_type3A_356 = tpu.bitcast %shift_left3A_355 : vector<16xi32> -> vector<16xf32>
        %and3A_357 = arith.constant -65536 : i32
        %and3A_358 = vector.broadcast %and3A_357 : i32 to vector<16xi32>
        %and3A_359 = arith.andi %bitcast_convert_type3A_320, %and3A_358 : vector<16xi32>
        %bitcast_convert_type3A_360 = tpu.bitcast %and3A_359 : vector<16xi32> -> vector<16xf32>
        %shift_left3A_361 = arith.constant 16 : i32
        %shift_left3A_362 = vector.broadcast %shift_left3A_361 : i32 to vector<16xi32>
        %shift_left3A_363 = arith.shli %bitcast_convert_type3A_324, %shift_left3A_362 : vector<16xi32>
        %bitcast_convert_type3A_364 = tpu.bitcast %shift_left3A_363 : vector<16xi32> -> vector<16xf32>
        %and3A_365 = arith.constant -65536 : i32
        %and3A_366 = vector.broadcast %and3A_365 : i32 to vector<16xi32>
        %and3A_367 = arith.andi %bitcast_convert_type3A_332, %and3A_366 : vector<16xi32>
        %bitcast_convert_type3A_368 = tpu.bitcast %and3A_367 : vector<16xi32> -> vector<16xf32>
        %mul3A_369 = arith.mulf %get3A_302, %bitcast_convert_type3A_336 : vector<16xf32>
        %mul3A_370 = arith.mulf %get3A_306, %bitcast_convert_type3A_340 : vector<16xf32>
        %add3A_371 = arith.addf %mul3A_369, %mul3A_370 : vector<16xf32>
        %mul3A_372 = arith.mulf %get3A_310, %bitcast_convert_type3A_344 : vector<16xf32>
        %add3A_373 = arith.addf %add3A_371, %mul3A_372 : vector<16xf32>
        %add3A_374 = arith.constant 0 : i32
        %add3A_375 = arith.addi %add3A_374, %mul3A_298 : i32
        %swap3A_376 = arith.index_cast %add3A_375 : i32 to index
        %swap3A_377 = tpu.vector_load %arg18[%swap3A_376] {strides = array<i32>} : memref<6144xf32, #tpu.memory_space<vmem>>, vector<16xf32>,
        tpu.vector_store %arg18[%swap3A_376], %add3A_373 {strides = array<i32>} : memref<6144xf32, #tpu.memory_space<vmem>>, vector<16xf32>,
        %mul3A_378 = arith.mulf %get3A_302, %bitcast_convert_type3A_348 : vector<16xf32>
        %mul3A_379 = arith.mulf %get3A_306, %bitcast_convert_type3A_352 : vector<16xf32>
        %add3A_380 = arith.addf %mul3A_378, %mul3A_379 : vector<16xf32>
        %mul3A_381 = arith.mulf %get3A_310, %bitcast_convert_type3A_356 : vector<16xf32>
        %add3A_382 = arith.addf %add3A_380, %mul3A_381 : vector<16xf32>
        %add3A_383 = arith.constant 2048 : i32
        %add3A_384 = arith.addi %add3A_383, %mul3A_298 : i32
        %swap3A_385 = arith.index_cast %add3A_384 : i32 to index
        %swap3A_386 = tpu.vector_load %arg18[%swap3A_385] {strides = array<i32>} : memref<6144xf32, #tpu.memory_space<vmem>>, vector<16xf32>,
        tpu.vector_store %arg18[%swap3A_385], %add3A_382 {strides = array<i32>} : memref<6144xf32, #tpu.memory_space<vmem>>, vector<16xf32>,
        %mul3A_387 = arith.mulf %get3A_302, %bitcast_convert_type3A_360 : vector<16xf32>
        %mul3A_388 = arith.mulf %get3A_306, %bitcast_convert_type3A_364 : vector<16xf32>
        %add3A_389 = arith.addf %mul3A_387, %mul3A_388 : vector<16xf32>
        %mul3A_390 = arith.mulf %get3A_310, %bitcast_convert_type3A_368 : vector<16xf32>
        %add3A_391 = arith.addf %add3A_389, %mul3A_390 : vector<16xf32>
        %add3A_392 = arith.constant 4096 : i32
        %add3A_393 = arith.addi %add3A_392, %mul3A_298 : i32
        %swap3A_394 = arith.index_cast %add3A_393 : i32 to index
        %swap3A_395 = tpu.vector_load %arg18[%swap3A_394] {strides = array<i32>} : memref<6144xf32, #tpu.memory_space<vmem>>, vector<16xf32>,
        tpu.vector_store %arg18[%swap3A_394], %add3A_391 {strides = array<i32>} : memref<6144xf32, #tpu.memory_space<vmem>>, vector<16xf32>,
      }
      %scan3A_113 = arith.constant 128 : i32
      %scan3A_114 = arith.constant 0 : i32
      %scan3A_115 = arith.constant 0 : i32
      %scan3A_116 = arith.constant 32 : i32
      %scan3A_117 = arith.addi %scan3A_115, %scan3A_116 : i32
      %scan3A_118 = arith.constant 1 : i32
      scf.for %scan3A_202 = %scan3A_115 to %scan3A_117 step %scan3A_118  : i32 {
        %shift_right_arithmetic3A = arith.constant 3 : i32
        %shift_right_arithmetic3A_203 = arith.shrsi %scan3A_202, %shift_right_arithmetic3A : i32
        %mul3A_204 = arith.constant 512 : i32
        %mul3A_205 = arith.muli %shift_right_arithmetic3A_203, %mul3A_204 : i32
        %and3A = arith.constant 7 : i32
        %and3A_206 = arith.andi %scan3A_202, %and3A : i32
        %mul3A_207 = arith.constant 16 : i32
        %mul3A_208 = arith.muli %and3A_206, %mul3A_207 : i32
        %add3A_209 = arith.addi %mul3A_205, %mul3A_208 : i32
        %add3A_210 = arith.constant 0 : i32
        %add3A_211 = arith.addi %add3A_209, %add3A_210 : i32
        %get3A = arith.index_cast %add3A_211 : i32 to index
        %get3A_212 = tpu.vector_load %arg16[%get3A] {strides = array<i32>} : memref<2048xf32, #tpu.memory_space<vmem>>, vector<16xf32>,
        %div3A = arith.constant 9.99999974E-5 : f32
        %div3A_213 = vector.broadcast %div3A : f32 to vector<16xf32>
        %div3A_214 = arith.divf %get3A_212, %div3A_213 : vector<16xf32>
        %neg3A = arith.constant 0.000000e+00 : f32
        %neg3A_215 = vector.broadcast %neg3A : f32 to vector<16xf32>
        %neg3A_216 = arith.subf %neg3A_215, %div3A_214 : vector<16xf32>
        %abs3A = math.absf %neg3A_216 : vector<16xf32>
        %neg3A_217 = arith.constant 0.000000e+00 : f32
        %neg3A_218 = vector.broadcast %neg3A_217 : f32 to vector<16xf32>
        %neg3A_219 = arith.subf %neg3A_218, %abs3A : vector<16xf32>
        %exp3A = math.exp %neg3A_219 : vector<16xf32>
        %ge3A_220 = arith.constant 0.000000e+00 : f32
        %ge3A_221 = vector.broadcast %ge3A_220 : f32 to vector<16xf32>
        %ge3A_222 = arith.cmpf oge, %neg3A_216, %ge3A_221 : vector<16xf32>
        %broadcast_in_dim3A = arith.constant 1.000000e+00 : f32
        %broadcast_in_dim3A_223 = vector.broadcast %broadcast_in_dim3A : f32 to vector<16xf32>
        %select_n3A = arith.select %ge3A_222, %broadcast_in_dim3A_223, %exp3A : vector<16xi1>, vector<16xf32>
        %add3A_224 = arith.constant 1.000000e+00 : f32
        %add3A_225 = vector.broadcast %add3A_224 : f32 to vector<16xf32>
        %add3A_226 = arith.addf %add3A_225, %exp3A : vector<16xf32>
        %div3A_227 = arith.divf %select_n3A, %add3A_226 : vector<16xf32>
        %add3A_228 = arith.constant 0 : i32
        %add3A_229 = arith.addi %add3A_209, %add3A_228 : i32
        %get3A_230 = arith.index_cast %add3A_229 : i32 to index
        %get3A_231 = tpu.vector_load %arg14[%get3A_230] {strides = array<i32>} : memref<2048xf32, #tpu.memory_space<vmem>>, vector<16xf32>,
        %sub3A = arith.constant 1.000000e+02 : f32
        %sub3A_232 = vector.broadcast %sub3A : f32 to vector<16xf32>
        %sub3A_233 = arith.subf %sub3A_232, %get3A_231 : vector<16xf32>
        %div3A_234 = arith.constant 9.900000e+01 : f32
        %div3A_235 = vector.broadcast %div3A_234 : f32 to vector<16xf32>
        %div3A_236 = arith.divf %sub3A_233, %div3A_235 : vector<16xf32>
        %add3A_237 = arith.constant 128 : i32
        %add3A_238 = arith.addi %add3A_209, %add3A_237 : i32
        %get3A_239 = arith.index_cast %add3A_238 : i32 to index
        %get3A_240 = tpu.vector_load %arg16[%get3A_239] {strides = array<i32>} : memref<2048xf32, #tpu.memory_space<vmem>>, vector<16xf32>,
        %div3A_241 = arith.constant 9.99999974E-5 : f32
        %div3A_242 = vector.broadcast %div3A_241 : f32 to vector<16xf32>
        %div3A_243 = arith.divf %get3A_240, %div3A_242 : vector<16xf32>
        %neg3A_244 = arith.constant 0.000000e+00 : f32
        %neg3A_245 = vector.broadcast %neg3A_244 : f32 to vector<16xf32>
        %neg3A_246 = arith.subf %neg3A_245, %div3A_243 : vector<16xf32>
        %abs3A_247 = math.absf %neg3A_246 : vector<16xf32>
        %neg3A_248 = arith.constant 0.000000e+00 : f32
        %neg3A_249 = vector.broadcast %neg3A_248 : f32 to vector<16xf32>
        %neg3A_250 = arith.subf %neg3A_249, %abs3A_247 : vector<16xf32>
        %exp3A_251 = math.exp %neg3A_250 : vector<16xf32>
        %ge3A_252 = arith.constant 0.000000e+00 : f32
        %ge3A_253 = vector.broadcast %ge3A_252 : f32 to vector<16xf32>
        %ge3A_254 = arith.cmpf oge, %neg3A_246, %ge3A_253 : vector<16xf32>
        %broadcast_in_dim3A_255 = arith.constant 1.000000e+00 : f32
        %broadcast_in_dim3A_256 = vector.broadcast %broadcast_in_dim3A_255 : f32 to vector<16xf32>
        %select_n3A_257 = arith.select %ge3A_254, %broadcast_in_dim3A_256, %exp3A_251 : vector<16xi1>, vector<16xf32>
        %add3A_258 = arith.constant 1.000000e+00 : f32
        %add3A_259 = vector.broadcast %add3A_258 : f32 to vector<16xf32>
        %add3A_260 = arith.addf %add3A_259, %exp3A_251 : vector<16xf32>
        %div3A_261 = arith.divf %select_n3A_257, %add3A_260 : vector<16xf32>
        %add3A_262 = arith.constant 128 : i32
        %add3A_263 = arith.addi %add3A_209, %add3A_262 : i32
        %get3A_264 = arith.index_cast %add3A_263 : i32 to index
        %get3A_265 = tpu.vector_load %arg14[%get3A_264] {strides = array<i32>} : memref<2048xf32, #tpu.memory_space<vmem>>, vector<16xf32>,
        %sub3A_266 = arith.constant 1.000000e+02 : f32
        %sub3A_267 = vector.broadcast %sub3A_266 : f32 to vector<16xf32>
        %sub3A_268 = arith.subf %sub3A_267, %get3A_265 : vector<16xf32>
        %div3A_269 = arith.constant 9.900000e+01 : f32
        %div3A_270 = vector.broadcast %div3A_269 : f32 to vector<16xf32>
        %div3A_271 = arith.divf %sub3A_268, %div3A_270 : vector<16xf32>
        %add3A_272 = arith.constant 256 : i32
        %add3A_273 = arith.addi %add3A_209, %add3A_272 : i32
        %get3A_274 = arith.index_cast %add3A_273 : i32 to index
        %get3A_275 = tpu.vector_load %arg16[%get3A_274] {strides = array<i32>} : memref<2048xf32, #tpu.memory_space<vmem>>, vector<16xf32>,
        %div3A_276 = arith.constant 9.99999974E-5 : f32
        %div3A_277 = vector.broadcast %div3A_276 : f32 to vector<16xf32>
        %div3A_278 = arith.divf %get3A_275, %div3A_277 : vector<16xf32>
        %neg3A_279 = arith.constant 0.000000e+00 : f32
        %neg3A_280 = vector.broadcast %neg3A_279 : f32 to vector<16xf32>
        %neg3A_281 = arith.subf %neg3A_280, %div3A_278 : vector<16xf32>
        %abs3A_282 = math.absf %neg3A_281 : vector<16xf32>
        %neg3A_283 = arith.constant 0.000000e+00 : f32
        %neg3A_284 = vector.broadcast %neg3A_283 : f32 to vector<16xf32>
        %neg3A_285 = arith.subf %neg3A_284, %abs3A_282 : vector<16xf32>
        %exp3A_286 = math.exp %neg3A_285 : vector<16xf32>
        %ge3A_287 = arith.constant 0.000000e+00 : f32
        %ge3A_288 = vector.broadcast %ge3A_287 : f32 to vector<16xf32>
        %ge3A_289 = arith.cmpf oge, %neg3A_281, %ge3A_288 : vector<16xf32>
        %broadcast_in_dim3A_290 = arith.constant 1.000000e+00 : f32
        %broadcast_in_dim3A_291 = vector.broadcast %broadcast_in_dim3A_290 : f32 to vector<16xf32>
        %select_n3A_292 = arith.select %ge3A_289, %broadcast_in_dim3A_291, %exp3A_286 : vector<16xi1>, vector<16xf32>
        %add3A_293 = arith.constant 1.000000e+00 : f32
        %add3A_294 = vector.broadcast %add3A_293 : f32 to vector<16xf32>
        %add3A_295 = arith.addf %add3A_294, %exp3A_286 : vector<16xf32>
        %div3A_296 = arith.divf %select_n3A_292, %add3A_295 : vector<16xf32>
        %add3A_297 = arith.constant 256 : i32
        %add3A_298 = arith.addi %add3A_209, %add3A_297 : i32
        %get3A_299 = arith.index_cast %add3A_298 : i32 to index
        %get3A_300 = tpu.vector_load %arg14[%get3A_299] {strides = array<i32>} : memref<2048xf32, #tpu.memory_space<vmem>>, vector<16xf32>,
        %sub3A_301 = arith.constant 1.000000e+02 : f32
        %sub3A_302 = vector.broadcast %sub3A_301 : f32 to vector<16xf32>
        %sub3A_303 = arith.subf %sub3A_302, %get3A_300 : vector<16xf32>
        %div3A_304 = arith.constant 9.900000e+01 : f32
        %div3A_305 = vector.broadcast %div3A_304 : f32 to vector<16xf32>
        %div3A_306 = arith.divf %sub3A_303, %div3A_305 : vector<16xf32>
        %add3A_307 = arith.constant 384 : i32
        %add3A_308 = arith.addi %add3A_209, %add3A_307 : i32
        %get3A_309 = arith.index_cast %add3A_308 : i32 to index
        %get3A_310 = tpu.vector_load %arg16[%get3A_309] {strides = array<i32>} : memref<2048xf32, #tpu.memory_space<vmem>>, vector<16xf32>,
        %div3A_311 = arith.constant 9.99999974E-5 : f32
        %div3A_312 = vector.broadcast %div3A_311 : f32 to vector<16xf32>
        %div3A_313 = arith.divf %get3A_310, %div3A_312 : vector<16xf32>
        %neg3A_314 = arith.constant 0.000000e+00 : f32
        %neg3A_315 = vector.broadcast %neg3A_314 : f32 to vector<16xf32>
        %neg3A_316 = arith.subf %neg3A_315, %div3A_313 : vector<16xf32>
        %abs3A_317 = math.absf %neg3A_316 : vector<16xf32>
        %neg3A_318 = arith.constant 0.000000e+00 : f32
        %neg3A_319 = vector.broadcast %neg3A_318 : f32 to vector<16xf32>
        %neg3A_320 = arith.subf %neg3A_319, %abs3A_317 : vector<16xf32>
        %exp3A_321 = math.exp %neg3A_320 : vector<16xf32>
        %ge3A_322 = arith.constant 0.000000e+00 : f32
        %ge3A_323 = vector.broadcast %ge3A_322 : f32 to vector<16xf32>
        %ge3A_324 = arith.cmpf oge, %neg3A_316, %ge3A_323 : vector<16xf32>
        %broadcast_in_dim3A_325 = arith.constant 1.000000e+00 : f32
        %broadcast_in_dim3A_326 = vector.broadcast %broadcast_in_dim3A_325 : f32 to vector<16xf32>
        %select_n3A_327 = arith.select %ge3A_324, %broadcast_in_dim3A_326, %exp3A_321 : vector<16xi1>, vector<16xf32>
        %add3A_328 = arith.constant 1.000000e+00 : f32
        %add3A_329 = vector.broadcast %add3A_328 : f32 to vector<16xf32>
        %add3A_330 = arith.addf %add3A_329, %exp3A_321 : vector<16xf32>
        %div3A_331 = arith.divf %select_n3A_327, %add3A_330 : vector<16xf32>
        %add3A_332 = arith.constant 384 : i32
        %add3A_333 = arith.addi %add3A_209, %add3A_332 : i32
        %get3A_334 = arith.index_cast %add3A_333 : i32 to index
        %get3A_335 = tpu.vector_load %arg14[%get3A_334] {strides = array<i32>} : memref<2048xf32, #tpu.memory_space<vmem>>, vector<16xf32>,
        %sub3A_336 = arith.constant 1.000000e+02 : f32
        %sub3A_337 = vector.broadcast %sub3A_336 : f32 to vector<16xf32>
        %sub3A_338 = arith.subf %sub3A_337, %get3A_335 : vector<16xf32>
        %div3A_339 = arith.constant 9.900000e+01 : f32
        %div3A_340 = vector.broadcast %div3A_339 : f32 to vector<16xf32>
        %div3A_341 = arith.divf %sub3A_338, %div3A_340 : vector<16xf32>
        %sub3A_342 = arith.constant 1.000000e+00 : f32
        %sub3A_343 = vector.broadcast %sub3A_342 : f32 to vector<16xf32>
        %sub3A_344 = arith.subf %sub3A_343, %div3A_227 : vector<16xf32>
        %sub3A_345 = arith.constant 1.000000e+00 : f32
        %sub3A_346 = vector.broadcast %sub3A_345 : f32 to vector<16xf32>
        %sub3A_347 = arith.subf %sub3A_346, %div3A_261 : vector<16xf32>
        %mul3A_348 = arith.mulf %sub3A_344, %sub3A_347 : vector<16xf32>
        %sub3A_349 = arith.constant 1.000000e+00 : f32
        %sub3A_350 = vector.broadcast %sub3A_349 : f32 to vector<16xf32>
        %sub3A_351 = arith.subf %sub3A_350, %div3A_296 : vector<16xf32>
        %mul3A_352 = arith.mulf %mul3A_348, %sub3A_351 : vector<16xf32>
        %sub3A_353 = arith.constant 1.000000e+00 : f32
        %sub3A_354 = vector.broadcast %sub3A_353 : f32 to vector<16xf32>
        %sub3A_355 = arith.subf %sub3A_354, %div3A_331 : vector<16xf32>
        %mul3A_356 = arith.mulf %mul3A_352, %sub3A_355 : vector<16xf32>
        %sub3A_357 = arith.constant 1.000000e+00 : f32
        %sub3A_358 = vector.broadcast %sub3A_357 : f32 to vector<16xf32>
        %sub3A_359 = arith.subf %sub3A_358, %mul3A_356 : vector<16xf32>
        %max3A = arith.maximumf %div3A_236, %div3A_271 : vector<16xf32>
        %max3A_360 = arith.maximumf %div3A_306, %div3A_341 : vector<16xf32>
        %max3A_361 = arith.maximumf %max3A, %max3A_360 : vector<16xf32>
        %max3A_362 = arith.constant 1.000000e-10 : f32
        %max3A_363 = vector.broadcast %max3A_362 : f32 to vector<16xf32>
        %max3A_364 = arith.maximumf %max3A_361, %max3A_363 : vector<16xf32>
        %sub3A_365 = arith.subf %div3A_236, %max3A_364 : vector<16xf32>
        %div3A_366 = arith.constant 9.99999974E-5 : f32
        %div3A_367 = vector.broadcast %div3A_366 : f32 to vector<16xf32>
        %div3A_368 = arith.divf %sub3A_365, %div3A_367 : vector<16xf32>
        %exp3A_369 = math.exp %div3A_368 : vector<16xf32>
        %mul3A_370 = arith.mulf %div3A_227, %exp3A_369 : vector<16xf32>
        %sub3A_371 = arith.subf %div3A_271, %max3A_364 : vector<16xf32>
        %div3A_372 = arith.constant 9.99999974E-5 : f32
        %div3A_373 = vector.broadcast %div3A_372 : f32 to vector<16xf32>
        %div3A_374 = arith.divf %sub3A_371, %div3A_373 : vector<16xf32>
        %exp3A_375 = math.exp %div3A_374 : vector<16xf32>
        %mul3A_376 = arith.mulf %div3A_261, %exp3A_375 : vector<16xf32>
        %sub3A_377 = arith.subf %div3A_306, %max3A_364 : vector<16xf32>
        %div3A_378 = arith.constant 9.99999974E-5 : f32
        %div3A_379 = vector.broadcast %div3A_378 : f32 to vector<16xf32>
        %div3A_380 = arith.divf %sub3A_377, %div3A_379 : vector<16xf32>
        %exp3A_381 = math.exp %div3A_380 : vector<16xf32>
        %mul3A_382 = arith.mulf %div3A_296, %exp3A_381 : vector<16xf32>
        %sub3A_383 = arith.subf %div3A_341, %max3A_364 : vector<16xf32>
        %div3A_384 = arith.constant 9.99999974E-5 : f32
        %div3A_385 = vector.broadcast %div3A_384 : f32 to vector<16xf32>
        %div3A_386 = arith.divf %sub3A_383, %div3A_385 : vector<16xf32>
        %exp3A_387 = math.exp %div3A_386 : vector<16xf32>
        %mul3A_388 = arith.mulf %div3A_331, %exp3A_387 : vector<16xf32>
        %sub3A_389 = arith.constant 1.000000e-10 : f32
        %sub3A_390 = vector.broadcast %sub3A_389 : f32 to vector<16xf32>
        %sub3A_391 = arith.subf %sub3A_390, %max3A_364 : vector<16xf32>
        %div3A_392 = arith.constant 9.99999974E-5 : f32
        %div3A_393 = vector.broadcast %div3A_392 : f32 to vector<16xf32>
        %div3A_394 = arith.divf %sub3A_391, %div3A_393 : vector<16xf32>
        %exp3A_395 = math.exp %div3A_394 : vector<16xf32>
        %add3A_396 = arith.addf %mul3A_370, %mul3A_376 : vector<16xf32>
        %add3A_397 = arith.addf %add3A_396, %mul3A_382 : vector<16xf32>
        %add3A_398 = arith.addf %add3A_397, %mul3A_388 : vector<16xf32>
        %add3A_399 = arith.addf %add3A_398, %exp3A_395 : vector<16xf32>
        %div3A_400 = arith.constant 1.000000e+00 : f32
        %div3A_401 = vector.broadcast %div3A_400 : f32 to vector<16xf32>
        %div3A_402 = arith.divf %div3A_401, %add3A_399 : vector<16xf32>
        %mul3A_403 = arith.mulf %mul3A_370, %div3A_402 : vector<16xf32>
        %mul3A_404 = arith.mulf %mul3A_376, %div3A_402 : vector<16xf32>
        %mul3A_405 = arith.mulf %mul3A_382, %div3A_402 : vector<16xf32>
        %mul3A_406 = arith.mulf %mul3A_388, %div3A_402 : vector<16xf32>
        %mul3A_407 = arith.mulf %exp3A_395, %div3A_402 : vector<16xf32>
        %add3A_408 = arith.constant 0 : i32
        %add3A_409 = arith.addi %add3A_408, %add3A_209 : i32
        %add3A_410 = arith.constant 0 : i32
        %add3A_411 = arith.addi %add3A_409, %add3A_410 : i32
        %get3A_412 = arith.index_cast %add3A_411 : i32 to index
        %get3A_413 = tpu.vector_load %arg18[%get3A_412] {strides = array<i32>} : memref<6144xf32, #tpu.memory_space<vmem>>, vector<16xf32>,
        %mul3A_414 = arith.mulf %mul3A_403, %get3A_413 : vector<16xf32>
        %add3A_415 = arith.addf %mul3A_407, %mul3A_414 : vector<16xf32>
        %add3A_416 = arith.constant 0 : i32
        %add3A_417 = arith.addi %add3A_416, %add3A_209 : i32
        %add3A_418 = arith.constant 128 : i32
        %add3A_419 = arith.addi %add3A_417, %add3A_418 : i32
        %get3A_420 = arith.index_cast %add3A_419 : i32 to index
        %get3A_421 = tpu.vector_load %arg18[%get3A_420] {strides = array<i32>} : memref<6144xf32, #tpu.memory_space<vmem>>, vector<16xf32>,
        %mul3A_422 = arith.mulf %mul3A_404, %get3A_421 : vector<16xf32>
        %add3A_423 = arith.addf %add3A_415, %mul3A_422 : vector<16xf32>
        %add3A_424 = arith.constant 0 : i32
        %add3A_425 = arith.addi %add3A_424, %add3A_209 : i32
        %add3A_426 = arith.constant 256 : i32
        %add3A_427 = arith.addi %add3A_425, %add3A_426 : i32
        %get3A_428 = arith.index_cast %add3A_427 : i32 to index
        %get3A_429 = tpu.vector_load %arg18[%get3A_428] {strides = array<i32>} : memref<6144xf32, #tpu.memory_space<vmem>>, vector<16xf32>,
        %mul3A_430 = arith.mulf %mul3A_405, %get3A_429 : vector<16xf32>
        %add3A_431 = arith.addf %add3A_423, %mul3A_430 : vector<16xf32>
        %add3A_432 = arith.constant 0 : i32
        %add3A_433 = arith.addi %add3A_432, %add3A_209 : i32
        %add3A_434 = arith.constant 384 : i32
        %add3A_435 = arith.addi %add3A_433, %add3A_434 : i32
        %get3A_436 = arith.index_cast %add3A_435 : i32 to index
        %get3A_437 = tpu.vector_load %arg18[%get3A_436] {strides = array<i32>} : memref<6144xf32, #tpu.memory_space<vmem>>, vector<16xf32>,
        %mul3A_438 = arith.mulf %mul3A_406, %get3A_437 : vector<16xf32>
        %add3A_439 = arith.addf %add3A_431, %mul3A_438 : vector<16xf32>
        %add3A_440 = arith.constant 0 : i32
        %add3A_441 = arith.addi %add3A_209, %add3A_440 : i32
        %swap3A = arith.index_cast %add3A_441 : i32 to index
        %swap3A_442 = tpu.vector_load %arg19[%swap3A] {strides = array<i32>} : memref<2048xf32, #tpu.memory_space<vmem>>, vector<16xf32>,
        tpu.vector_store %arg19[%swap3A], %add3A_439 {strides = array<i32>} : memref<2048xf32, #tpu.memory_space<vmem>>, vector<16xf32>,
        %mul3A_443 = arith.mulf %exp3A_395, %div3A_402 : vector<16xf32>
        %add3A_444 = arith.constant 2048 : i32
        %add3A_445 = arith.addi %add3A_444, %add3A_209 : i32
        %add3A_446 = arith.constant 0 : i32
        %add3A_447 = arith.addi %add3A_445, %add3A_446 : i32
        %get3A_448 = arith.index_cast %add3A_447 : i32 to index
        %get3A_449 = tpu.vector_load %arg18[%get3A_448] {strides = array<i32>} : memref<6144xf32, #tpu.memory_space<vmem>>, vector<16xf32>,
        %mul3A_450 = arith.mulf %mul3A_403, %get3A_449 : vector<16xf32>
        %add3A_451 = arith.addf %mul3A_443, %mul3A_450 : vector<16xf32>
        %add3A_452 = arith.constant 2048 : i32
        %add3A_453 = arith.addi %add3A_452, %add3A_209 : i32
        %add3A_454 = arith.constant 128 : i32
        %add3A_455 = arith.addi %add3A_453, %add3A_454 : i32
        %get3A_456 = arith.index_cast %add3A_455 : i32 to index
        %get3A_457 = tpu.vector_load %arg18[%get3A_456] {strides = array<i32>} : memref<6144xf32, #tpu.memory_space<vmem>>, vector<16xf32>,
        %mul3A_458 = arith.mulf %mul3A_404, %get3A_457 : vector<16xf32>
        %add3A_459 = arith.addf %add3A_451, %mul3A_458 : vector<16xf32>
        %add3A_460 = arith.constant 2048 : i32
        %add3A_461 = arith.addi %add3A_460, %add3A_209 : i32
        %add3A_462 = arith.constant 256 : i32
        %add3A_463 = arith.addi %add3A_461, %add3A_462 : i32
        %get3A_464 = arith.index_cast %add3A_463 : i32 to index
        %get3A_465 = tpu.vector_load %arg18[%get3A_464] {strides = array<i32>} : memref<6144xf32, #tpu.memory_space<vmem>>, vector<16xf32>,
        %mul3A_466 = arith.mulf %mul3A_405, %get3A_465 : vector<16xf32>
        %add3A_467 = arith.addf %add3A_459, %mul3A_466 : vector<16xf32>
        %add3A_468 = arith.constant 2048 : i32
        %add3A_469 = arith.addi %add3A_468, %add3A_209 : i32
        %add3A_470 = arith.constant 384 : i32
        %add3A_471 = arith.addi %add3A_469, %add3A_470 : i32
        %get3A_472 = arith.index_cast %add3A_471 : i32 to index
        %get3A_473 = tpu.vector_load %arg18[%get3A_472] {strides = array<i32>} : memref<6144xf32, #tpu.memory_space<vmem>>, vector<16xf32>,
        %mul3A_474 = arith.mulf %mul3A_406, %get3A_473 : vector<16xf32>
        %add3A_475 = arith.addf %add3A_467, %mul3A_474 : vector<16xf32>
        %add3A_476 = arith.constant 128 : i32
        %add3A_477 = arith.addi %add3A_209, %add3A_476 : i32
        %swap3A_478 = arith.index_cast %add3A_477 : i32 to index
        %swap3A_479 = tpu.vector_load %arg19[%swap3A_478] {strides = array<i32>} : memref<2048xf32, #tpu.memory_space<vmem>>, vector<16xf32>,
        tpu.vector_store %arg19[%swap3A_478], %add3A_475 {strides = array<i32>} : memref<2048xf32, #tpu.memory_space<vmem>>, vector<16xf32>,
        %mul3A_480 = arith.mulf %exp3A_395, %div3A_402 : vector<16xf32>
        %add3A_481 = arith.constant 4096 : i32
        %add3A_482 = arith.addi %add3A_481, %add3A_209 : i32
        %add3A_483 = arith.constant 0 : i32
        %add3A_484 = arith.addi %add3A_482, %add3A_483 : i32
        %get3A_485 = arith.index_cast %add3A_484 : i32 to index
        %get3A_486 = tpu.vector_load %arg18[%get3A_485] {strides = array<i32>} : memref<6144xf32, #tpu.memory_space<vmem>>, vector<16xf32>,
        %mul3A_487 = arith.mulf %mul3A_403, %get3A_486 : vector<16xf32>
        %add3A_488 = arith.addf %mul3A_480, %mul3A_487 : vector<16xf32>
        %add3A_489 = arith.constant 4096 : i32
        %add3A_490 = arith.addi %add3A_489, %add3A_209 : i32
        %add3A_491 = arith.constant 128 : i32
        %add3A_492 = arith.addi %add3A_490, %add3A_491 : i32
        %get3A_493 = arith.index_cast %add3A_492 : i32 to index
        %get3A_494 = tpu.vector_load %arg18[%get3A_493] {strides = array<i32>} : memref<6144xf32, #tpu.memory_space<vmem>>, vector<16xf32>,
        %mul3A_495 = arith.mulf %mul3A_404, %get3A_494 : vector<16xf32>
        %add3A_496 = arith.addf %add3A_488, %mul3A_495 : vector<16xf32>
        %add3A_497 = arith.constant 4096 : i32
        %add3A_498 = arith.addi %add3A_497, %add3A_209 : i32
        %add3A_499 = arith.constant 256 : i32
        %add3A_500 = arith.addi %add3A_498, %add3A_499 : i32
        %get3A_501 = arith.index_cast %add3A_500 : i32 to index
        %get3A_502 = tpu.vector_load %arg18[%get3A_501] {strides = array<i32>} : memref<6144xf32, #tpu.memory_space<vmem>>, vector<16xf32>,
        %mul3A_503 = arith.mulf %mul3A_405, %get3A_502 : vector<16xf32>
        %add3A_504 = arith.addf %add3A_496, %mul3A_503 : vector<16xf32>
        %add3A_505 = arith.constant 4096 : i32
        %add3A_506 = arith.addi %add3A_505, %add3A_209 : i32
        %add3A_507 = arith.constant 384 : i32
        %add3A_508 = arith.addi %add3A_506, %add3A_507 : i32
        %get3A_509 = arith.index_cast %add3A_508 : i32 to index
        %get3A_510 = tpu.vector_load %arg18[%get3A_509] {strides = array<i32>} : memref<6144xf32, #tpu.memory_space<vmem>>, vector<16xf32>,
        %mul3A_511 = arith.mulf %mul3A_406, %get3A_510 : vector<16xf32>
        %add3A_512 = arith.addf %add3A_504, %mul3A_511 : vector<16xf32>
        %add3A_513 = arith.constant 256 : i32
        %add3A_514 = arith.addi %add3A_209, %add3A_513 : i32
        %swap3A_515 = arith.index_cast %add3A_514 : i32 to index
        %swap3A_516 = tpu.vector_load %arg19[%swap3A_515] {strides = array<i32>} : memref<2048xf32, #tpu.memory_space<vmem>>, vector<16xf32>,
        tpu.vector_store %arg19[%swap3A_515], %add3A_512 {strides = array<i32>} : memref<2048xf32, #tpu.memory_space<vmem>>, vector<16xf32>,
        %add3A_517 = arith.constant 384 : i32
        %add3A_518 = arith.addi %add3A_209, %add3A_517 : i32
        %swap3A_519 = arith.index_cast %add3A_518 : i32 to index
        %swap3A_520 = tpu.vector_load %arg19[%swap3A_519] {strides = array<i32>} : memref<2048xf32, #tpu.memory_space<vmem>>, vector<16xf32>,
        tpu.vector_store %arg19[%swap3A_519], %sub3A_359 {strides = array<i32>} : memref<2048xf32, #tpu.memory_space<vmem>>, vector<16xf32>,
      }
      %scan3A_119 = arith.constant 32 : i32
      %mul3A_120 = arith.constant 131072 : i32
      %mul3A_121 = arith.muli %add3A, %mul3A_120 : i32
      %mul3A_122 = arith.constant 2048 : i32
      %mul3A_123 = arith.muli %mul3A_59, %mul3A_122 : i32
      %add3A_124 = arith.addi %mul3A_121, %mul3A_123 : i32
      %dma_start3A_125 = tpu.memref_slice %arg7[%add3A_124] : memref<4194304xf32, #tpu.memory_space<hbm>> -> memref<2048xf32, #tpu.memory_space<hbm>>
      %dma_start3A_126 = tpu.memref_slice %arg7[%add3A_124] : memref<4194304xf32, #tpu.memory_space<hbm>> -> memref<2048xf32, #tpu.memory_space<hbm>>
      tpu.enqueue_dma source(%arg19 : memref<2048xf32, #tpu.memory_space<vmem>>) target(%dma_start3A_126 : memref<2048xf32, #tpu.memory_space<hbm>>) target_semaphore(%arg27 : memref<!tpu.dma_semaphore, #tpu.memory_space<semaphore_mem>>)
      %mul3A_127 = arith.constant 2 : i32
      %mul3A_128 = arith.muli %mul3A_127, %scan3A_57 : i32
      %add3A_129 = arith.constant 1 : i32
      %add3A_130 = arith.addi %mul3A_128, %add3A_129 : i32
      %add3A_131 = arith.constant 1 : i32
      %add3A_132 = arith.addi %add3A_130, %add3A_131 : i32
      %lt3A_133 = arith.constant 64 : i32
      %lt3A_134 = arith.cmpi slt, %add3A_132, %lt3A_133 : i32
      %convert_element_type3A_135 = arith.extui %lt3A_134 : i1 to i32
      %cond3A_136 = arith.constant 0 : i32
      %cond3A_137 = arith.cmpi ne, %convert_element_type3A_135, %cond3A_136 : i32
      scf.if %cond3A_137 {
        %add3A_202 = arith.constant 1 : i32
        %add3A_203 = arith.addi %add3A_130, %add3A_202 : i32
        %mul3A_204 = arith.constant 131072 : i32
        %mul3A_205 = arith.muli %add3A, %mul3A_204 : i32
        %mul3A_206 = arith.constant 2048 : i32
        %mul3A_207 = arith.muli %add3A_203, %mul3A_206 : i32
        %add3A_208 = arith.addi %mul3A_205, %mul3A_207 : i32
        %mul3A_209 = arith.constant 3 : i32
        %mul3A_210 = arith.muli %add3A_208, %mul3A_209 : i32
        %dma_start3A_211 = tpu.memref_slice %arg3[%mul3A_210] : memref<12582912xf32, #tpu.memory_space<hbm>> -> memref<6144xf32, #tpu.memory_space<hbm>>
        %dma_start3A_212 = tpu.memref_slice %arg3[%mul3A_210] : memref<12582912xf32, #tpu.memory_space<hbm>> -> memref<6144xf32, #tpu.memory_space<hbm>>
        tpu.enqueue_dma source(%dma_start3A_212 : memref<6144xf32, #tpu.memory_space<hbm>>) target(%arg12 : memref<6144xf32, #tpu.memory_space<vmem>>) target_semaphore(%arg23 : memref<!tpu.dma_semaphore, #tpu.memory_space<semaphore_mem>>)
        %mul3A_213 = arith.constant 131072 : i32
        %mul3A_214 = arith.muli %add3A, %mul3A_213 : i32
        %mul3A_215 = arith.constant 2048 : i32
        %mul3A_216 = arith.muli %add3A_203, %mul3A_215 : i32
        %add3A_217 = arith.addi %mul3A_214, %mul3A_216 : i32
        %dma_start3A_218 = tpu.memref_slice %arg4[%add3A_217] : memref<4194304xf32, #tpu.memory_space<hbm>> -> memref<2048xf32, #tpu.memory_space<hbm>>
        %dma_start3A_219 = tpu.memref_slice %arg4[%add3A_217] : memref<4194304xf32, #tpu.memory_space<hbm>> -> memref<2048xf32, #tpu.memory_space<hbm>>
        tpu.enqueue_dma source(%dma_start3A_219 : memref<2048xf32, #tpu.memory_space<hbm>>) target(%arg14 : memref<2048xf32, #tpu.memory_space<vmem>>) target_semaphore(%arg23 : memref<!tpu.dma_semaphore, #tpu.memory_space<semaphore_mem>>)
        %mul3A_220 = arith.constant 131072 : i32
        %mul3A_221 = arith.muli %add3A, %mul3A_220 : i32
        %mul3A_222 = arith.constant 2048 : i32
        %mul3A_223 = arith.muli %add3A_203, %mul3A_222 : i32
        %add3A_224 = arith.addi %mul3A_221, %mul3A_223 : i32
        %dma_start3A_225 = tpu.memref_slice %arg5[%add3A_224] : memref<4194304xf32, #tpu.memory_space<hbm>> -> memref<2048xf32, #tpu.memory_space<hbm>>
        %dma_start3A_226 = tpu.memref_slice %arg5[%add3A_224] : memref<4194304xf32, #tpu.memory_space<hbm>> -> memref<2048xf32, #tpu.memory_space<hbm>>
        tpu.enqueue_dma source(%dma_start3A_226 : memref<2048xf32, #tpu.memory_space<hbm>>) target(%arg16 : memref<2048xf32, #tpu.memory_space<vmem>>) target_semaphore(%arg23 : memref<!tpu.dma_semaphore, #tpu.memory_space<semaphore_mem>>)
      } else {
      }
      %dma_wait3A_138 = arith.constant 0 : i32
      %dma_wait3A_139 = arith.constant 0 : i32
      %dma_wait3A_140 = tpu.memref_slice %arg6[%dma_wait3A_138, %dma_wait3A_139] : memref<200000x8xf32, #tpu.memory_space<hbm>> -> memref<200000x8xf32, #tpu.memory_space<hbm>>
      tpu.wait_indirect_dma semaphore(%arg26 : memref<!tpu.dma_semaphore, #tpu.memory_space<semaphore_mem>>) src(%dma_wait3A_140 : memref<200000x8xf32, #tpu.memory_space<hbm>>) dst(%arg11 : memref<2048x8xf32, #tpu.memory_space<vmem>>)
      %add3A_141 = arith.constant 1 : i32
      %add3A_142 = arith.addi %add3A_130, %add3A_141 : i32
      %lt3A_143 = arith.constant 64 : i32
      %lt3A_144 = arith.cmpi slt, %add3A_142, %lt3A_143 : i32
      %convert_element_type3A_145 = arith.extui %lt3A_144 : i1 to i32
      %cond3A_146 = arith.constant 0 : i32
      %cond3A_147 = arith.cmpi ne, %convert_element_type3A_145, %cond3A_146 : i32
      scf.if %cond3A_147 {
        %add3A_202 = arith.constant 1 : i32
        %add3A_203 = arith.addi %add3A_130, %add3A_202 : i32
        %mul3A_204 = arith.constant 131072 : i32
        %mul3A_205 = arith.muli %add3A, %mul3A_204 : i32
        %mul3A_206 = arith.constant 2048 : i32
        %mul3A_207 = arith.muli %add3A_203, %mul3A_206 : i32
        %add3A_208 = arith.addi %mul3A_205, %mul3A_207 : i32
        %dma_wait3A_209 = tpu.memref_slice %arg2[%add3A_208] : memref<4194304xi32, #tpu.memory_space<hbm>> -> memref<2048xi32, #tpu.memory_space<hbm>>
        %dma_wait3A_210 = tpu.memref_slice %arg2[%add3A_208] : memref<4194304xi32, #tpu.memory_space<hbm>> -> memref<2048xi32, #tpu.memory_space<hbm>>
        tpu.wait_dma2 semaphore(%arg21 : memref<!tpu.dma_semaphore, #tpu.memory_space<semaphore_mem>>) src(%dma_wait3A_210 : memref<2048xi32, #tpu.memory_space<hbm>>) dst(%arg8 : memref<2048xi32, #tpu.memory_space<vmem>>)
        %dma_start3A_211 = arith.constant 0 : i32
        %dma_start3A_212 = arith.constant 0 : i32
        %dma_start3A_213 = tpu.memref_slice %arg6[%dma_start3A_211, %dma_start3A_212] : memref<200000x8xf32, #tpu.memory_space<hbm>> -> memref<200000x8xf32, #tpu.memory_space<hbm>>
        tpu.enqueue_indirect_dma source(%dma_start3A_213 : memref<200000x8xf32, #tpu.memory_space<hbm>>) target(%arg10 : memref<2048x8xf32, #tpu.memory_space<vmem>>) offsets(%arg8 : memref<2048xi32, #tpu.memory_space<vmem>>) semaphore(%arg25 : memref<!tpu.dma_semaphore, #tpu.memory_space<semaphore_mem>>)
      } else {
      }
      %add3A_148 = arith.constant 2 : i32
      %add3A_149 = arith.addi %add3A_130, %add3A_148 : i32
      %lt3A_150 = arith.constant 64 : i32
      %lt3A_151 = arith.cmpi slt, %add3A_149, %lt3A_150 : i32
      %convert_element_type3A_152 = arith.extui %lt3A_151 : i1 to i32
      %cond3A_153 = arith.constant 0 : i32
      %cond3A_154 = arith.cmpi ne, %convert_element_type3A_152, %cond3A_153 : i32
      scf.if %cond3A_154 {
        %add3A_202 = arith.constant 2 : i32
        %add3A_203 = arith.addi %add3A_130, %add3A_202 : i32
        %mul3A_204 = arith.constant 131072 : i32
        %mul3A_205 = arith.muli %add3A, %mul3A_204 : i32
        %mul3A_206 = arith.constant 2048 : i32
        %mul3A_207 = arith.muli %add3A_203, %mul3A_206 : i32
        %add3A_208 = arith.addi %mul3A_205, %mul3A_207 : i32
        %dma_start3A_209 = tpu.memref_slice %arg2[%add3A_208] : memref<4194304xi32, #tpu.memory_space<hbm>> -> memref<2048xi32, #tpu.memory_space<hbm>>
        %dma_start3A_210 = tpu.memref_slice %arg2[%add3A_208] : memref<4194304xi32, #tpu.memory_space<hbm>> -> memref<2048xi32, #tpu.memory_space<hbm>>
        tpu.enqueue_dma source(%dma_start3A_210 : memref<2048xi32, #tpu.memory_space<hbm>>) target(%arg9 : memref<2048xi32, #tpu.memory_space<vmem>>) target_semaphore(%arg22 : memref<!tpu.dma_semaphore, #tpu.memory_space<semaphore_mem>>)
      } else {
      }
      %mul3A_155 = arith.constant 131072 : i32
      %mul3A_156 = arith.muli %add3A, %mul3A_155 : i32
      %mul3A_157 = arith.constant 2048 : i32
      %mul3A_158 = arith.muli %add3A_130, %mul3A_157 : i32
      %add3A_159 = arith.addi %mul3A_156, %mul3A_158 : i32
      %mul3A_160 = arith.constant 3 : i32
      %mul3A_161 = arith.muli %add3A_159, %mul3A_160 : i32
      %dma_wait3A_162 = tpu.memref_slice %arg3[%mul3A_161] : memref<12582912xf32, #tpu.memory_space<hbm>> -> memref<6144xf32, #tpu.memory_space<hbm>>
      %dma_wait3A_163 = tpu.memref_slice %arg3[%mul3A_161] : memref<12582912xf32, #tpu.memory_space<hbm>> -> memref<6144xf32, #tpu.memory_space<hbm>>
      tpu.wait_dma2 semaphore(%arg24 : memref<!tpu.dma_semaphore, #tpu.memory_space<semaphore_mem>>) src(%dma_wait3A_163 : memref<6144xf32, #tpu.memory_space<hbm>>) dst(%arg13 : memref<6144xf32, #tpu.memory_space<vmem>>)
      %mul3A_164 = arith.constant 131072 : i32
      %mul3A_165 = arith.muli %add3A, %mul3A_164 : i32
      %mul3A_166 = arith.constant 2048 : i32
      %mul3A_167 = arith.muli %add3A_130, %mul3A_166 : i32
      %add3A_168 = arith.addi %mul3A_165, %mul3A_167 : i32
      %dma_wait3A_169 = tpu.memref_slice %arg4[%add3A_168] : memref<4194304xf32, #tpu.memory_space<hbm>> -> memref<2048xf32, #tpu.memory_space<hbm>>
      %dma_wait3A_170 = tpu.memref_slice %arg4[%add3A_168] : memref<4194304xf32, #tpu.memory_space<hbm>> -> memref<2048xf32, #tpu.memory_space<hbm>>
      tpu.wait_dma2 semaphore(%arg24 : memref<!tpu.dma_semaphore, #tpu.memory_space<semaphore_mem>>) src(%dma_wait3A_170 : memref<2048xf32, #tpu.memory_space<hbm>>) dst(%arg15 : memref<2048xf32, #tpu.memory_space<vmem>>)
      %mul3A_171 = arith.constant 131072 : i32
      %mul3A_172 = arith.muli %add3A, %mul3A_171 : i32
      %mul3A_173 = arith.constant 2048 : i32
      %mul3A_174 = arith.muli %add3A_130, %mul3A_173 : i32
      %add3A_175 = arith.addi %mul3A_172, %mul3A_174 : i32
      %dma_wait3A_176 = tpu.memref_slice %arg5[%add3A_175] : memref<4194304xf32, #tpu.memory_space<hbm>> -> memref<2048xf32, #tpu.memory_space<hbm>>
      %dma_wait3A_177 = tpu.memref_slice %arg5[%add3A_175] : memref<4194304xf32, #tpu.memory_space<hbm>> -> memref<2048xf32, #tpu.memory_space<hbm>>
      tpu.wait_dma2 semaphore(%arg24 : memref<!tpu.dma_semaphore, #tpu.memory_space<semaphore_mem>>) src(%dma_wait3A_177 : memref<2048xf32, #tpu.memory_space<hbm>>) dst(%arg17 : memref<2048xf32, #tpu.memory_space<vmem>>)
      %ge3A_178 = arith.constant 2 : i32
      %ge3A_179 = arith.cmpi sge, %add3A_130, %ge3A_178 : i32
      %convert_element_type3A_180 = arith.extui %ge3A_179 : i1 to i32
      %cond3A_181 = arith.constant 0 : i32
      %cond3A_182 = arith.cmpi ne, %convert_element_type3A_180, %cond3A_181 : i32
      scf.if %cond3A_182 {
        %sub3A = arith.constant 2 : i32
        %sub3A_202 = arith.subi %add3A_130, %sub3A : i32
        %mul3A_203 = arith.constant 131072 : i32
        %mul3A_204 = arith.muli %add3A, %mul3A_203 : i32
        %mul3A_205 = arith.constant 2048 : i32
        %mul3A_206 = arith.muli %sub3A_202, %mul3A_205 : i32
        %add3A_207 = arith.addi %mul3A_204, %mul3A_206 : i32
        %dma_wait3A_208 = tpu.memref_slice %arg7[%add3A_207] : memref<4194304xf32, #tpu.memory_space<hbm>> -> memref<2048xf32, #tpu.memory_space<hbm>>
        %dma_wait3A_209 = tpu.memref_slice %arg7[%add3A_207] : memref<4194304xf32, #tpu.memory_space<hbm>> -> memref<2048xf32, #tpu.memory_space<hbm>>
        tpu.wait_dma2 semaphore(%arg28 : memref<!tpu.dma_semaphore, #tpu.memory_space<semaphore_mem>>) src(%arg20 : memref<2048xf32, #tpu.memory_space<vmem>>) dst(%dma_wait3A_209 : memref<2048xf32, #tpu.memory_space<hbm>>)
      } else {
      }
      %scan3A_183 = arith.constant 0 : i32
      %scan3A_184 = arith.constant 0 : i32
      %scan3A_185 = arith.constant 128 : i32
      %scan3A_186 = arith.addi %scan3A_184, %scan3A_185 : i32
      %scan3A_187 = arith.constant 2 : i32
      scf.for %scan3A_202 = %scan3A_184 to %scan3A_186 step %scan3A_187  : i32 {
        %mul3A_203 = arith.constant 16 : i32
        %mul3A_204 = arith.muli %scan3A_202, %mul3A_203 : i32
        %add3A_205 = arith.constant 0 : i32
        %add3A_206 = arith.addi %add3A_205, %mul3A_204 : i32
        %get3A = arith.index_cast %add3A_206 : i32 to index
        %get3A_207 = tpu.vector_load %arg13[%get3A] {strides = array<i32>} : memref<6144xf32, #tpu.memory_space<vmem>>, vector<16xf32>,
        %add3A_208 = arith.constant 2048 : i32
        %add3A_209 = arith.addi %add3A_208, %mul3A_204 : i32
        %get3A_210 = arith.index_cast %add3A_209 : i32 to index
        %get3A_211 = tpu.vector_load %arg13[%get3A_210] {strides = array<i32>} : memref<6144xf32, #tpu.memory_space<vmem>>, vector<16xf32>,
        %add3A_212 = arith.constant 4096 : i32
        %add3A_213 = arith.addi %add3A_212, %mul3A_204 : i32
        %get3A_214 = arith.index_cast %add3A_213 : i32 to index
        %get3A_215 = tpu.vector_load %arg13[%get3A_214] {strides = array<i32>} : memref<6144xf32, #tpu.memory_space<vmem>>, vector<16xf32>,
        %add3A_216 = vector.broadcast %mul3A_204 : i32 to vector<16xi32>
        %add3A_217 = arith.addi %iota3A, %add3A_216 : vector<16xi32>
        %broadcast_in_dim3A = arith.constant 0 : i32
        %broadcast_in_dim3A_218 = vector.broadcast %broadcast_in_dim3A : i32 to vector<16xi32>
        %gather3A = tpu.vector_load_idx %arg11[%add3A_217, %broadcast_in_dim3A_218] : memref<2048x8xf32, #tpu.memory_space<vmem>>[vector<16xi32>, vector<16xi32>], vector<16xf32>,
        %bitcast_convert_type3A = tpu.bitcast %gather3A : vector<16xf32> -> vector<16xi32>
        %broadcast_in_dim3A_219 = arith.constant 1 : i32
        %broadcast_in_dim3A_220 = vector.broadcast %broadcast_in_dim3A_219 : i32 to vector<16xi32>
        %gather3A_221 = tpu.vector_load_idx %arg11[%add3A_217, %broadcast_in_dim3A_220] : memref<2048x8xf32, #tpu.memory_space<vmem>>[vector<16xi32>, vector<16xi32>], vector<16xf32>,
        %bitcast_convert_type3A_222 = tpu.bitcast %gather3A_221 : vector<16xf32> -> vector<16xi32>
        %broadcast_in_dim3A_223 = arith.constant 2 : i32
        %broadcast_in_dim3A_224 = vector.broadcast %broadcast_in_dim3A_223 : i32 to vector<16xi32>
        %gather3A_225 = tpu.vector_load_idx %arg11[%add3A_217, %broadcast_in_dim3A_224] : memref<2048x8xf32, #tpu.memory_space<vmem>>[vector<16xi32>, vector<16xi32>], vector<16xf32>,
        %bitcast_convert_type3A_226 = tpu.bitcast %gather3A_225 : vector<16xf32> -> vector<16xi32>
        %broadcast_in_dim3A_227 = arith.constant 3 : i32
        %broadcast_in_dim3A_228 = vector.broadcast %broadcast_in_dim3A_227 : i32 to vector<16xi32>
        %gather3A_229 = tpu.vector_load_idx %arg11[%add3A_217, %broadcast_in_dim3A_228] : memref<2048x8xf32, #tpu.memory_space<vmem>>[vector<16xi32>, vector<16xi32>], vector<16xf32>,
        %bitcast_convert_type3A_230 = tpu.bitcast %gather3A_229 : vector<16xf32> -> vector<16xi32>
        %broadcast_in_dim3A_231 = arith.constant 4 : i32
        %broadcast_in_dim3A_232 = vector.broadcast %broadcast_in_dim3A_231 : i32 to vector<16xi32>
        %gather3A_233 = tpu.vector_load_idx %arg11[%add3A_217, %broadcast_in_dim3A_232] : memref<2048x8xf32, #tpu.memory_space<vmem>>[vector<16xi32>, vector<16xi32>], vector<16xf32>,
        %bitcast_convert_type3A_234 = tpu.bitcast %gather3A_233 : vector<16xf32> -> vector<16xi32>
        %and3A = arith.constant -65536 : i32
        %and3A_235 = vector.broadcast %and3A : i32 to vector<16xi32>
        %and3A_236 = arith.andi %bitcast_convert_type3A, %and3A_235 : vector<16xi32>
        %bitcast_convert_type3A_237 = tpu.bitcast %and3A_236 : vector<16xi32> -> vector<16xf32>
        %shift_left3A = arith.constant 16 : i32
        %shift_left3A_238 = vector.broadcast %shift_left3A : i32 to vector<16xi32>
        %shift_left3A_239 = arith.shli %bitcast_convert_type3A_222, %shift_left3A_238 : vector<16xi32>
        %bitcast_convert_type3A_240 = tpu.bitcast %shift_left3A_239 : vector<16xi32> -> vector<16xf32>
        %and3A_241 = arith.constant -65536 : i32
        %and3A_242 = vector.broadcast %and3A_241 : i32 to vector<16xi32>
        %and3A_243 = arith.andi %bitcast_convert_type3A_230, %and3A_242 : vector<16xi32>
        %bitcast_convert_type3A_244 = tpu.bitcast %and3A_243 : vector<16xi32> -> vector<16xf32>
        %shift_left3A_245 = arith.constant 16 : i32
        %shift_left3A_246 = vector.broadcast %shift_left3A_245 : i32 to vector<16xi32>
        %shift_left3A_247 = arith.shli %bitcast_convert_type3A, %shift_left3A_246 : vector<16xi32>
        %bitcast_convert_type3A_248 = tpu.bitcast %shift_left3A_247 : vector<16xi32> -> vector<16xf32>
        %and3A_249 = arith.constant -65536 : i32
        %and3A_250 = vector.broadcast %and3A_249 : i32 to vector<16xi32>
        %and3A_251 = arith.andi %bitcast_convert_type3A_226, %and3A_250 : vector<16xi32>
        %bitcast_convert_type3A_252 = tpu.bitcast %and3A_251 : vector<16xi32> -> vector<16xf32>
        %shift_left3A_253 = arith.constant 16 : i32
        %shift_left3A_254 = vector.broadcast %shift_left3A_253 : i32 to vector<16xi32>
        %shift_left3A_255 = arith.shli %bitcast_convert_type3A_230, %shift_left3A_254 : vector<16xi32>
        %bitcast_convert_type3A_256 = tpu.bitcast %shift_left3A_255 : vector<16xi32> -> vector<16xf32>
        %and3A_257 = arith.constant -65536 : i32
        %and3A_258 = vector.broadcast %and3A_257 : i32 to vector<16xi32>
        %and3A_259 = arith.andi %bitcast_convert_type3A_222, %and3A_258 : vector<16xi32>
        %bitcast_convert_type3A_260 = tpu.bitcast %and3A_259 : vector<16xi32> -> vector<16xf32>
        %shift_left3A_261 = arith.constant 16 : i32
        %shift_left3A_262 = vector.broadcast %shift_left3A_261 : i32 to vector<16xi32>
        %shift_left3A_263 = arith.shli %bitcast_convert_type3A_226, %shift_left3A_262 : vector<16xi32>
        %bitcast_convert_type3A_264 = tpu.bitcast %shift_left3A_263 : vector<16xi32> -> vector<16xf32>
        %and3A_265 = arith.constant -65536 : i32
        %and3A_266 = vector.broadcast %and3A_265 : i32 to vector<16xi32>
        %and3A_267 = arith.andi %bitcast_convert_type3A_234, %and3A_266 : vector<16xi32>
        %bitcast_convert_type3A_268 = tpu.bitcast %and3A_267 : vector<16xi32> -> vector<16xf32>
        %mul3A_269 = arith.mulf %get3A_207, %bitcast_convert_type3A_237 : vector<16xf32>
        %mul3A_270 = arith.mulf %get3A_211, %bitcast_convert_type3A_240 : vector<16xf32>
        %add3A_271 = arith.addf %mul3A_269, %mul3A_270 : vector<16xf32>
        %mul3A_272 = arith.mulf %get3A_215, %bitcast_convert_type3A_244 : vector<16xf32>
        %add3A_273 = arith.addf %add3A_271, %mul3A_272 : vector<16xf32>
        %add3A_274 = arith.constant 0 : i32
        %add3A_275 = arith.addi %add3A_274, %mul3A_204 : i32
        %swap3A = arith.index_cast %add3A_275 : i32 to index
        %swap3A_276 = tpu.vector_load %arg18[%swap3A] {strides = array<i32>} : memref<6144xf32, #tpu.memory_space<vmem>>, vector<16xf32>,
        tpu.vector_store %arg18[%swap3A], %add3A_273 {strides = array<i32>} : memref<6144xf32, #tpu.memory_space<vmem>>, vector<16xf32>,
        %mul3A_277 = arith.mulf %get3A_207, %bitcast_convert_type3A_248 : vector<16xf32>
        %mul3A_278 = arith.mulf %get3A_211, %bitcast_convert_type3A_252 : vector<16xf32>
        %add3A_279 = arith.addf %mul3A_277, %mul3A_278 : vector<16xf32>
        %mul3A_280 = arith.mulf %get3A_215, %bitcast_convert_type3A_256 : vector<16xf32>
        %add3A_281 = arith.addf %add3A_279, %mul3A_280 : vector<16xf32>
        %add3A_282 = arith.constant 2048 : i32
        %add3A_283 = arith.addi %add3A_282, %mul3A_204 : i32
        %swap3A_284 = arith.index_cast %add3A_283 : i32 to index
        %swap3A_285 = tpu.vector_load %arg18[%swap3A_284] {strides = array<i32>} : memref<6144xf32, #tpu.memory_space<vmem>>, vector<16xf32>,
        tpu.vector_store %arg18[%swap3A_284], %add3A_281 {strides = array<i32>} : memref<6144xf32, #tpu.memory_space<vmem>>, vector<16xf32>,
        %mul3A_286 = arith.mulf %get3A_207, %bitcast_convert_type3A_260 : vector<16xf32>
        %mul3A_287 = arith.mulf %get3A_211, %bitcast_convert_type3A_264 : vector<16xf32>
        %add3A_288 = arith.addf %mul3A_286, %mul3A_287 : vector<16xf32>
        %mul3A_289 = arith.mulf %get3A_215, %bitcast_convert_type3A_268 : vector<16xf32>
        %add3A_290 = arith.addf %add3A_288, %mul3A_289 : vector<16xf32>
        %add3A_291 = arith.constant 4096 : i32
        %add3A_292 = arith.addi %add3A_291, %mul3A_204 : i32
        %swap3A_293 = arith.index_cast %add3A_292 : i32 to index
        %swap3A_294 = tpu.vector_load %arg18[%swap3A_293] {strides = array<i32>} : memref<6144xf32, #tpu.memory_space<vmem>>, vector<16xf32>,
        tpu.vector_store %arg18[%swap3A_293], %add3A_290 {strides = array<i32>} : memref<6144xf32, #tpu.memory_space<vmem>>, vector<16xf32>,
        %scan3A_295 = arith.constant 1 : i32
        %scan3A_296 = arith.addi %scan3A_202, %scan3A_295 : i32
        %mul3A_297 = arith.constant 16 : i32
        %mul3A_298 = arith.muli %scan3A_296, %mul3A_297 : i32
        %add3A_299 = arith.constant 0 : i32
        %add3A_300 = arith.addi %add3A_299, %mul3A_298 : i32
        %get3A_301 = arith.index_cast %add3A_300 : i32 to index
        %get3A_302 = tpu.vector_load %arg13[%get3A_301] {strides = array<i32>} : memref<6144xf32, #tpu.memory_space<vmem>>, vector<16xf32>,
        %add3A_303 = arith.constant 2048 : i32
        %add3A_304 = arith.addi %add3A_303, %mul3A_298 : i32
        %get3A_305 = arith.index_cast %add3A_304 : i32 to index
        %get3A_306 = tpu.vector_load %arg13[%get3A_305] {strides = array<i32>} : memref<6144xf32, #tpu.memory_space<vmem>>, vector<16xf32>,
        %add3A_307 = arith.constant 4096 : i32
        %add3A_308 = arith.addi %add3A_307, %mul3A_298 : i32
        %get3A_309 = arith.index_cast %add3A_308 : i32 to index
        %get3A_310 = tpu.vector_load %arg13[%get3A_309] {strides = array<i32>} : memref<6144xf32, #tpu.memory_space<vmem>>, vector<16xf32>,
        %add3A_311 = vector.broadcast %mul3A_298 : i32 to vector<16xi32>
        %add3A_312 = arith.addi %iota3A, %add3A_311 : vector<16xi32>
        %broadcast_in_dim3A_313 = arith.constant 0 : i32
        %broadcast_in_dim3A_314 = vector.broadcast %broadcast_in_dim3A_313 : i32 to vector<16xi32>
        %gather3A_315 = tpu.vector_load_idx %arg11[%add3A_312, %broadcast_in_dim3A_314] : memref<2048x8xf32, #tpu.memory_space<vmem>>[vector<16xi32>, vector<16xi32>], vector<16xf32>,
        %bitcast_convert_type3A_316 = tpu.bitcast %gather3A_315 : vector<16xf32> -> vector<16xi32>
        %broadcast_in_dim3A_317 = arith.constant 1 : i32
        %broadcast_in_dim3A_318 = vector.broadcast %broadcast_in_dim3A_317 : i32 to vector<16xi32>
        %gather3A_319 = tpu.vector_load_idx %arg11[%add3A_312, %broadcast_in_dim3A_318] : memref<2048x8xf32, #tpu.memory_space<vmem>>[vector<16xi32>, vector<16xi32>], vector<16xf32>,
        %bitcast_convert_type3A_320 = tpu.bitcast %gather3A_319 : vector<16xf32> -> vector<16xi32>
        %broadcast_in_dim3A_321 = arith.constant 2 : i32
        %broadcast_in_dim3A_322 = vector.broadcast %broadcast_in_dim3A_321 : i32 to vector<16xi32>
        %gather3A_323 = tpu.vector_load_idx %arg11[%add3A_312, %broadcast_in_dim3A_322] : memref<2048x8xf32, #tpu.memory_space<vmem>>[vector<16xi32>, vector<16xi32>], vector<16xf32>,
        %bitcast_convert_type3A_324 = tpu.bitcast %gather3A_323 : vector<16xf32> -> vector<16xi32>
        %broadcast_in_dim3A_325 = arith.constant 3 : i32
        %broadcast_in_dim3A_326 = vector.broadcast %broadcast_in_dim3A_325 : i32 to vector<16xi32>
        %gather3A_327 = tpu.vector_load_idx %arg11[%add3A_312, %broadcast_in_dim3A_326] : memref<2048x8xf32, #tpu.memory_space<vmem>>[vector<16xi32>, vector<16xi32>], vector<16xf32>,
        %bitcast_convert_type3A_328 = tpu.bitcast %gather3A_327 : vector<16xf32> -> vector<16xi32>
        %broadcast_in_dim3A_329 = arith.constant 4 : i32
        %broadcast_in_dim3A_330 = vector.broadcast %broadcast_in_dim3A_329 : i32 to vector<16xi32>
        %gather3A_331 = tpu.vector_load_idx %arg11[%add3A_312, %broadcast_in_dim3A_330] : memref<2048x8xf32, #tpu.memory_space<vmem>>[vector<16xi32>, vector<16xi32>], vector<16xf32>,
        %bitcast_convert_type3A_332 = tpu.bitcast %gather3A_331 : vector<16xf32> -> vector<16xi32>
        %and3A_333 = arith.constant -65536 : i32
        %and3A_334 = vector.broadcast %and3A_333 : i32 to vector<16xi32>
        %and3A_335 = arith.andi %bitcast_convert_type3A_316, %and3A_334 : vector<16xi32>
        %bitcast_convert_type3A_336 = tpu.bitcast %and3A_335 : vector<16xi32> -> vector<16xf32>
        %shift_left3A_337 = arith.constant 16 : i32
        %shift_left3A_338 = vector.broadcast %shift_left3A_337 : i32 to vector<16xi32>
        %shift_left3A_339 = arith.shli %bitcast_convert_type3A_320, %shift_left3A_338 : vector<16xi32>
        %bitcast_convert_type3A_340 = tpu.bitcast %shift_left3A_339 : vector<16xi32> -> vector<16xf32>
        %and3A_341 = arith.constant -65536 : i32
        %and3A_342 = vector.broadcast %and3A_341 : i32 to vector<16xi32>
        %and3A_343 = arith.andi %bitcast_convert_type3A_328, %and3A_342 : vector<16xi32>
        %bitcast_convert_type3A_344 = tpu.bitcast %and3A_343 : vector<16xi32> -> vector<16xf32>
        %shift_left3A_345 = arith.constant 16 : i32
        %shift_left3A_346 = vector.broadcast %shift_left3A_345 : i32 to vector<16xi32>
        %shift_left3A_347 = arith.shli %bitcast_convert_type3A_316, %shift_left3A_346 : vector<16xi32>
        %bitcast_convert_type3A_348 = tpu.bitcast %shift_left3A_347 : vector<16xi32> -> vector<16xf32>
        %and3A_349 = arith.constant -65536 : i32
        %and3A_350 = vector.broadcast %and3A_349 : i32 to vector<16xi32>
        %and3A_351 = arith.andi %bitcast_convert_type3A_324, %and3A_350 : vector<16xi32>
        %bitcast_convert_type3A_352 = tpu.bitcast %and3A_351 : vector<16xi32> -> vector<16xf32>
        %shift_left3A_353 = arith.constant 16 : i32
        %shift_left3A_354 = vector.broadcast %shift_left3A_353 : i32 to vector<16xi32>
        %shift_left3A_355 = arith.shli %bitcast_convert_type3A_328, %shift_left3A_354 : vector<16xi32>
        %bitcast_convert_type3A_356 = tpu.bitcast %shift_left3A_355 : vector<16xi32> -> vector<16xf32>
        %and3A_357 = arith.constant -65536 : i32
        %and3A_358 = vector.broadcast %and3A_357 : i32 to vector<16xi32>
        %and3A_359 = arith.andi %bitcast_convert_type3A_320, %and3A_358 : vector<16xi32>
        %bitcast_convert_type3A_360 = tpu.bitcast %and3A_359 : vector<16xi32> -> vector<16xf32>
        %shift_left3A_361 = arith.constant 16 : i32
        %shift_left3A_362 = vector.broadcast %shift_left3A_361 : i32 to vector<16xi32>
        %shift_left3A_363 = arith.shli %bitcast_convert_type3A_324, %shift_left3A_362 : vector<16xi32>
        %bitcast_convert_type3A_364 = tpu.bitcast %shift_left3A_363 : vector<16xi32> -> vector<16xf32>
        %and3A_365 = arith.constant -65536 : i32
        %and3A_366 = vector.broadcast %and3A_365 : i32 to vector<16xi32>
        %and3A_367 = arith.andi %bitcast_convert_type3A_332, %and3A_366 : vector<16xi32>
        %bitcast_convert_type3A_368 = tpu.bitcast %and3A_367 : vector<16xi32> -> vector<16xf32>
        %mul3A_369 = arith.mulf %get3A_302, %bitcast_convert_type3A_336 : vector<16xf32>
        %mul3A_370 = arith.mulf %get3A_306, %bitcast_convert_type3A_340 : vector<16xf32>
        %add3A_371 = arith.addf %mul3A_369, %mul3A_370 : vector<16xf32>
        %mul3A_372 = arith.mulf %get3A_310, %bitcast_convert_type3A_344 : vector<16xf32>
        %add3A_373 = arith.addf %add3A_371, %mul3A_372 : vector<16xf32>
        %add3A_374 = arith.constant 0 : i32
        %add3A_375 = arith.addi %add3A_374, %mul3A_298 : i32
        %swap3A_376 = arith.index_cast %add3A_375 : i32 to index
        %swap3A_377 = tpu.vector_load %arg18[%swap3A_376] {strides = array<i32>} : memref<6144xf32, #tpu.memory_space<vmem>>, vector<16xf32>,
        tpu.vector_store %arg18[%swap3A_376], %add3A_373 {strides = array<i32>} : memref<6144xf32, #tpu.memory_space<vmem>>, vector<16xf32>,
        %mul3A_378 = arith.mulf %get3A_302, %bitcast_convert_type3A_348 : vector<16xf32>
        %mul3A_379 = arith.mulf %get3A_306, %bitcast_convert_type3A_352 : vector<16xf32>
        %add3A_380 = arith.addf %mul3A_378, %mul3A_379 : vector<16xf32>
        %mul3A_381 = arith.mulf %get3A_310, %bitcast_convert_type3A_356 : vector<16xf32>
        %add3A_382 = arith.addf %add3A_380, %mul3A_381 : vector<16xf32>
        %add3A_383 = arith.constant 2048 : i32
        %add3A_384 = arith.addi %add3A_383, %mul3A_298 : i32
        %swap3A_385 = arith.index_cast %add3A_384 : i32 to index
        %swap3A_386 = tpu.vector_load %arg18[%swap3A_385] {strides = array<i32>} : memref<6144xf32, #tpu.memory_space<vmem>>, vector<16xf32>,
        tpu.vector_store %arg18[%swap3A_385], %add3A_382 {strides = array<i32>} : memref<6144xf32, #tpu.memory_space<vmem>>, vector<16xf32>,
        %mul3A_387 = arith.mulf %get3A_302, %bitcast_convert_type3A_360 : vector<16xf32>
        %mul3A_388 = arith.mulf %get3A_306, %bitcast_convert_type3A_364 : vector<16xf32>
        %add3A_389 = arith.addf %mul3A_387, %mul3A_388 : vector<16xf32>
        %mul3A_390 = arith.mulf %get3A_310, %bitcast_convert_type3A_368 : vector<16xf32>
        %add3A_391 = arith.addf %add3A_389, %mul3A_390 : vector<16xf32>
        %add3A_392 = arith.constant 4096 : i32
        %add3A_393 = arith.addi %add3A_392, %mul3A_298 : i32
        %swap3A_394 = arith.index_cast %add3A_393 : i32 to index
        %swap3A_395 = tpu.vector_load %arg18[%swap3A_394] {strides = array<i32>} : memref<6144xf32, #tpu.memory_space<vmem>>, vector<16xf32>,
        tpu.vector_store %arg18[%swap3A_394], %add3A_391 {strides = array<i32>} : memref<6144xf32, #tpu.memory_space<vmem>>, vector<16xf32>,
      }
      %scan3A_188 = arith.constant 128 : i32
      %scan3A_189 = arith.constant 0 : i32
      %scan3A_190 = arith.constant 0 : i32
      %scan3A_191 = arith.constant 32 : i32
      %scan3A_192 = arith.addi %scan3A_190, %scan3A_191 : i32
      %scan3A_193 = arith.constant 1 : i32
      scf.for %scan3A_202 = %scan3A_190 to %scan3A_192 step %scan3A_193  : i32 {
        %shift_right_arithmetic3A = arith.constant 3 : i32
        %shift_right_arithmetic3A_203 = arith.shrsi %scan3A_202, %shift_right_arithmetic3A : i32
        %mul3A_204 = arith.constant 512 : i32
        %mul3A_205 = arith.muli %shift_right_arithmetic3A_203, %mul3A_204 : i32
        %and3A = arith.constant 7 : i32
        %and3A_206 = arith.andi %scan3A_202, %and3A : i32
        %mul3A_207 = arith.constant 16 : i32
        %mul3A_208 = arith.muli %and3A_206, %mul3A_207 : i32
        %add3A_209 = arith.addi %mul3A_205, %mul3A_208 : i32
        %add3A_210 = arith.constant 0 : i32
        %add3A_211 = arith.addi %add3A_209, %add3A_210 : i32
        %get3A = arith.index_cast %add3A_211 : i32 to index
        %get3A_212 = tpu.vector_load %arg17[%get3A] {strides = array<i32>} : memref<2048xf32, #tpu.memory_space<vmem>>, vector<16xf32>,
        %div3A = arith.constant 9.99999974E-5 : f32
        %div3A_213 = vector.broadcast %div3A : f32 to vector<16xf32>
        %div3A_214 = arith.divf %get3A_212, %div3A_213 : vector<16xf32>
        %neg3A = arith.constant 0.000000e+00 : f32
        %neg3A_215 = vector.broadcast %neg3A : f32 to vector<16xf32>
        %neg3A_216 = arith.subf %neg3A_215, %div3A_214 : vector<16xf32>
        %abs3A = math.absf %neg3A_216 : vector<16xf32>
        %neg3A_217 = arith.constant 0.000000e+00 : f32
        %neg3A_218 = vector.broadcast %neg3A_217 : f32 to vector<16xf32>
        %neg3A_219 = arith.subf %neg3A_218, %abs3A : vector<16xf32>
        %exp3A = math.exp %neg3A_219 : vector<16xf32>
        %ge3A_220 = arith.constant 0.000000e+00 : f32
        %ge3A_221 = vector.broadcast %ge3A_220 : f32 to vector<16xf32>
        %ge3A_222 = arith.cmpf oge, %neg3A_216, %ge3A_221 : vector<16xf32>
        %broadcast_in_dim3A = arith.constant 1.000000e+00 : f32
        %broadcast_in_dim3A_223 = vector.broadcast %broadcast_in_dim3A : f32 to vector<16xf32>
        %select_n3A = arith.select %ge3A_222, %broadcast_in_dim3A_223, %exp3A : vector<16xi1>, vector<16xf32>
        %add3A_224 = arith.constant 1.000000e+00 : f32
        %add3A_225 = vector.broadcast %add3A_224 : f32 to vector<16xf32>
        %add3A_226 = arith.addf %add3A_225, %exp3A : vector<16xf32>
        %div3A_227 = arith.divf %select_n3A, %add3A_226 : vector<16xf32>
        %add3A_228 = arith.constant 0 : i32
        %add3A_229 = arith.addi %add3A_209, %add3A_228 : i32
        %get3A_230 = arith.index_cast %add3A_229 : i32 to index
        %get3A_231 = tpu.vector_load %arg15[%get3A_230] {strides = array<i32>} : memref<2048xf32, #tpu.memory_space<vmem>>, vector<16xf32>,
        %sub3A = arith.constant 1.000000e+02 : f32
        %sub3A_232 = vector.broadcast %sub3A : f32 to vector<16xf32>
        %sub3A_233 = arith.subf %sub3A_232, %get3A_231 : vector<16xf32>
        %div3A_234 = arith.constant 9.900000e+01 : f32
        %div3A_235 = vector.broadcast %div3A_234 : f32 to vector<16xf32>
        %div3A_236 = arith.divf %sub3A_233, %div3A_235 : vector<16xf32>
        %add3A_237 = arith.constant 128 : i32
        %add3A_238 = arith.addi %add3A_209, %add3A_237 : i32
        %get3A_239 = arith.index_cast %add3A_238 : i32 to index
        %get3A_240 = tpu.vector_load %arg17[%get3A_239] {strides = array<i32>} : memref<2048xf32, #tpu.memory_space<vmem>>, vector<16xf32>,
        %div3A_241 = arith.constant 9.99999974E-5 : f32
        %div3A_242 = vector.broadcast %div3A_241 : f32 to vector<16xf32>
        %div3A_243 = arith.divf %get3A_240, %div3A_242 : vector<16xf32>
        %neg3A_244 = arith.constant 0.000000e+00 : f32
        %neg3A_245 = vector.broadcast %neg3A_244 : f32 to vector<16xf32>
        %neg3A_246 = arith.subf %neg3A_245, %div3A_243 : vector<16xf32>
        %abs3A_247 = math.absf %neg3A_246 : vector<16xf32>
        %neg3A_248 = arith.constant 0.000000e+00 : f32
        %neg3A_249 = vector.broadcast %neg3A_248 : f32 to vector<16xf32>
        %neg3A_250 = arith.subf %neg3A_249, %abs3A_247 : vector<16xf32>
        %exp3A_251 = math.exp %neg3A_250 : vector<16xf32>
        %ge3A_252 = arith.constant 0.000000e+00 : f32
        %ge3A_253 = vector.broadcast %ge3A_252 : f32 to vector<16xf32>
        %ge3A_254 = arith.cmpf oge, %neg3A_246, %ge3A_253 : vector<16xf32>
        %broadcast_in_dim3A_255 = arith.constant 1.000000e+00 : f32
        %broadcast_in_dim3A_256 = vector.broadcast %broadcast_in_dim3A_255 : f32 to vector<16xf32>
        %select_n3A_257 = arith.select %ge3A_254, %broadcast_in_dim3A_256, %exp3A_251 : vector<16xi1>, vector<16xf32>
        %add3A_258 = arith.constant 1.000000e+00 : f32
        %add3A_259 = vector.broadcast %add3A_258 : f32 to vector<16xf32>
        %add3A_260 = arith.addf %add3A_259, %exp3A_251 : vector<16xf32>
        %div3A_261 = arith.divf %select_n3A_257, %add3A_260 : vector<16xf32>
        %add3A_262 = arith.constant 128 : i32
        %add3A_263 = arith.addi %add3A_209, %add3A_262 : i32
        %get3A_264 = arith.index_cast %add3A_263 : i32 to index
        %get3A_265 = tpu.vector_load %arg15[%get3A_264] {strides = array<i32>} : memref<2048xf32, #tpu.memory_space<vmem>>, vector<16xf32>,
        %sub3A_266 = arith.constant 1.000000e+02 : f32
        %sub3A_267 = vector.broadcast %sub3A_266 : f32 to vector<16xf32>
        %sub3A_268 = arith.subf %sub3A_267, %get3A_265 : vector<16xf32>
        %div3A_269 = arith.constant 9.900000e+01 : f32
        %div3A_270 = vector.broadcast %div3A_269 : f32 to vector<16xf32>
        %div3A_271 = arith.divf %sub3A_268, %div3A_270 : vector<16xf32>
        %add3A_272 = arith.constant 256 : i32
        %add3A_273 = arith.addi %add3A_209, %add3A_272 : i32
        %get3A_274 = arith.index_cast %add3A_273 : i32 to index
        %get3A_275 = tpu.vector_load %arg17[%get3A_274] {strides = array<i32>} : memref<2048xf32, #tpu.memory_space<vmem>>, vector<16xf32>,
        %div3A_276 = arith.constant 9.99999974E-5 : f32
        %div3A_277 = vector.broadcast %div3A_276 : f32 to vector<16xf32>
        %div3A_278 = arith.divf %get3A_275, %div3A_277 : vector<16xf32>
        %neg3A_279 = arith.constant 0.000000e+00 : f32
        %neg3A_280 = vector.broadcast %neg3A_279 : f32 to vector<16xf32>
        %neg3A_281 = arith.subf %neg3A_280, %div3A_278 : vector<16xf32>
        %abs3A_282 = math.absf %neg3A_281 : vector<16xf32>
        %neg3A_283 = arith.constant 0.000000e+00 : f32
        %neg3A_284 = vector.broadcast %neg3A_283 : f32 to vector<16xf32>
        %neg3A_285 = arith.subf %neg3A_284, %abs3A_282 : vector<16xf32>
        %exp3A_286 = math.exp %neg3A_285 : vector<16xf32>
        %ge3A_287 = arith.constant 0.000000e+00 : f32
        %ge3A_288 = vector.broadcast %ge3A_287 : f32 to vector<16xf32>
        %ge3A_289 = arith.cmpf oge, %neg3A_281, %ge3A_288 : vector<16xf32>
        %broadcast_in_dim3A_290 = arith.constant 1.000000e+00 : f32
        %broadcast_in_dim3A_291 = vector.broadcast %broadcast_in_dim3A_290 : f32 to vector<16xf32>
        %select_n3A_292 = arith.select %ge3A_289, %broadcast_in_dim3A_291, %exp3A_286 : vector<16xi1>, vector<16xf32>
        %add3A_293 = arith.constant 1.000000e+00 : f32
        %add3A_294 = vector.broadcast %add3A_293 : f32 to vector<16xf32>
        %add3A_295 = arith.addf %add3A_294, %exp3A_286 : vector<16xf32>
        %div3A_296 = arith.divf %select_n3A_292, %add3A_295 : vector<16xf32>
        %add3A_297 = arith.constant 256 : i32
        %add3A_298 = arith.addi %add3A_209, %add3A_297 : i32
        %get3A_299 = arith.index_cast %add3A_298 : i32 to index
        %get3A_300 = tpu.vector_load %arg15[%get3A_299] {strides = array<i32>} : memref<2048xf32, #tpu.memory_space<vmem>>, vector<16xf32>,
        %sub3A_301 = arith.constant 1.000000e+02 : f32
        %sub3A_302 = vector.broadcast %sub3A_301 : f32 to vector<16xf32>
        %sub3A_303 = arith.subf %sub3A_302, %get3A_300 : vector<16xf32>
        %div3A_304 = arith.constant 9.900000e+01 : f32
        %div3A_305 = vector.broadcast %div3A_304 : f32 to vector<16xf32>
        %div3A_306 = arith.divf %sub3A_303, %div3A_305 : vector<16xf32>
        %add3A_307 = arith.constant 384 : i32
        %add3A_308 = arith.addi %add3A_209, %add3A_307 : i32
        %get3A_309 = arith.index_cast %add3A_308 : i32 to index
        %get3A_310 = tpu.vector_load %arg17[%get3A_309] {strides = array<i32>} : memref<2048xf32, #tpu.memory_space<vmem>>, vector<16xf32>,
        %div3A_311 = arith.constant 9.99999974E-5 : f32
        %div3A_312 = vector.broadcast %div3A_311 : f32 to vector<16xf32>
        %div3A_313 = arith.divf %get3A_310, %div3A_312 : vector<16xf32>
        %neg3A_314 = arith.constant 0.000000e+00 : f32
        %neg3A_315 = vector.broadcast %neg3A_314 : f32 to vector<16xf32>
        %neg3A_316 = arith.subf %neg3A_315, %div3A_313 : vector<16xf32>
        %abs3A_317 = math.absf %neg3A_316 : vector<16xf32>
        %neg3A_318 = arith.constant 0.000000e+00 : f32
        %neg3A_319 = vector.broadcast %neg3A_318 : f32 to vector<16xf32>
        %neg3A_320 = arith.subf %neg3A_319, %abs3A_317 : vector<16xf32>
        %exp3A_321 = math.exp %neg3A_320 : vector<16xf32>
        %ge3A_322 = arith.constant 0.000000e+00 : f32
        %ge3A_323 = vector.broadcast %ge3A_322 : f32 to vector<16xf32>
        %ge3A_324 = arith.cmpf oge, %neg3A_316, %ge3A_323 : vector<16xf32>
        %broadcast_in_dim3A_325 = arith.constant 1.000000e+00 : f32
        %broadcast_in_dim3A_326 = vector.broadcast %broadcast_in_dim3A_325 : f32 to vector<16xf32>
        %select_n3A_327 = arith.select %ge3A_324, %broadcast_in_dim3A_326, %exp3A_321 : vector<16xi1>, vector<16xf32>
        %add3A_328 = arith.constant 1.000000e+00 : f32
        %add3A_329 = vector.broadcast %add3A_328 : f32 to vector<16xf32>
        %add3A_330 = arith.addf %add3A_329, %exp3A_321 : vector<16xf32>
        %div3A_331 = arith.divf %select_n3A_327, %add3A_330 : vector<16xf32>
        %add3A_332 = arith.constant 384 : i32
        %add3A_333 = arith.addi %add3A_209, %add3A_332 : i32
        %get3A_334 = arith.index_cast %add3A_333 : i32 to index
        %get3A_335 = tpu.vector_load %arg15[%get3A_334] {strides = array<i32>} : memref<2048xf32, #tpu.memory_space<vmem>>, vector<16xf32>,
        %sub3A_336 = arith.constant 1.000000e+02 : f32
        %sub3A_337 = vector.broadcast %sub3A_336 : f32 to vector<16xf32>
        %sub3A_338 = arith.subf %sub3A_337, %get3A_335 : vector<16xf32>
        %div3A_339 = arith.constant 9.900000e+01 : f32
        %div3A_340 = vector.broadcast %div3A_339 : f32 to vector<16xf32>
        %div3A_341 = arith.divf %sub3A_338, %div3A_340 : vector<16xf32>
        %sub3A_342 = arith.constant 1.000000e+00 : f32
        %sub3A_343 = vector.broadcast %sub3A_342 : f32 to vector<16xf32>
        %sub3A_344 = arith.subf %sub3A_343, %div3A_227 : vector<16xf32>
        %sub3A_345 = arith.constant 1.000000e+00 : f32
        %sub3A_346 = vector.broadcast %sub3A_345 : f32 to vector<16xf32>
        %sub3A_347 = arith.subf %sub3A_346, %div3A_261 : vector<16xf32>
        %mul3A_348 = arith.mulf %sub3A_344, %sub3A_347 : vector<16xf32>
        %sub3A_349 = arith.constant 1.000000e+00 : f32
        %sub3A_350 = vector.broadcast %sub3A_349 : f32 to vector<16xf32>
        %sub3A_351 = arith.subf %sub3A_350, %div3A_296 : vector<16xf32>
        %mul3A_352 = arith.mulf %mul3A_348, %sub3A_351 : vector<16xf32>
        %sub3A_353 = arith.constant 1.000000e+00 : f32
        %sub3A_354 = vector.broadcast %sub3A_353 : f32 to vector<16xf32>
        %sub3A_355 = arith.subf %sub3A_354, %div3A_331 : vector<16xf32>
        %mul3A_356 = arith.mulf %mul3A_352, %sub3A_355 : vector<16xf32>
        %sub3A_357 = arith.constant 1.000000e+00 : f32
        %sub3A_358 = vector.broadcast %sub3A_357 : f32 to vector<16xf32>
        %sub3A_359 = arith.subf %sub3A_358, %mul3A_356 : vector<16xf32>
        %max3A = arith.maximumf %div3A_236, %div3A_271 : vector<16xf32>
        %max3A_360 = arith.maximumf %div3A_306, %div3A_341 : vector<16xf32>
        %max3A_361 = arith.maximumf %max3A, %max3A_360 : vector<16xf32>
        %max3A_362 = arith.constant 1.000000e-10 : f32
        %max3A_363 = vector.broadcast %max3A_362 : f32 to vector<16xf32>
        %max3A_364 = arith.maximumf %max3A_361, %max3A_363 : vector<16xf32>
        %sub3A_365 = arith.subf %div3A_236, %max3A_364 : vector<16xf32>
        %div3A_366 = arith.constant 9.99999974E-5 : f32
        %div3A_367 = vector.broadcast %div3A_366 : f32 to vector<16xf32>
        %div3A_368 = arith.divf %sub3A_365, %div3A_367 : vector<16xf32>
        %exp3A_369 = math.exp %div3A_368 : vector<16xf32>
        %mul3A_370 = arith.mulf %div3A_227, %exp3A_369 : vector<16xf32>
        %sub3A_371 = arith.subf %div3A_271, %max3A_364 : vector<16xf32>
        %div3A_372 = arith.constant 9.99999974E-5 : f32
        %div3A_373 = vector.broadcast %div3A_372 : f32 to vector<16xf32>
        %div3A_374 = arith.divf %sub3A_371, %div3A_373 : vector<16xf32>
        %exp3A_375 = math.exp %div3A_374 : vector<16xf32>
        %mul3A_376 = arith.mulf %div3A_261, %exp3A_375 : vector<16xf32>
        %sub3A_377 = arith.subf %div3A_306, %max3A_364 : vector<16xf32>
        %div3A_378 = arith.constant 9.99999974E-5 : f32
        %div3A_379 = vector.broadcast %div3A_378 : f32 to vector<16xf32>
        %div3A_380 = arith.divf %sub3A_377, %div3A_379 : vector<16xf32>
        %exp3A_381 = math.exp %div3A_380 : vector<16xf32>
        %mul3A_382 = arith.mulf %div3A_296, %exp3A_381 : vector<16xf32>
        %sub3A_383 = arith.subf %div3A_341, %max3A_364 : vector<16xf32>
        %div3A_384 = arith.constant 9.99999974E-5 : f32
        %div3A_385 = vector.broadcast %div3A_384 : f32 to vector<16xf32>
        %div3A_386 = arith.divf %sub3A_383, %div3A_385 : vector<16xf32>
        %exp3A_387 = math.exp %div3A_386 : vector<16xf32>
        %mul3A_388 = arith.mulf %div3A_331, %exp3A_387 : vector<16xf32>
        %sub3A_389 = arith.constant 1.000000e-10 : f32
        %sub3A_390 = vector.broadcast %sub3A_389 : f32 to vector<16xf32>
        %sub3A_391 = arith.subf %sub3A_390, %max3A_364 : vector<16xf32>
        %div3A_392 = arith.constant 9.99999974E-5 : f32
        %div3A_393 = vector.broadcast %div3A_392 : f32 to vector<16xf32>
        %div3A_394 = arith.divf %sub3A_391, %div3A_393 : vector<16xf32>
        %exp3A_395 = math.exp %div3A_394 : vector<16xf32>
        %add3A_396 = arith.addf %mul3A_370, %mul3A_376 : vector<16xf32>
        %add3A_397 = arith.addf %add3A_396, %mul3A_382 : vector<16xf32>
        %add3A_398 = arith.addf %add3A_397, %mul3A_388 : vector<16xf32>
        %add3A_399 = arith.addf %add3A_398, %exp3A_395 : vector<16xf32>
        %div3A_400 = arith.constant 1.000000e+00 : f32
        %div3A_401 = vector.broadcast %div3A_400 : f32 to vector<16xf32>
        %div3A_402 = arith.divf %div3A_401, %add3A_399 : vector<16xf32>
        %mul3A_403 = arith.mulf %mul3A_370, %div3A_402 : vector<16xf32>
        %mul3A_404 = arith.mulf %mul3A_376, %div3A_402 : vector<16xf32>
        %mul3A_405 = arith.mulf %mul3A_382, %div3A_402 : vector<16xf32>
        %mul3A_406 = arith.mulf %mul3A_388, %div3A_402 : vector<16xf32>
        %mul3A_407 = arith.mulf %exp3A_395, %div3A_402 : vector<16xf32>
        %add3A_408 = arith.constant 0 : i32
        %add3A_409 = arith.addi %add3A_408, %add3A_209 : i32
        %add3A_410 = arith.constant 0 : i32
        %add3A_411 = arith.addi %add3A_409, %add3A_410 : i32
        %get3A_412 = arith.index_cast %add3A_411 : i32 to index
        %get3A_413 = tpu.vector_load %arg18[%get3A_412] {strides = array<i32>} : memref<6144xf32, #tpu.memory_space<vmem>>, vector<16xf32>,
        %mul3A_414 = arith.mulf %mul3A_403, %get3A_413 : vector<16xf32>
        %add3A_415 = arith.addf %mul3A_407, %mul3A_414 : vector<16xf32>
        %add3A_416 = arith.constant 0 : i32
        %add3A_417 = arith.addi %add3A_416, %add3A_209 : i32
        %add3A_418 = arith.constant 128 : i32
        %add3A_419 = arith.addi %add3A_417, %add3A_418 : i32
        %get3A_420 = arith.index_cast %add3A_419 : i32 to index
        %get3A_421 = tpu.vector_load %arg18[%get3A_420] {strides = array<i32>} : memref<6144xf32, #tpu.memory_space<vmem>>, vector<16xf32>,
        %mul3A_422 = arith.mulf %mul3A_404, %get3A_421 : vector<16xf32>
        %add3A_423 = arith.addf %add3A_415, %mul3A_422 : vector<16xf32>
        %add3A_424 = arith.constant 0 : i32
        %add3A_425 = arith.addi %add3A_424, %add3A_209 : i32
        %add3A_426 = arith.constant 256 : i32
        %add3A_427 = arith.addi %add3A_425, %add3A_426 : i32
        %get3A_428 = arith.index_cast %add3A_427 : i32 to index
        %get3A_429 = tpu.vector_load %arg18[%get3A_428] {strides = array<i32>} : memref<6144xf32, #tpu.memory_space<vmem>>, vector<16xf32>,
        %mul3A_430 = arith.mulf %mul3A_405, %get3A_429 : vector<16xf32>
        %add3A_431 = arith.addf %add3A_423, %mul3A_430 : vector<16xf32>
        %add3A_432 = arith.constant 0 : i32
        %add3A_433 = arith.addi %add3A_432, %add3A_209 : i32
        %add3A_434 = arith.constant 384 : i32
        %add3A_435 = arith.addi %add3A_433, %add3A_434 : i32
        %get3A_436 = arith.index_cast %add3A_435 : i32 to index
        %get3A_437 = tpu.vector_load %arg18[%get3A_436] {strides = array<i32>} : memref<6144xf32, #tpu.memory_space<vmem>>, vector<16xf32>,
        %mul3A_438 = arith.mulf %mul3A_406, %get3A_437 : vector<16xf32>
        %add3A_439 = arith.addf %add3A_431, %mul3A_438 : vector<16xf32>
        %add3A_440 = arith.constant 0 : i32
        %add3A_441 = arith.addi %add3A_209, %add3A_440 : i32
        %swap3A = arith.index_cast %add3A_441 : i32 to index
        %swap3A_442 = tpu.vector_load %arg20[%swap3A] {strides = array<i32>} : memref<2048xf32, #tpu.memory_space<vmem>>, vector<16xf32>,
        tpu.vector_store %arg20[%swap3A], %add3A_439 {strides = array<i32>} : memref<2048xf32, #tpu.memory_space<vmem>>, vector<16xf32>,
        %mul3A_443 = arith.mulf %exp3A_395, %div3A_402 : vector<16xf32>
        %add3A_444 = arith.constant 2048 : i32
        %add3A_445 = arith.addi %add3A_444, %add3A_209 : i32
        %add3A_446 = arith.constant 0 : i32
        %add3A_447 = arith.addi %add3A_445, %add3A_446 : i32
        %get3A_448 = arith.index_cast %add3A_447 : i32 to index
        %get3A_449 = tpu.vector_load %arg18[%get3A_448] {strides = array<i32>} : memref<6144xf32, #tpu.memory_space<vmem>>, vector<16xf32>,
        %mul3A_450 = arith.mulf %mul3A_403, %get3A_449 : vector<16xf32>
        %add3A_451 = arith.addf %mul3A_443, %mul3A_450 : vector<16xf32>
        %add3A_452 = arith.constant 2048 : i32
        %add3A_453 = arith.addi %add3A_452, %add3A_209 : i32
        %add3A_454 = arith.constant 128 : i32
        %add3A_455 = arith.addi %add3A_453, %add3A_454 : i32
        %get3A_456 = arith.index_cast %add3A_455 : i32 to index
        %get3A_457 = tpu.vector_load %arg18[%get3A_456] {strides = array<i32>} : memref<6144xf32, #tpu.memory_space<vmem>>, vector<16xf32>,
        %mul3A_458 = arith.mulf %mul3A_404, %get3A_457 : vector<16xf32>
        %add3A_459 = arith.addf %add3A_451, %mul3A_458 : vector<16xf32>
        %add3A_460 = arith.constant 2048 : i32
        %add3A_461 = arith.addi %add3A_460, %add3A_209 : i32
        %add3A_462 = arith.constant 256 : i32
        %add3A_463 = arith.addi %add3A_461, %add3A_462 : i32
        %get3A_464 = arith.index_cast %add3A_463 : i32 to index
        %get3A_465 = tpu.vector_load %arg18[%get3A_464] {strides = array<i32>} : memref<6144xf32, #tpu.memory_space<vmem>>, vector<16xf32>,
        %mul3A_466 = arith.mulf %mul3A_405, %get3A_465 : vector<16xf32>
        %add3A_467 = arith.addf %add3A_459, %mul3A_466 : vector<16xf32>
        %add3A_468 = arith.constant 2048 : i32
        %add3A_469 = arith.addi %add3A_468, %add3A_209 : i32
        %add3A_470 = arith.constant 384 : i32
        %add3A_471 = arith.addi %add3A_469, %add3A_470 : i32
        %get3A_472 = arith.index_cast %add3A_471 : i32 to index
        %get3A_473 = tpu.vector_load %arg18[%get3A_472] {strides = array<i32>} : memref<6144xf32, #tpu.memory_space<vmem>>, vector<16xf32>,
        %mul3A_474 = arith.mulf %mul3A_406, %get3A_473 : vector<16xf32>
        %add3A_475 = arith.addf %add3A_467, %mul3A_474 : vector<16xf32>
        %add3A_476 = arith.constant 128 : i32
        %add3A_477 = arith.addi %add3A_209, %add3A_476 : i32
        %swap3A_478 = arith.index_cast %add3A_477 : i32 to index
        %swap3A_479 = tpu.vector_load %arg20[%swap3A_478] {strides = array<i32>} : memref<2048xf32, #tpu.memory_space<vmem>>, vector<16xf32>,
        tpu.vector_store %arg20[%swap3A_478], %add3A_475 {strides = array<i32>} : memref<2048xf32, #tpu.memory_space<vmem>>, vector<16xf32>,
        %mul3A_480 = arith.mulf %exp3A_395, %div3A_402 : vector<16xf32>
        %add3A_481 = arith.constant 4096 : i32
        %add3A_482 = arith.addi %add3A_481, %add3A_209 : i32
        %add3A_483 = arith.constant 0 : i32
        %add3A_484 = arith.addi %add3A_482, %add3A_483 : i32
        %get3A_485 = arith.index_cast %add3A_484 : i32 to index
        %get3A_486 = tpu.vector_load %arg18[%get3A_485] {strides = array<i32>} : memref<6144xf32, #tpu.memory_space<vmem>>, vector<16xf32>,
        %mul3A_487 = arith.mulf %mul3A_403, %get3A_486 : vector<16xf32>
        %add3A_488 = arith.addf %mul3A_480, %mul3A_487 : vector<16xf32>
        %add3A_489 = arith.constant 4096 : i32
        %add3A_490 = arith.addi %add3A_489, %add3A_209 : i32
        %add3A_491 = arith.constant 128 : i32
        %add3A_492 = arith.addi %add3A_490, %add3A_491 : i32
        %get3A_493 = arith.index_cast %add3A_492 : i32 to index
        %get3A_494 = tpu.vector_load %arg18[%get3A_493] {strides = array<i32>} : memref<6144xf32, #tpu.memory_space<vmem>>, vector<16xf32>,
        %mul3A_495 = arith.mulf %mul3A_404, %get3A_494 : vector<16xf32>
        %add3A_496 = arith.addf %add3A_488, %mul3A_495 : vector<16xf32>
        %add3A_497 = arith.constant 4096 : i32
        %add3A_498 = arith.addi %add3A_497, %add3A_209 : i32
        %add3A_499 = arith.constant 256 : i32
        %add3A_500 = arith.addi %add3A_498, %add3A_499 : i32
        %get3A_501 = arith.index_cast %add3A_500 : i32 to index
        %get3A_502 = tpu.vector_load %arg18[%get3A_501] {strides = array<i32>} : memref<6144xf32, #tpu.memory_space<vmem>>, vector<16xf32>,
        %mul3A_503 = arith.mulf %mul3A_405, %get3A_502 : vector<16xf32>
        %add3A_504 = arith.addf %add3A_496, %mul3A_503 : vector<16xf32>
        %add3A_505 = arith.constant 4096 : i32
        %add3A_506 = arith.addi %add3A_505, %add3A_209 : i32
        %add3A_507 = arith.constant 384 : i32
        %add3A_508 = arith.addi %add3A_506, %add3A_507 : i32
        %get3A_509 = arith.index_cast %add3A_508 : i32 to index
        %get3A_510 = tpu.vector_load %arg18[%get3A_509] {strides = array<i32>} : memref<6144xf32, #tpu.memory_space<vmem>>, vector<16xf32>,
        %mul3A_511 = arith.mulf %mul3A_406, %get3A_510 : vector<16xf32>
        %add3A_512 = arith.addf %add3A_504, %mul3A_511 : vector<16xf32>
        %add3A_513 = arith.constant 256 : i32
        %add3A_514 = arith.addi %add3A_209, %add3A_513 : i32
        %swap3A_515 = arith.index_cast %add3A_514 : i32 to index
        %swap3A_516 = tpu.vector_load %arg20[%swap3A_515] {strides = array<i32>} : memref<2048xf32, #tpu.memory_space<vmem>>, vector<16xf32>,
        tpu.vector_store %arg20[%swap3A_515], %add3A_512 {strides = array<i32>} : memref<2048xf32, #tpu.memory_space<vmem>>, vector<16xf32>,
        %add3A_517 = arith.constant 384 : i32
        %add3A_518 = arith.addi %add3A_209, %add3A_517 : i32
        %swap3A_519 = arith.index_cast %add3A_518 : i32 to index
        %swap3A_520 = tpu.vector_load %arg20[%swap3A_519] {strides = array<i32>} : memref<2048xf32, #tpu.memory_space<vmem>>, vector<16xf32>,
        tpu.vector_store %arg20[%swap3A_519], %sub3A_359 {strides = array<i32>} : memref<2048xf32, #tpu.memory_space<vmem>>, vector<16xf32>,
      }
      %scan3A_194 = arith.constant 32 : i32
      %mul3A_195 = arith.constant 131072 : i32
      %mul3A_196 = arith.muli %add3A, %mul3A_195 : i32
      %mul3A_197 = arith.constant 2048 : i32
      %mul3A_198 = arith.muli %add3A_130, %mul3A_197 : i32
      %add3A_199 = arith.addi %mul3A_196, %mul3A_198 : i32
      %dma_start3A_200 = tpu.memref_slice %arg7[%add3A_199] : memref<4194304xf32, #tpu.memory_space<hbm>> -> memref<2048xf32, #tpu.memory_space<hbm>>
      %dma_start3A_201 = tpu.memref_slice %arg7[%add3A_199] : memref<4194304xf32, #tpu.memory_space<hbm>> -> memref<2048xf32, #tpu.memory_space<hbm>>
      tpu.enqueue_dma source(%arg20 : memref<2048xf32, #tpu.memory_space<vmem>>) target(%dma_start3A_201 : memref<2048xf32, #tpu.memory_space<hbm>>) target_semaphore(%arg28 : memref<!tpu.dma_semaphore, #tpu.memory_space<semaphore_mem>>)
    }
    %scan3A_44 = arith.constant 32 : i32
    %mul3A_45 = arith.constant 131072 : i32
    %mul3A_46 = arith.muli %add3A, %mul3A_45 : i32
    %add3A_47 = arith.constant 126976 : i32
    %add3A_48 = arith.addi %mul3A_46, %add3A_47 : i32
    %dma_wait3A_49 = tpu.memref_slice %arg7[%add3A_48] : memref<4194304xf32, #tpu.memory_space<hbm>> -> memref<2048xf32, #tpu.memory_space<hbm>>
    %dma_wait3A_50 = tpu.memref_slice %arg7[%add3A_48] : memref<4194304xf32, #tpu.memory_space<hbm>> -> memref<2048xf32, #tpu.memory_space<hbm>>
    tpu.wait_dma2 semaphore(%arg27 : memref<!tpu.dma_semaphore, #tpu.memory_space<semaphore_mem>>) src(%arg19 : memref<2048xf32, #tpu.memory_space<vmem>>) dst(%dma_wait3A_50 : memref<2048xf32, #tpu.memory_space<hbm>>)
    %mul3A_51 = arith.constant 131072 : i32
    %mul3A_52 = arith.muli %add3A, %mul3A_51 : i32
    %add3A_53 = arith.constant 129024 : i32
    %add3A_54 = arith.addi %mul3A_52, %add3A_53 : i32
    %dma_wait3A_55 = tpu.memref_slice %arg7[%add3A_54] : memref<4194304xf32, #tpu.memory_space<hbm>> -> memref<2048xf32, #tpu.memory_space<hbm>>
    %dma_wait3A_56 = tpu.memref_slice %arg7[%add3A_54] : memref<4194304xf32, #tpu.memory_space<hbm>> -> memref<2048xf32, #tpu.memory_space<hbm>>
    tpu.wait_dma2 semaphore(%arg28 : memref<!tpu.dma_semaphore, #tpu.memory_space<semaphore_mem>>) src(%arg20 : memref<2048xf32, #tpu.memory_space<vmem>>) dst(%dma_wait3A_56 : memref<2048xf32, #tpu.memory_space<hbm>>)
    return
  }
}

#map = affine_map<(d0, d1) -> (0)>
module attributes {stable_mosaic.version = 14 : i64} {
  func.func @k(%arg0: i32, %arg1: i32, %arg2: memref<300000xf32, #tpu.memory_space<hbm>>, %arg3: memref<800000xf32, #tpu.memory_space<hbm>>, %arg4: memref<9408xf32, #tpu.memory_space<vmem>>, %arg5: memref<25088xf32, #tpu.memory_space<vmem>>) attributes {dimension_semantics = [#tpu.dimension_semantics<core_parallel>, #tpu.dimension_semantics<subcore_parallel>], iteration_bounds = array<i64: 2, 16>, scalar_prefetch = 0 : i64, scratch_operands = 2 : i64, tpu.core_type = #tpu.core_type<sc_vector_subcore>, window_params = [{transform_indices = #map}, {transform_indices = #map}]} {
    %mul3A = arith.constant 2 : i32
    %mul3A_0 = arith.muli %arg1, %mul3A : i32
    %add3A = arith.addi %mul3A_0, %arg0 : i32
    %mul3A_1 = arith.constant 3136 : i32
    %mul3A_2 = arith.muli %add3A, %mul3A_1 : i32
    %min3A = arith.constant 96864 : i32
    %min3A_3 = arith.minsi %mul3A_2, %min3A : i32
    %mul3A_4 = arith.constant 3 : i32
    %mul3A_5 = arith.muli %min3A_3, %mul3A_4 : i32
    "tpu.region"() ({
      %run_scoped3A = tpu.sem_alloc : memref<!tpu.dma_semaphore, #tpu.memory_space<semaphore_mem>>
      %dma_start3A = tpu.memref_slice %arg2[%mul3A_5] : memref<300000xf32, #tpu.memory_space<hbm>> -> memref<9408xf32, #tpu.memory_space<hbm>>
      %dma_start3A_19 = tpu.memref_slice %arg2[%mul3A_5] : memref<300000xf32, #tpu.memory_space<hbm>> -> memref<9408xf32, #tpu.memory_space<hbm>>
      tpu.enqueue_dma source(%dma_start3A_19 : memref<9408xf32, #tpu.memory_space<hbm>>) target(%arg4 : memref<9408xf32, #tpu.memory_space<vmem>>) target_semaphore(%run_scoped3A : memref<!tpu.dma_semaphore, #tpu.memory_space<semaphore_mem>>)
      %dma_wait3A = tpu.memref_slice %arg2[%mul3A_5] : memref<300000xf32, #tpu.memory_space<hbm>> -> memref<9408xf32, #tpu.memory_space<hbm>>
      %dma_wait3A_20 = tpu.memref_slice %arg2[%mul3A_5] : memref<300000xf32, #tpu.memory_space<hbm>> -> memref<9408xf32, #tpu.memory_space<hbm>>
      tpu.wait_dma2 semaphore(%run_scoped3A : memref<!tpu.dma_semaphore, #tpu.memory_space<semaphore_mem>>) src(%dma_wait3A_20 : memref<9408xf32, #tpu.memory_space<hbm>>) dst(%arg4 : memref<9408xf32, #tpu.memory_space<vmem>>)
      tpu.yield
    }) : () -> ()
    %iota3A = tpu.iota {dimensions = array<i32: 0>} : vector<16xi32>
    %mul3A_6 = arith.constant 3 : i32
    %mul3A_7 = vector.broadcast %mul3A_6 : i32 to vector<16xi32>
    %mul3A_8 = arith.muli %iota3A, %mul3A_7 : vector<16xi32>
    %mul3A_9 = arith.constant 8 : i32
    %mul3A_10 = vector.broadcast %mul3A_9 : i32 to vector<16xi32>
    %mul3A_11 = arith.muli %iota3A, %mul3A_10 : vector<16xi32>
    %scan3A = arith.constant 0 : i32
    %scan3A_12 = arith.constant 0 : i32
    %scan3A_13 = arith.constant 196 : i32
    %scan3A_14 = arith.addi %scan3A_12, %scan3A_13 : i32
    %scan3A_15 = arith.constant 1 : i32
    scf.for %scan3A_19 = %scan3A_12 to %scan3A_14 step %scan3A_15  : i32 {
      %mul3A_20 = arith.constant 48 : i32
      %mul3A_21 = arith.muli %scan3A_19, %mul3A_20 : i32
      %add3A_22 = arith.constant 0 : i32
      %add3A_23 = arith.addi %mul3A_21, %add3A_22 : i32
      %add3A_24 = vector.broadcast %add3A_23 : i32 to vector<16xi32>
      %add3A_25 = arith.addi %mul3A_8, %add3A_24 : vector<16xi32>
      %gather3A = tpu.vector_load_idx %arg4[%add3A_25] : memref<9408xf32, #tpu.memory_space<vmem>>[vector<16xi32>], vector<16xf32>,
      %mul3A_26 = arith.constant 48 : i32
      %mul3A_27 = arith.muli %scan3A_19, %mul3A_26 : i32
      %add3A_28 = arith.constant 1 : i32
      %add3A_29 = arith.addi %mul3A_27, %add3A_28 : i32
      %add3A_30 = vector.broadcast %add3A_29 : i32 to vector<16xi32>
      %add3A_31 = arith.addi %mul3A_8, %add3A_30 : vector<16xi32>
      %gather3A_32 = tpu.vector_load_idx %arg4[%add3A_31] : memref<9408xf32, #tpu.memory_space<vmem>>[vector<16xi32>], vector<16xf32>,
      %mul3A_33 = arith.constant 48 : i32
      %mul3A_34 = arith.muli %scan3A_19, %mul3A_33 : i32
      %add3A_35 = arith.constant 2 : i32
      %add3A_36 = arith.addi %mul3A_34, %add3A_35 : i32
      %add3A_37 = vector.broadcast %add3A_36 : i32 to vector<16xi32>
      %add3A_38 = arith.addi %mul3A_8, %add3A_37 : vector<16xi32>
      %gather3A_39 = tpu.vector_load_idx %arg4[%add3A_38] : memref<9408xf32, #tpu.memory_space<vmem>>[vector<16xi32>], vector<16xf32>,
      %add3A_40 = arith.constant 1.000000e+00 : f32
      %add3A_41 = vector.broadcast %add3A_40 : f32 to vector<16xf32>
      %add3A_42 = arith.addf %gather3A, %add3A_41 : vector<16xf32>
      %div3A = arith.constant 2.000000e+00 : f32
      %div3A_43 = vector.broadcast %div3A : f32 to vector<16xf32>
      %div3A_44 = arith.divf %add3A_42, %div3A_43 : vector<16xf32>
      %add3A_45 = arith.constant 1.000000e+00 : f32
      %add3A_46 = vector.broadcast %add3A_45 : f32 to vector<16xf32>
      %add3A_47 = arith.addf %gather3A_32, %add3A_46 : vector<16xf32>
      %div3A_48 = arith.constant 2.000000e+00 : f32
      %div3A_49 = vector.broadcast %div3A_48 : f32 to vector<16xf32>
      %div3A_50 = arith.divf %add3A_47, %div3A_49 : vector<16xf32>
      %add3A_51 = arith.constant 3.000000e+00 : f32
      %add3A_52 = vector.broadcast %add3A_51 : f32 to vector<16xf32>
      %add3A_53 = arith.addf %gather3A_39, %add3A_52 : vector<16xf32>
      %div3A_54 = arith.constant 4.000000e+00 : f32
      %div3A_55 = vector.broadcast %div3A_54 : f32 to vector<16xf32>
      %div3A_56 = arith.divf %add3A_53, %div3A_55 : vector<16xf32>
      %mul3A_57 = arith.mulf %div3A_44, %div3A_44 : vector<16xf32>
      %mul3A_58 = arith.mulf %div3A_50, %div3A_50 : vector<16xf32>
      %add3A_59 = arith.addf %mul3A_57, %mul3A_58 : vector<16xf32>
      %mul3A_60 = arith.mulf %div3A_56, %div3A_56 : vector<16xf32>
      %add3A_61 = arith.addf %add3A_59, %mul3A_60 : vector<16xf32>
      %bitcast_convert_type3A = tpu.bitcast %add3A_61 : vector<16xf32> -> vector<16xi32>
      %shift_right_arithmetic3A = arith.constant 1 : i32
      %shift_right_arithmetic3A_62 = vector.broadcast %shift_right_arithmetic3A : i32 to vector<16xi32>
      %shift_right_arithmetic3A_63 = arith.shrsi %bitcast_convert_type3A, %shift_right_arithmetic3A_62 : vector<16xi32>
      %sub3A = arith.constant 1597463007 : i32
      %sub3A_64 = vector.broadcast %sub3A : i32 to vector<16xi32>
      %sub3A_65 = arith.subi %sub3A_64, %shift_right_arithmetic3A_63 : vector<16xi32>
      %bitcast_convert_type3A_66 = tpu.bitcast %sub3A_65 : vector<16xi32> -> vector<16xf32>
      %mul3A_67 = arith.constant 5.000000e-01 : f32
      %mul3A_68 = vector.broadcast %mul3A_67 : f32 to vector<16xf32>
      %mul3A_69 = arith.mulf %mul3A_68, %add3A_61 : vector<16xf32>
      %mul3A_70 = arith.mulf %mul3A_69, %bitcast_convert_type3A_66 : vector<16xf32>
      %mul3A_71 = arith.mulf %mul3A_70, %bitcast_convert_type3A_66 : vector<16xf32>
      %sub3A_72 = arith.constant 1.500000e+00 : f32
      %sub3A_73 = vector.broadcast %sub3A_72 : f32 to vector<16xf32>
      %sub3A_74 = arith.subf %sub3A_73, %mul3A_71 : vector<16xf32>
      %mul3A_75 = arith.mulf %bitcast_convert_type3A_66, %sub3A_74 : vector<16xf32>
      %mul3A_76 = arith.constant 5.000000e-01 : f32
      %mul3A_77 = vector.broadcast %mul3A_76 : f32 to vector<16xf32>
      %mul3A_78 = arith.mulf %mul3A_77, %add3A_61 : vector<16xf32>
      %mul3A_79 = arith.mulf %mul3A_78, %mul3A_75 : vector<16xf32>
      %mul3A_80 = arith.mulf %mul3A_79, %mul3A_75 : vector<16xf32>
      %sub3A_81 = arith.constant 1.500000e+00 : f32
      %sub3A_82 = vector.broadcast %sub3A_81 : f32 to vector<16xf32>
      %sub3A_83 = arith.subf %sub3A_82, %mul3A_80 : vector<16xf32>
      %mul3A_84 = arith.mulf %mul3A_75, %sub3A_83 : vector<16xf32>
      %mul3A_85 = arith.constant 5.000000e-01 : f32
      %mul3A_86 = vector.broadcast %mul3A_85 : f32 to vector<16xf32>
      %mul3A_87 = arith.mulf %mul3A_86, %add3A_61 : vector<16xf32>
      %mul3A_88 = arith.mulf %mul3A_87, %mul3A_84 : vector<16xf32>
      %mul3A_89 = arith.mulf %mul3A_88, %mul3A_84 : vector<16xf32>
      %sub3A_90 = arith.constant 1.500000e+00 : f32
      %sub3A_91 = vector.broadcast %sub3A_90 : f32 to vector<16xf32>
      %sub3A_92 = arith.subf %sub3A_91, %mul3A_89 : vector<16xf32>
      %mul3A_93 = arith.mulf %mul3A_84, %sub3A_92 : vector<16xf32>
      %mul3A_94 = arith.constant 128 : i32
      %mul3A_95 = arith.muli %scan3A_19, %mul3A_94 : i32
      %add3A_96 = arith.constant 0 : i32
      %add3A_97 = arith.addi %mul3A_95, %add3A_96 : i32
      %add3A_98 = vector.broadcast %add3A_97 : i32 to vector<16xi32>
      %add3A_99 = arith.addi %mul3A_11, %add3A_98 : vector<16xi32>
      %mul3A_100 = arith.mulf %div3A_44, %mul3A_93 : vector<16xf32>
      tpu.vector_store_idx %arg5[%add3A_99], %mul3A_100 : memref<25088xf32, #tpu.memory_space<vmem>>[vector<16xi32>], vector<16xf32>,
      %mul3A_101 = arith.constant 128 : i32
      %mul3A_102 = arith.muli %scan3A_19, %mul3A_101 : i32
      %add3A_103 = arith.constant 1 : i32
      %add3A_104 = arith.addi %mul3A_102, %add3A_103 : i32
      %add3A_105 = vector.broadcast %add3A_104 : i32 to vector<16xi32>
      %add3A_106 = arith.addi %mul3A_11, %add3A_105 : vector<16xi32>
      %mul3A_107 = arith.mulf %div3A_50, %mul3A_93 : vector<16xf32>
      tpu.vector_store_idx %arg5[%add3A_106], %mul3A_107 : memref<25088xf32, #tpu.memory_space<vmem>>[vector<16xi32>], vector<16xf32>,
      %mul3A_108 = arith.constant 128 : i32
      %mul3A_109 = arith.muli %scan3A_19, %mul3A_108 : i32
      %add3A_110 = arith.constant 2 : i32
      %add3A_111 = arith.addi %mul3A_109, %add3A_110 : i32
      %add3A_112 = vector.broadcast %add3A_111 : i32 to vector<16xi32>
      %add3A_113 = arith.addi %mul3A_11, %add3A_112 : vector<16xi32>
      %mul3A_114 = arith.mulf %div3A_56, %mul3A_93 : vector<16xf32>
      tpu.vector_store_idx %arg5[%add3A_113], %mul3A_114 : memref<25088xf32, #tpu.memory_space<vmem>>[vector<16xi32>], vector<16xf32>,
    }
    %scan3A_16 = arith.constant 196 : i32
    %mul3A_17 = arith.constant 8 : i32
    %mul3A_18 = arith.muli %min3A_3, %mul3A_17 : i32
    "tpu.region"() ({
      %run_scoped3A = tpu.sem_alloc : memref<!tpu.dma_semaphore, #tpu.memory_space<semaphore_mem>>
      %dma_start3A = tpu.memref_slice %arg3[%mul3A_18] : memref<800000xf32, #tpu.memory_space<hbm>> -> memref<25088xf32, #tpu.memory_space<hbm>>
      %dma_start3A_19 = tpu.memref_slice %arg3[%mul3A_18] : memref<800000xf32, #tpu.memory_space<hbm>> -> memref<25088xf32, #tpu.memory_space<hbm>>
      tpu.enqueue_dma source(%arg5 : memref<25088xf32, #tpu.memory_space<vmem>>) target(%dma_start3A_19 : memref<25088xf32, #tpu.memory_space<hbm>>) target_semaphore(%run_scoped3A : memref<!tpu.dma_semaphore, #tpu.memory_space<semaphore_mem>>)
      %dma_wait3A = tpu.memref_slice %arg3[%mul3A_18] : memref<800000xf32, #tpu.memory_space<hbm>> -> memref<25088xf32, #tpu.memory_space<hbm>>
      %dma_wait3A_20 = tpu.memref_slice %arg3[%mul3A_18] : memref<800000xf32, #tpu.memory_space<hbm>> -> memref<25088xf32, #tpu.memory_space<hbm>>
      tpu.wait_dma2 semaphore(%run_scoped3A : memref<!tpu.dma_semaphore, #tpu.memory_space<semaphore_mem>>) src(%arg5 : memref<25088xf32, #tpu.memory_space<vmem>>) dst(%dma_wait3A_20 : memref<25088xf32, #tpu.memory_space<hbm>>)
      tpu.yield
    }) : () -> ()
    return
  }
}

</mosaic_0001>

<sc_bundles>
// kernel: kernel.11.cloned.1.call-start
scs
__scs_entry_jumppad:
0x0: {  	(pc) =	sbr.rel $0x88, $3  }
0x1: {  	(tag) =	ssettag $0x0;
	lr =	simm.s32 $0x1  }
0x2: {  	[smem:$0x3F9B] =	sst lr;
	_ =	strace $0xD0000000  }
0x3: {  	_ = 	snop  }
0x4: {  	_ = 	snop  }
0x5: {  	_ = 	snop  }
0x6: {  	_ = 	snop  }
0x7: {  	_ = 	snop  }
__scs_overlays_trampoline_lowered:
0x8: {  	[smem:$0x3FAA] =	sst s0  }
0x9: {  	[smem:$0x3FAB] =	sst s1  }
0xa: {  	[smem:$0x3FAC] =	sst s2  }
0xb: {  	[smem:$0x3FAD] =	sst s3  }
0xc: {  	[smem:$0x3FAE] =	sst s4  }
0xd: {  	[smem:$0x3FAF] =	sst s5  }
0xe: {  	[smem:$0x3FB0] =	sst s6  }
0xf: {  	[smem:$0x3FB1] =	sst s7  }
0x10: {  	[smem:$0x3FB2] =	sst s8  }
0x11: {  	[smem:$0x3FB3] =	sst s9;
	s0 =	simm.s32 @!p0 $0x0  }
0x12: {  	s1 =	sld [smem:$0x3F99];
	s0 =	simm.s32 @p0 $0x1  }
0x13: {  	[smem:$0x3FB4] =	sst s0;
	s0 =	simm.s32 @!p1 $0x0  }
0x14: {  	s2 =	sld [smem:$0x3F98];
	s0 =	simm.s32 @p1 $0x1  }
0x15: {  	[smem:$0x3FB5] =	sst s0;
	s0 =	simm.s32 @!p2 $0x0  }
0x16: {  	s3 =	sld [smem:$0x3FDB];
	s0 =	simm.s32 @p2 $0x1  }
0x17: {  	s4 =	simm.s32 $0x1BF5;
	[smem:$0x3FB7] =	sst s0  }
0x18: {  	s0 =	sld [smem:$0x3F9A];
	_ =	swait.ge [sflag:s4], $0x0  }
0x19: {  	s7 =	sld [smem:$0x3F9B]  }
0x1a: {  	s8 =	sadd.s32 $0xFFFFE003, lr  }
0x1b: {  	s9 =	sadd.s32 $0xFFFFFEF7, lr;
	s5 =	simm.s32 $0xFFFFFFFF;
	p2 =	slt.u32 s8, $0xFFFFF086  }
0x1c: {  	p1 =	slt.u32 s9, $0xF7A;
	s5 =	simm.s32 @!p2 $0x0  }
0x1d: {  	s5 =	simm.s32 @p1 $0x1;
	p0 =	seq.s32 s7, s2  }
0x1e: {  	s7 =	smul.u32 @!p0 $0xF7A, s2;
	p2 =	seq.s32 @!p0 s5, $0x0  }
0x1f: {  	s9 =	smul.u32 $0xF7A, s1;
	s8 =	simm.s32 @!p0 $0x1BF5;
	p2 =	por !p2, p0  }
0x20: {  	[sflag:s8] =	ssyncset.s32 @!p0 $0xFFFFF086;
	s6 =	sadd.s32 @!p0 s3, s7;
	s7 =	simm.s32 @!p0 $0x108  }
0x21: {  	s3 =	sadd.s32 s3, s9;
	s6 =	sadd.s32 @!p0 $0x88, s6;
	s7 =	simm.s32 @p2 $0x1082  }
0x22: {  	[simem:s7], [sflag:s8] =	dma.local @!p0 [hbm:s6], $0xF7A  }
0x23: {  	s9 =	sor.u32 $0xD0000000, s2;
	s6 =	simm.s32 $0x108;
	_ =	swait.ge @!p0 [sflag:s8], $0x0  }
0x24: {  	s3 =	sadd.s32 $0x88, s3;
	s6 =	simm.s32 @!p1 $0x1082;
	[sflag:s4] =	ssyncset.s32 $0xFFFFF086  }
0x25: {  	[simem:s6], [sflag:s4] =	dma.local [hbm:s3], $0xF7A  }
0x26: {  	[smem:$0x3F9B] =	sst s1;
	(tag) =	ssettag s2;
	_ =	strace s9  }
0x27: {  	s1 =	sld [smem:$0x3FAB]  }
0x28: {  	s2 =	sld [smem:$0x3FAC]  }
0x29: {  	s4 =	sld [smem:$0x3FAE]  }
0x2a: {  	p0 =	seq.s32 s5, $0x0;
	s5 =	sld [smem:$0x3FAF]  }
0x2b: {  	s6 =	sld [smem:$0x3FB0]  }
0x2c: {  	s7 =	sld [smem:$0x3FB1]  }
0x2d: {  	s3 =	simm.s32 $0x108;
	s8 =	sld [smem:$0x3FB2]  }
0x2e: {  	s3 =	simm.s32 @!p0 $0x1082;
	s9 =	sld [smem:$0x3FB3]  }
0x2f: {  	lr =	sadd.s32 s0, s3;
	s0 =	sld [smem:$0x3FAA]  }
0x30: {  	s3 =	sld [smem:$0x3FAD]  }
0x31: {  	[smem:$0x3FB6] =	sst s10  }
0x32: {  	s10 =	sld [smem:$0x3FB4];
	_ =	sdelay $0x3  }
0x33: {  	p0 =	seq.s32 s10, $0x1;
	s10 =	sld [smem:$0x3FB6];
	_ =	sdelay $0x3  }
0x34: {  	[smem:$0x3FB6] =	sst s10  }
0x35: {  	s10 =	sld [smem:$0x3FB5];
	_ =	sdelay $0x3  }
0x36: {  	p1 =	seq.s32 s10, $0x1;
	s10 =	sld [smem:$0x3FB6];
	_ =	sdelay $0x3  }
0x37: {  	[smem:$0x3FB6] =	sst s10  }
0x38: {  	s10 =	sld [smem:$0x3FB7]  }
0x39: {  	_ = 	snop;
	(pc) =	sbr.ind lr, $3  }
0x3a: {  	_ = 	snop  }
0x3b: {  	_ = 	snop  }
0x3c: {  	p2 =	seq.s32 s10, $0x1;
	s10 =	sld [smem:$0x3FB6]  }
0x3d: {  	_ =	shalt  }
0x3e: {  	_ =	shalt  }
0x3f: {  	_ =	shalt  }
0x40: {  	_ =	shalt  }
0x41: {  	_ =	shalt  }
0x42: {  	_ =	shalt  }
0x43: {  	_ =	shalt  }
0x44: {  	_ =	shalt  }
0x45: {  	_ =	shalt  }
0x46: {  	_ =	shalt  }
0x47: {  	_ =	shalt  }
0x48: {  	_ =	shalt  }
0x49: {  	_ =	shalt  }
0x4a: {  	_ =	shalt  }
0x4b: {  	_ =	shalt  }
0x4c: {  	_ =	shalt  }
0x4d: {  	_ =	shalt  }
0x4e: {  	_ =	shalt  }
0x4f: {  	_ =	shalt  }
0x50: {  	_ =	shalt  }
0x51: {  	_ =	shalt  }
0x52: {  	_ =	shalt  }
0x53: {  	_ =	shalt  }
0x54: {  	_ =	shalt  }
0x55: {  	_ =	shalt  }
0x56: {  	_ =	shalt  }
0x57: {  	_ =	shalt  }
0x58: {  	_ =	shalt  }
0x59: {  	_ =	shalt  }
0x5a: {  	_ =	shalt  }
0x5b: {  	_ =	shalt  }
0x5c: {  	_ =	shalt  }
0x5d: {  	_ =	shalt  }
0x5e: {  	_ =	shalt  }
0x5f: {  	_ =	shalt  }
0x60: {  	_ =	shalt  }
0x61: {  	_ =	shalt  }
0x62: {  	_ =	shalt  }
0x63: {  	_ =	shalt  }
0x64: {  	_ =	shalt  }
0x65: {  	_ =	shalt  }
0x66: {  	_ =	shalt  }
0x67: {  	_ =	shalt  }
0x68: {  	_ =	shalt  }
0x69: {  	_ =	shalt  }
0x6a: {  	_ =	shalt  }
0x6b: {  	_ =	shalt  }
0x6c: {  	_ =	shalt  }
0x6d: {  	_ =	shalt  }
0x6e: {  	_ =	shalt  }
0x6f: {  	_ =	shalt  }
0x70: {  	_ =	shalt  }
0x71: {  	_ =	shalt  }
0x72: {  	_ =	shalt  }
0x73: {  	_ =	shalt  }
0x74: {  	_ =	shalt  }
0x75: {  	_ =	shalt  }
0x76: {  	_ =	shalt  }
0x77: {  	_ =	shalt  }
0x78: {  	_ =	shalt  }
0x79: {  	_ =	shalt  }
0x7a: {  	_ =	shalt  }
0x7b: {  	_ =	shalt  }
0x7c: {  	_ =	shalt  }
0x7d: {  	_ =	shalt  }
0x7e: {  	_ =	shalt  }
0x7f: {  	_ =	shalt  }
0x80: {  	_ =	shalt  }
0x81: {  	_ =	shalt  }
0x82: {  	_ =	shalt  }
0x83: {  	_ =	shalt  }
0x84: {  	_ =	shalt  }
0x85: {  	_ =	shalt  }
0x86: {  	_ =	shalt  }
0x87: {  	_ =	shalt  }
.Lfunc_end0:
.L_simem_size_0:
called_computation.2_lowered:
.L_overlay_start_0:
0x88: {  	s2 =	sld [smem:$0x3FD9]  }
0x89: {  	s3 =	sld [smem:$0x3FFE];
	_ =	sdelay $0x1  }
0x8a: {  	s1 =	srdreg.scid  }
0x8b: {  	s0 =	sand.u32 $0x1, s1  }
0x8c: {  	s17 =	sshll.u32 s0, $0xA;
	s2 =	sadd.s32 s3, s2  }
0x8d: {  	s2 =	sadd.s32 s2, s17  }
0x8e: {  	[smem:$0x3FC2] =	sst s2  }
0x8f: {  	_ = 	snop  }
0x90: {  	s2 =	sld [smem:$0x3FC9]  }
0x91: {  	s18 =	sld [smem:$0x3FC8]  }
0x92: {  	s4 =	sld [smem:$0x3FC7]  }
0x93: {  	s5 =	sld [smem:$0x3FC6]  }
0x94: {  	s6 =	sld [smem:$0x3FD0];
	(tm) =	ssettm $0x1  }
0x95: {  	s7 =	sld [smem:$0x3FFB];
	_ =	sdelay $0x3  }
0x96: {  	_ =	strace s7  }
0x97: {  	s7 =	sld [smem:$0x3FFC];
	_ =	sdelay $0x3  }
0x98: {  	_ =	strace s7  }
0x99: {  	s7 =	sld [smem:$0x3FFD];
	_ =	sdelay $0x3  }
0x9a: {  	_ =	strace s7  }
0x9b: {  	_ =	strace $0x8FFFFFFF  }
0x9c: {  	s19 =	sld [smem:$0x3FDB];
	_ =	sdelay $0x1  }
0x9d: {  	s8 =	simm.s32 $_scs_section_size  }
0x9e: {  	s9 =	simm.s32 $_size__tile_overlayer_lowered;
	s10 =	simm.s32 $_tile_overlayer_lowered  }
0x9f: {  	s22 =	simm.s32 $0x1BFF;
	s21 =	sshll.u32 s10, $0x1;
	s7 =	sadd.s32 s8, s19  }
0xa0: {  	s11 =	simm.s32 $0x0;
	s20 =	sshll.u32 s9, $0x1;
	s9 =	sadd.s32 s21, s7  }
0xa1: {  	[timem:s11], [sflag:s22] =	dma.local [hbm:s9], s20  }
0xa2: {  	_ =	swait.ge [sflag:s22], s20  }
0xa3: {  	s8 =	ssub.s32 $0x0, s20;
	[sflag:s22] =	ssyncset.done $0x0  }
0xa4: {  	[sflag:s22] =	ssyncadd.s32 s8;
	_ =	sdelay $0x1  }
0xa5: {  	s23 =	simm.s32 $0x1B8B  }
0xa6: {  	_ =	swait.ge [sflag:s23], $0x1  }
0xa7: {  	[sflag:s23] =	ssyncset.done $0x0  }
0xa8: {  	s25 =	simm.s32 $0x1B8E;
	s24 =	sld [smem:$0x3FFE];
	[sflag:s23] =	ssyncadd.s32 $0xFFFFFFFF  }
0xa9: {  	s26 =	simm.s32 $execute0_lowered;
	[smem:$0x3FD2] =	sst s25  }
0xaa: {  	s9 =	sshll.u32 s26, $0x1;
	_ =	strace $0x8000004C;
	[dreg:$0x1] =	wrdreg $0xFFFFFFFF  }
0xab: {  	s28 =	simm.s32 $_size_execute0_lowered;
	s7 =	sadd.s32 s7, s9;
	[dreg:$0x0] =	wrdreg $0x0  }
0xac: {  	s9 =	sshll.u32 s28, $0x1;
	[dreg:$0x2] =	wrdreg s7  }
0xad: {  	[dreg:$0x3] =	wrdreg s9  }
0xae: {  	[dreg:$0x4] =	wrdreg $0xC0  }
0xaf: {  	_ =	task [dreg:s11], $0x5FFFF  }
0xb0: {  	[dreg:$0x1] =	wrdreg $0xFFFFFFFF  }
0xb1: {  	[dreg:$0x0] =	wrdreg $0x60  }
0xb2: {  	[dreg:$0x2] =	wrdreg s2  }
0xb3: {  	[dreg:$0x3] =	wrdreg s18  }
0xb4: {  	[dreg:$0x4] =	wrdreg s4  }
0xb5: {  	[dreg:$0x5] =	wrdreg s5  }
0xb6: {  	[dreg:$0x6] =	wrdreg s24  }
0xb7: {  	[dreg:$0x7] =	wrdreg s6  }
0xb8: {  	[dreg:$0x8] =	wrdreg $0x9  }
0xb9: {  	_ =	task.clear_ibuf [dreg:s11], $0x9FFFF;
	_ =	strace $0x9000004C  }
0xba: {  	s29 =	simm.s32 $0x9;
	_ =	strace $0x8000004E  }
0xbb: {  	_ =	swait.ge [sflag:s29], $0x1  }
0xbc: {  	[sflag:s29] =	ssyncadd.s32 $0xFFFFFFFF  }
0xbd: {  	_ =	strace $0x9000004E  }
0xbe: {  	_ =	sfence  }
0xbf: {  	s30 =	sld [smem:$0x0];
	_ =	sdelay $0x2  }
0xc0: {  	s31 =	sshll.u32 s1, $0xD;
	s1 =	sshrl.u32 s1, $0x2  }
0xc1: {  	s3 =	sand.u32 $0x4000, s31;
	s1 =	sadd.s32 s1, s30  }
0xc2: {  	s0 =	sor.u32 s3, s0;
	s1 =	sshll.u32 s1, $0x11  }
0xc3: {  	s0 =	sor.u32 s1, s0  }
0xc4: {  	s0 =	sadd.s32 $0x8F2B, s0  }
0xc5: {  	[sflag:s0] =	ssyncadd.remote.s32 $0x1  }
0xc6: {  	_ =	sfence.sel $0xFFFF  }
0xc7: {  	[dreg:$0x0] =	wrdreg $0xFFFFFFFF;
	(pc) =	sbr.abs _section_cstart, $3  }
0xc8: {  	[dreg:$0x1] =	wrdreg $0xFFFFFFFF  }
0xc9: {  	_ =	task.clear_ibuf [dreg:s11], $0x2FFFF;
	_ =	strace $0x9FFFFFFF  }
0xca: {  	(tm) =	ssettm $0x7FFFFFFF  }
0xcb: {  	_ =	shalt  }
tec
execute0_lowered:
.L_overlay_start_1:
0x0: {  	(tag) =	ssettag $0x1  }
0x1: {  	s1 =	rddreg [dreg:$0x0]  }
0x2: {  	s2 =	rddreg [dreg:$0x1]  }
0x3: {  	s3 =	rddreg [dreg:$0x2]  }
0x4: {  	s4 =	rddreg [dreg:$0x3]  }
0x5: {  	s0 =	rddreg [dreg:$0x4]  }
0x6: {  	s6 =	rddreg [dreg:$0x5];
	s7 =	simm.s32 $0x0  }
0x7: {  	[smem:$0x7FF] =	sst s7  }
0x8: {  	s5 =	srdreg.scid;
	s8 =	stileid.u32;
	v0 =	vimm.f32 $9.999999740e-05;
	_ =	strace $0x8000004D  }
0x9: {  	s5 =	sand.u32 $0x1, s5;
	s8 =	sshll.u32 s8, $0x1;
	(erf) = vrcp.f32 v0;
	v0 =	vimm.f32 $9.900000000e+01  }
0xa: {  	s21 =	simm.s32 $0x800;
	s9 =	ssub.s32 $0x2, s5;
	s5 =	sor.u32 s5, s8;
	(erf) = vrcp.f32 v0  }
0xb: {  	s23 =	simm.s32 $0x1000;
	s24 =	sshrl.u32 s9, $0x1;
	s10 =	smul.u32 $0xC000, s5  }
0xc: {  	s28 =	simm.s32 $0x5;
	s8 =	sadd.s32 $0x13400, s0;
	s0 =	ssub.s32 s9, s24  }
0xd: {  	s9 =	sshll.u32 s5, $0x11;
	s5 =	sshll.u32 s5, $0xE;
	s10 =	sadd.s32 s2, s10  }
0xe: {  	s29 =	simm.s32 $0x2;
	s25 =	sadd.s32 s3, s5;
	[dreg:$0x8] =	wrdreg s10  }
0xf: {  	s11 =	sadd.s32 s1, s5;
	s5 =	sadd.s32 s4, s5;
	[dreg:$0x9] =	wrdreg s25  }
0x10: {  	s30 =	simm.s32 $0x5000;
	s31 =	simm.s32 $0x3;
	[dreg:$0xa] =	wrdreg s5  }
0x11: {  	s15 =	sor.u32 $0x800, s9;
	s0 =	smax.u32 s0, $0x1;
	[dreg:$0x7] =	wrdreg s11  }
0x12: {  	v2 =	vlaneseq.u32;
	s16 =	sor.u32 $0x1800, s9;
	s26 =	sadd.s32 $0x100, s11;
	[dreg:$0xc] =	wrdreg s0;
	v0 =	vpop (erf)  }
0x13: {  	v2 =	vmul.u32 $0x8, v2;
	s5 =	simm.s32 $0x4;
	s11 =	simm.s32 $0x0;
	[dreg:$0xb] =	wrdreg s26;
	v1 =	vpop (erf)  }
.LBB2_1:
0x14: {  	[dreg:$0xd] =	wrdreg s11  }
0x15: {  	s0 =	rddreg [dreg:$0x7]  }
0x16: {  	[tilespmem:s7], [sflag:$0x1] =	stream.linear.gather [hbm4b:s0+s7], $0x800, $0x38;
	[tilespmem:$0x10800] =	vst v63  }
0x17: {  	s18 =	rddreg [dreg:$0x8];
	s10 =	simm.s32 $0x9000  }
0x18: {  	[tilespmem:s10], [sflag:$0x3] =	stream.linear.gather [hbm4b:s18+s7], $0x1800, $0x38;
	[tilespmem:$0x10800] =	vst v63  }
0x19: {  	s19 =	rddreg [dreg:$0x9];
	s20 =	simm.s32 $0xC000  }
0x1a: {  	[tilespmem:s20], [sflag:$0x3] =	stream.linear.gather [hbm4b:s19+s7], $0x800, $0x38;
	[tilespmem:$0x10800] =	vst v63  }
0x1b: {  	s22 =	rddreg [dreg:$0xa];
	s24 =	simm.s32 $0xD000  }
0x1c: {  	[tilespmem:s24], [sflag:$0x3] =	stream.linear.gather [hbm4b:s22+s7], $0x800, $0x38;
	[tilespmem:$0x10800] =	vst v63  }
0x1d: {  	s25 =	rddreg [dreg:$0xb];
	s26 =	simm.s32 $0x1  }
0x1e: {  	[tilespmem:s21], [sflag:$0x2] =	stream.linear.gather [hbm4b:s25+s7], $0x800, $0x38;
	[tilespmem:$0x10800] =	vst v63  }
0x1f: {  	_ =	swait.ge [sflag:s26], $0x800  }
0x20: {  	[sflag:s26] =	ssyncset.done $0x0  }
0x21: {  	s12 =	simm.s32 $0x0;
	[sflag:s26] =	ssyncadd.s32 $0xFFFFF800  }
0x22: {  	[tilespmem:s23], [sflag:$0x5] =	stream.indirect.gather [hbm4b:s8+s21], $0x8, s7, s21, $0xb8;
	[tilespmem:$0x10800] =	vst v63  }
.LBB2_2:
0x23: {  	s14 =	sshll.u32 s12, $0xC  }
0x24: {  	s0 =	sadd.s32 s15, s14  }
0x25: {  	s10 =	smul.u32 $0x3, s0;
	_ =	sdelay $0x1  }
0x26: {  	s10 =	sshrl.u32 s10, $0x3  }
0x27: {  	s11 =	simm.s32 $0xA800;
	s13 =	sshrl.u32 s0, $0x3;
	s10 =	sadd.s32 s2, s10  }
0x28: {  	[tilespmem:s11], [sflag:$0x4] =	stream.linear.gather [hbm4b:s10+s7], $0x1800, $0x38;
	[tilespmem:$0x10800] =	vst v63  }
0x29: {  	s22 =	simm.s32 $0xC800;
	s0 =	sadd.s32 s3, s13  }
0x2a: {  	[tilespmem:s22], [sflag:$0x4] =	stream.linear.gather [hbm4b:s0+s7], $0x800, $0x38;
	[tilespmem:$0x10800] =	vst v63  }
0x2b: {  	s25 =	simm.s32 $0xD800;
	s24 =	sadd.s32 s4, s13  }
0x2c: {  	[tilespmem:s25], [sflag:$0x4] =	stream.linear.gather [hbm4b:s24+s7], $0x800, $0x38;
	[tilespmem:$0x10800] =	vst v63  }
0x2d: {  	_ =	swait.ge [sflag:s28], $0x4000  }
0x2e: {  	s26 =	sshll.u32 s12, $0x1;
	[sflag:s28] =	ssyncset.done $0x0  }
0x2f: {  	p0 =	seq.s32 s12, $0x1F;
	s17 =	sadd.s32 $0x2, s26;
	[sflag:s28] =	ssyncadd.s32 $0xFFFFC000  }
0x30: {  	s0 =	sshll.u32 @!p0 s17, $0xB;
	_ =	swait.ge [sflag:s29], $0x800  }
0x31: {  	s0 =	sadd.s32 @!p0 s9, s0;
	[sflag:s29] =	ssyncset.done $0x0  }
0x32: {  	s0 =	sshrl.u32 @!p0 s0, $0x3;
	[sflag:s29] =	ssyncadd.s32 $0xFFFFF800  }
0x33: {  	[tilespmem:s30], [sflag:$0x6] =	stream.indirect.gather [hbm4b:s8+s21], $0x8, s21, s21, $0xb8;
	[tilespmem:$0x10800] =	vst v63  }
0x34: {  	s10 =	simm.s32 @!p0 $0x0;
	s0 =	sadd.s32 @!p0 s1, s0  }
0x35: {  	[tilespmem:s10], [sflag:$0x1] =	stream.linear.gather @!p0 [hbm4b:s0+s10], $0x800, $0x38;
	[tilespmem:$0x10800] =	vst v63  }
0x36: {  	_ =	swait.ge [sflag:s31], $0x1800  }
0x37: {  	[sflag:s31] =	ssyncset.done $0x0  }
0x38: {  	[sflag:s31] =	ssyncadd.s32 $0xFFFFE800  }
0x39: {  	s11 =	simm.s32 $0x0;
	_ =	swait.ge [sflag:s31], $0x800  }
0x3a: {  	v3 =	vmov s11;
	[sflag:s31] =	ssyncset.done $0x0  }
0x3b: {  	v3 =	vshll.u32 v3, $0x3;
	[sflag:s31] =	ssyncadd.s32 $0xFFFFF800  }
0x3c: {  	v3 =	vor.u32 v2, v3;
	_ =	swait.ge [sflag:s31], $0x800  }
0x3d: {  	v4 =	vor.u32 $0x2, v3;
	p0 =	seq.s32 s12, $0x0;
	[sflag:s31] =	ssyncset.done $0x0  }
0x3e: {  	s0 =	simm.s32 @!p0 $0x7;
	[sflag:s31] =	ssyncadd.s32 $0xFFFFF800  }
0x3f: {  	v5 =	vor.u32 $0x1, v3;
	_ =	swait.ge @!p0 [sflag:s0], $0x800  }
0x40: {  	v6 =	vor.u32 $0x3, v3;
	[sflag:s0] =	ssyncset.done @!p0 $0x0  }
0x41: {  	[sflag:s0] =	ssyncadd.s32 @!p0 $0xFFFFF800  }
0x42: {  	v4 =	vld.idx.msk [tilespmem:v4+s23+$0x0], $0xffff  }
0x43: {  	v7 =	vld.idx.msk [tilespmem:v3+s23+$0x0], $0xffff  }
0x44: {  	v3 =	vor.u32 $0x4, v3;
	v5 =	vld.idx.msk [tilespmem:v5+s23+$0x0], $0xffff  }
0x45: {  	s22 =	simm.s32 $0x9810;
	v6 =	vld.idx.msk [tilespmem:v6+s23+$0x0], $0xffff  }
0x46: {  	v8 =	vld [tilespmem:s22+$0xFFFFF7F0]  }
0x47: {  	s19 =	simm.s32 $0x10;
	v9 =	vld [tilespmem:s22+$0xFFFFFFF0]  }
0x48: {  	v10 =	vmov s19;
	v12 =	vld [tilespmem:s22+$0x7F0]  }
0x49: {  	v11 =	vld.idx.msk [tilespmem:v3+s23+$0x0], $0xffff;
	v3 =	vshll.u32 v10, $0x3  }
0x4a: {  	v62 =	vand.u32 $0xFFFF0000, v7;
	v13 =	vand.u32 $0xFFFF0000, v5;
	v14 =	vand.u32 $0xFFFF0000, v6  }
0x4b: {  	v7 =	vshll.u32 v7, $0x10;
	v15 =	vshll.u32 v4, $0x10;
	v4 =	vand.u32 $0xFFFF0000, v4  }
0x4c: {  	v5 =	vshll.u32 v5, $0x10;
	v7 =	vmul.f32 v7, v8;
	v4 =	vmul.f32 v4, v9  }
0x4d: {  	v6 =	vshll.u32 v6, $0x10;
	v10 =	vmul.f32 v62, v8;
	v5 =	vmul.f32 v5, v9  }
0x4e: {  	v15 =	vmul.f32 v15, v9;
	v6 =	vmul.f32 v6, v12;
	v4 =	vadd.f32 v4, v7  }
0x4f: {  	v7 =	vmul.f32 v13, v8;
	v5 =	vadd.f32 v5, v10;
	v8 =	vmul.f32 v14, v12  }
0x50: {  	v3 =	vor.u32 v2, v3;
	v11 =	vand.u32 $0xFFFF0000, v11;
	v4 =	vadd.f32 v6, v4  }
0x51: {  	s20 =	simm.s32 $0xE810;
	v6 =	vadd.f32 v15, v7;
	v5 =	vadd.f32 v8, v5;
	v7 =	vmul.f32 v11, v12  }
0x52: {  	v63 =	vor.u32 $0x3, v3;
	[tilespmem:s20+$0xFFFFFFF0] =	vst v4  }
0x53: {  	[tilespmem:s20+$0xFFFFF7F0] =	vst v5;
	v5 =	vor.u32 $0x1, v3;
	v4 =	vadd.f32 v7, v6;
	_ =	sdelay $0x1  }
0x54: {  	[tilespmem:s20+$0x7F0] =	vst v4;
	v4 =	vor.u32 $0x2, v3  }
0x55: {  	s26 =	simm.s32 $0xE830;
	s24 =	simm.s32 $0x0  }
0x56: {  	s25 =	simm.s32 $0x9810;
	s10 =	sor.u32 s9, s14;
	s0 =	simm.s32 $0x0;
	v6 =	vld.idx.msk [tilespmem:v63+s23+$0x0], $0xffff  }
.LBB2_3:
0x57: {  	s24 =	sadd.s32 $0x2, s24;
	v5 =	vld.idx.msk [tilespmem:v5+s23+$0x0], $0xffff;
	s0 =	sadd.s32 $0x20, s0;
	s22 =	sadd.s32 $0x20, s22  }
0x58: {  	p1 =	slt.u32 s24, $0x7E;
	v7 =	vld [tilespmem:s25+$0x0]  }
0x59: {  	v8 =	vor.u32 $0x4, v3;
	v4 =	vld.idx.msk [tilespmem:v4+s23+$0x0], $0xffff  }
0x5a: {  	v3 =	vld.idx.msk [tilespmem:v3+s23+$0x0], $0xffff;
	_ =	sdelay $0x1  }
0x5b: {  	v9 =	vmov s0;
	v11 =	vand.u32 $0xFFFF0000, v6;
	v10 =	vld [tilespmem:s25+$0xFFFFF800]  }
0x5c: {  	v9 =	vshll.u32 v9, $0x3;
	v6 =	vshll.u32 v6, $0x10;
	v13 =	vshll.u32 v5, $0x10;
	v12 =	vld [tilespmem:s25+$0x800];
	s25 =	smov.u32 s22  }
0x5d: {  	v9 =	vor.u32 v2, v9;
	v5 =	vand.u32 $0xFFFF0000, v5;
	v13 =	vmul.f32 v13, v7;
	v8 =	vld.idx.msk [tilespmem:v8+s23+$0x0], $0xffff  }
0x5e: {  	v14 =	vor.u32 $0x1, v9;
	v15 =	vor.u32 $0x2, v9;
	v16 =	vand.u32 $0xFFFF0000, v4  }
0x5f: {  	v17 =	vor.u32 $0x4, v9;
	v18 =	vand.u32 $0xFFFF0000, v3;
	v3 =	vshll.u32 v3, $0x10  }
0x60: {  	v19 =	vor.u32 $0x3, v9;
	v18 =	vmul.f32 v18, v10;
	v3 =	vmul.f32 v3, v10  }
0x61: {  	v4 =	vshll.u32 v4, $0x10;
	v16 =	vmul.f32 v16, v7;
	v11 =	vmul.f32 v11, v12  }
0x62: {  	v4 =	vmul.f32 v4, v7;
	v5 =	vmul.f32 v5, v10;
	v13 =	vadd.f32 v13, v18  }
0x63: {  	v6 =	vmul.f32 v6, v12;
	v7 =	vand.u32 $0xFFFF0000, v8;
	v3 =	vadd.f32 v16, v3  }
0x64: {  	v4 =	vadd.f32 v4, v5;
	v5 =	vmul.f32 v7, v12;
	v8 =	vadd.f32 v11, v13  }
0x65: {  	v3 =	vadd.f32 v6, v3  }
0x66: {  	v4 =	vadd.f32 v5, v4;
	[tilespmem:s20+$0xFFFFF800] =	vst v8  }
0x67: {  	[tilespmem:s20+$0x0] =	vst v3  }
0x68: {  	[tilespmem:s20+$0x800] =	vst v4;
	s20 =	smov.u32 s26  }
0x69: {  	v6 =	vld.idx.msk [tilespmem:v15+s23+$0x0], $0xffff  }
0x6a: {  	v7 =	vld.idx.msk [tilespmem:v9+s23+$0x0], $0xffff  }
0x6b: {  	v8 =	vld.idx.msk [tilespmem:v14+s23+$0x0], $0xffff  }
0x6c: {  	s18 =	sadd.s32 $0x10, s0;
	v9 =	vld.idx.msk [tilespmem:v19+s23+$0x0], $0xffff  }
0x6d: {  	v3 =	vmov s18;
	v10 =	vld [tilespmem:s22+$0xFFFFF7F0]  }
0x6e: {  	v11 =	vld [tilespmem:s22+$0xFFFFFFF0]  }
0x6f: {  	v3 =	vshll.u32 v3, $0x3;
	v12 =	vld.idx.msk [tilespmem:v17+s23+$0x0], $0xffff  }
0x70: {  	v3 =	vor.u32 v2, v3;
	v13 =	vand.u32 $0xFFFF0000, v7  }
0x71: {  	v5 =	vor.u32 $0x1, v3;
	v4 =	vor.u32 $0x2, v3;
	v15 =	vand.u32 $0xFFFF0000, v8;
	v14 =	vld [tilespmem:s22+$0x7F0]  }
0x72: {  	v7 =	vshll.u32 v7, $0x10;
	v17 =	vshll.u32 v6, $0x10;
	v16 =	vand.u32 $0xFFFF0000, v9  }
0x73: {  	v6 =	vand.u32 $0xFFFF0000, v6;
	v7 =	vmul.f32 v7, v10;
	v17 =	vmul.f32 v17, v11  }
0x74: {  	v8 =	vshll.u32 v8, $0x10;
	v9 =	vshll.u32 v9, $0x10;
	v6 =	vmul.f32 v6, v11  }
0x75: {  	v13 =	vmul.f32 v13, v10;
	v8 =	vmul.f32 v8, v11;
	v12 =	vand.u32 $0xFFFF0000, v12  }
0x76: {  	v6 =	vadd.f32 v6, v7;
	v7 =	vmul.f32 v9, v14;
	v9 =	vmul.f32 v15, v10  }
0x77: {  	v11 =	vor.u32 $0x3, v3;
	v8 =	vadd.f32 v8, v13;
	v10 =	vmul.f32 v16, v14  }
0x78: {  	v6 =	vadd.f32 v7, v6;
	v7 =	vadd.f32 v17, v9;
	v9 =	vmul.f32 v12, v14  }
.Ltmp0:
0x79: {  	v8 =	vadd.f32 v10, v8;
	(pc) =	sbr.rel @p1 .LBB2_3-.Ltmp0, $4  }
0x7a: {  	[tilespmem:s26+$0xFFFFFFF0] =	vst v6;
	v6 =	vadd.f32 v9, v7  }
0x7b: {  	[tilespmem:s26+$0xFFFFF7F0] =	vst v8  }
0x7c: {  	[tilespmem:s26+$0x7F0] =	vst v6  }
0x7d: {  	s26 =	sadd.s32 $0x20, s26;
	v6 =	vld.idx.msk [tilespmem:v11+s23+$0x0], $0xffff  }
0x7e: {  	_ =	sdelay $0x3  }
0x7f: {  	v5 =	vld.idx.msk [tilespmem:v5+s23+$0x0], $0xffff  }
0x80: {  	v7 =	vld [tilespmem:s25+$0x0]  }
0x81: {  	v4 =	vld.idx.msk [tilespmem:v4+s23+$0x0], $0xffff  }
0x82: {  	v8 =	vor.u32 $0x4, v3;
	v3 =	vld.idx.msk [tilespmem:v3+s23+$0x0], $0xffff  }
0x83: {  	v10 =	vld [tilespmem:s25+$0x800]  }
0x84: {  	v9 =	vld [tilespmem:s25+$0xFFFFF800];
	_ =	sdelay $0x1  }
0x85: {  	v11 =	vand.u32 $0xFFFF0000, v6  }
0x86: {  	v6 =	vshll.u32 v6, $0x10;
	v12 =	vshll.u32 v5, $0x10;
	v8 =	vld.idx.msk [tilespmem:v8+s23+$0x0], $0xffff;
	v5 =	vand.u32 $0xFFFF0000, v5  }
0x87: {  	v13 =	vand.u32 $0xFFFF0000, v3;
	v3 =	vshll.u32 v3, $0x10;
	v11 =	vmul.f32 v11, v10  }
0x88: {  	v14 =	vand.u32 $0xFFFF0000, v4;
	v12 =	vmul.f32 v12, v7;
	v13 =	vmul.f32 v13, v9  }
0x89: {  	v4 =	vshll.u32 v4, $0x10;
	v3 =	vmul.f32 v3, v9;
	v14 =	vmul.f32 v14, v7  }
0x8a: {  	v5 =	vmul.f32 v5, v9;
	v4 =	vmul.f32 v4, v7;
	v12 =	vadd.f32 v12, v13  }
0x8b: {  	v6 =	vmul.f32 v6, v10;
	v3 =	vadd.f32 v14, v3;
	v7 =	vand.u32 $0xFFFF0000, v8  }
0x8c: {  	v4 =	vadd.f32 v4, v5;
	v8 =	vadd.f32 v11, v12;
	v5 =	vmul.f32 v7, v10  }
0x8d: {  	v3 =	vadd.f32 v6, v3  }
0x8e: {  	[tilespmem:s20+$0xFFFFF800] =	vst v8;
	v4 =	vadd.f32 v5, v4  }
0x8f: {  	s0 =	sand.u32 $0x600, s11;
	s22 =	sand.u32 $0x70, s11;
	[tilespmem:s20+$0x0] =	vst v3  }
0x90: {  	s22 =	sor.u32 s22, s0;
	[tilespmem:s20+$0x800] =	vst v4  }
0x91: {  	v3 =	vld [tilespmem:s22+$0xC000]  }
0x92: {  	v4 =	vld [tilespmem:s22+$0xC080]  }
0x93: {  	v5 =	vld [tilespmem:s22+$0xC100]  }
0x94: {  	v6 =	vld [tilespmem:s22+$0xD000]  }
0x95: {  	v7 =	vld [tilespmem:s22+$0xD100]  }
0x96: {  	v8 =	vld [tilespmem:s22+$0xD080]  }
0x97: {  	v9 =	vld [tilespmem:s22+$0xD180]  }
0x98: {  	v10 =	vld [tilespmem:s22+$0xC180];
	_ =	sdelay $0x2  }
0x99: {  	v6 =	vmul.f32 v6, v0;
	v3 =	vsub.f32 $1.000000000e+02, v3;
	v4 =	vsub.f32 $1.000000000e+02, v4  }
0x9a: {  	v7 =	vmul.f32 v7, v0;
	v5 =	vsub.f32 $1.000000000e+02, v5;
	v8 =	vmul.f32 v8, v0  }
0x9b: {  	v9 =	vmul.f32 v9, v0;
	v10 =	vsub.f32 $1.000000000e+02, v10;
	v6 =	vxor.u32 $0x80000000, v6  }
0x9c: {  	v7 =	vxor.u32 $0x80000000, v7;
	v8 =	vxor.u32 $0x80000000, v8;
	v11 =	vand.u32 $0x7FFFFFFF, v6  }
0x9d: {  	v3 =	vmul.f32 v3, v1;
	v12 =	vand.u32 $0x7FFFFFFF, v7;
	v11 =	vsub.f32 $0.0e+00, v11  }
0x9e: {  	v4 =	vmul.f32 v4, v1;
	v13 =	vand.u32 $0x7FFFFFFF, v8;
	v12 =	vsub.f32 $0.0e+00, v12  }
0x9f: {  	v5 =	vmul.f32 v5, v1;
	v13 =	vsub.f32 $0.0e+00, v13;
	v11 =	vmul.f32 $1.442695020e+00, v11  }
0xa0: {  	v10 =	vmul.f32 v10, v1;
	v12 =	vmul.f32 $1.442695020e+00, v12  }
0xa1: {  	v9 =	vxor.u32 $0x80000000, v9;
	v13 =	vmul.f32 $1.442695020e+00, v13;
	(erf) = vpow2.f32 v11  }
0xa2: {  	v11 =	vand.u32 $0x7FFFFFFF, v9;
	(erf) = vpow2.f32 v12  }
0xa3: {  	v12 =	vmax.f32 v3, v4;
	(erf) = vpow2.f32 v13;
	v13 =	vmax.f32 v5, v10  }
0xa4: {  	v11 =	vsub.f32 $0.0e+00, v11;
	v12 =	vmax.f32 v12, v13  }
0xa5: {  	v12 =	vmax.f32 v12, $1.000000010e-10  }
0xa6: {  	v11 =	vmul.f32 $1.442695020e+00, v11;
	v3 =	vsub.f32 v3, v12;
	_ =	sdelay $0x1  }
0xa7: {  	(erf) = vpow2.f32 v11;
	v3 =	vmul.f32 v3, v0;
	_ =	sdelay $0x1  }
0xa8: {  	v4 =	vsub.f32 v4, v12;
	v11 =	vpop (erf);
	v3 =	vmul.f32 $1.442695020e+00, v3  }
0xa9: {  	v5 =	vsub.f32 v5, v12;
	v13 =	vpop (erf)  }
0xaa: {  	v4 =	vmul.f32 v4, v0;
	v14 =	vadd.f32 $1.000000000e+00, v11;
	v15 =	vpop (erf);
	(erf) = vpow2.f32 v3  }
0xab: {  	v3 =	vmul.f32 v5, v0;
	v5 =	vadd.f32 $1.000000000e+00, v13;
	v16 =	vadd.f32 $1.000000000e+00, v15  }
0xac: {  	(erf) = vrcp.f32 v14  }
0xad: {  	v4 =	vmul.f32 $1.442695020e+00, v4;
	(erf) = vrcp.f32 v16  }
0xae: {  	v10 =	vsub.f32 v10, v12;
	(erf) = vrcp.f32 v5  }
0xaf: {  	v3 =	vmul.f32 $1.442695020e+00, v3;
	v5 =	vpop (erf);
	(erf) = vpow2.f32 v4;
	v4 =	vsub.f32 $1.000000010e-10, v12  }
0xb0: {  	v10 =	vmul.f32 v10, v0;
	v14 =	vadd.f32 $1.000000000e+00, v5  }
0xb1: {  	(erf) = vpow2.f32 v3;
	v4 =	vmul.f32 v4, v0  }
0xb2: {  	(erf) = vrcp.f32 v14  }
0xb3: {  	v3 =	vmul.f32 $1.442695020e+00, v10;
	_ =	sdelay $0x1  }
0xb4: {  	(erf) = vpow2.f32 v3;
	v3 =	vmul.f32 $1.442695020e+00, v4;
	v4 =	vpop (erf)  }
0xb5: {  	s24 =	simm.s32 $0x40;
	vm0 =	vge.f32 v6, $0.0e+00;
	vm1 =	vge.f32 v8, $0.0e+00;
	v6 =	vpop (erf)  }
0xb6: {  	s25 =	sand.u32 $0x70, s19;
	s0 =	sand.u32 $0x600, s24;
	vm2 =	vge.f32 v7, $0.0e+00;
	v7 =	vsel vm0, $0x3F800000, v11;
	v8 =	vsel vm1, $0x3F800000, v15;
	v10 =	vpop (erf)  }
0xb7: {  	s19 =	sor.u32 s25, s0;
	v6 =	vmul.f32 v6, v7;
	v7 =	vmul.f32 v10, v8;
	v8 =	vsel vm2, $0x3F800000, v13;
	v10 =	vpop (erf)  }
0xb8: {  	v19 =	vld [tilespmem:s19+$0xC180];
	(erf) = vpow2.f32 v3;
	v8 =	vmul.f32 v10, v8;
	v10 =	vpop (erf)  }
0xb9: {  	vm11 =	vge.f32 v9, $0.0e+00;
	v4 =	vmul.f32 v4, v6;
	v9 =	vmul.f32 v10, v7;
	v10 =	vpop (erf)  }
0xba: {  	v11 =	vld [tilespmem:s19+$0xC080];
	v5 =	vsel vm11, $0x3F800000, v5;
	v14 =	vpop (erf)  }
0xbb: {  	v15 =	vld [tilespmem:s19+$0xD000];
	v10 =	vmul.f32 v10, v8;
	v5 =	vmul.f32 v14, v5;
	v14 =	vadd.f32 v9, v4  }
0xbc: {  	v16 =	vld [tilespmem:s19+$0xD100]  }
0xbd: {  	v19 =	vsub.f32 $1.000000000e+02, v19;
	v12 =	vld [tilespmem:s19+$0xC100];
	v17 =	vpop (erf);
	v14 =	vadd.f32 v14, v10  }
0xbe: {  	v18 =	vld [tilespmem:s19+$0xD080];
	v6 =	vsub.f32 $1.000000000e+00, v6;
	v7 =	vsub.f32 $1.000000000e+00, v7;
	v17 =	vmul.f32 v17, v5  }
0xbf: {  	v19 =	vmul.f32 v19, v1;
	v11 =	vsub.f32 $1.000000000e+02, v11;
	v3 =	vld [tilespmem:s19+$0xC000]  }
0xc0: {  	v15 =	vmul.f32 v15, v0;
	v6 =	vmul.f32 v7, v6;
	v7 =	vadd.f32 v14, v17  }
0xc1: {  	v11 =	vmul.f32 v11, v1;
	v16 =	vmul.f32 v16, v0;
	v13 =	vld [tilespmem:s19+$0xD180];
	v14 =	vpop (erf)  }
0xc2: {  	v20 =	vxor.u32 $0x80000000, v15;
	v12 =	vsub.f32 $1.000000000e+02, v12;
	v7 =	vadd.f32 v7, v14  }
0xc3: {  	v15 =	vmul.f32 v18, v0;
	v18 =	vand.u32 $0x7FFFFFFF, v20;
	v21 =	vxor.u32 $0x80000000, v16  }
0xc4: {  	v12 =	vmul.f32 v12, v1;
	v3 =	vsub.f32 $1.000000000e+02, v3;
	(erf) = vrcp.f32 v7  }
0xc5: {  	v7 =	vsub.f32 $0.0e+00, v18;
	v18 =	vxor.u32 $0x80000000, v15;
	v15 =	vand.u32 $0x7FFFFFFF, v21  }
0xc6: {  	v13 =	vmul.f32 v13, v0;
	v16 =	vand.u32 $0x7FFFFFFF, v18;
	v15 =	vsub.f32 $0.0e+00, v15  }
0xc7: {  	v8 =	vsub.f32 $1.000000000e+00, v8;
	v7 =	vmul.f32 $1.442695020e+00, v7;
	v16 =	vsub.f32 $0.0e+00, v16  }
0xc8: {  	v3 =	vmul.f32 v3, v1;
	v22 =	vxor.u32 $0x80000000, v13;
	v15 =	vmul.f32 $1.442695020e+00, v15  }
0xc9: {  	v13 =	vand.u32 $0x7FFFFFFF, v22;
	v16 =	vmul.f32 $1.442695020e+00, v16;
	(erf) = vpow2.f32 v7  }
0xca: {  	v24 =	vmax.f32 v12, v19;
	v13 =	vsub.f32 $0.0e+00, v13;
	(erf) = vpow2.f32 v15  }
0xcb: {  	v6 =	vmul.f32 v8, v6;
	(erf) = vpow2.f32 v16;
	v16 =	vmax.f32 v3, v11  }
0xcc: {  	v5 =	vsub.f32 $1.000000000e+00, v5;
	v13 =	vmul.f32 $1.442695020e+00, v13;
	v15 =	vld [tilespmem:s22+$0xF000];
	v8 =	vmax.f32 v16, v24  }
0xcd: {  	v16 =	vld [tilespmem:s22+$0xF080];
	v26 =	vmax.f32 v8, $1.000000010e-10  }
0xce: {  	v23 =	vld [tilespmem:s22+$0xE800];
	v31 =	vmul.f32 v5, v6;
	(erf) = vpow2.f32 v13;
	v24 =	vpop (erf);
	v3 =	vsub.f32 v3, v26  }
0xcf: {  	v25 =	vld [tilespmem:s22+$0xE080];
	v5 =	vsub.f32 v11, v26;
	v27 =	vmul.f32 v24, v4;
	v29 =	vmul.f32 v24, v9  }
0xd0: {  	v7 =	vld [tilespmem:s22+$0xE000];
	v4 =	vsub.f32 v12, v26;
	v30 =	vmul.f32 v24, v14;
	v3 =	vmul.f32 v3, v0  }
0xd1: {  	v9 =	vld [tilespmem:s22+$0xF100];
	v34 =	vmul.f32 v5, v0;
	v8 =	vmul.f32 v27, v15  }
0xd2: {  	v28 =	vld [tilespmem:s22+$0xE880];
	vm12 =	vge.f32 v20, $0.0e+00;
	v11 =	vmul.f32 v4, v0;
	v14 =	vmul.f32 v29, v16;
	v32 =	vpop (erf)  }
0xd3: {  	v6 =	vld [tilespmem:s22+$0xF180];
	v16 =	vmul.f32 v24, v10;
	v3 =	vmul.f32 $1.442695020e+00, v3;
	v4 =	vadd.f32 v8, v30;
	v33 =	vpop (erf)  }
0xd4: {  	v13 =	vld [tilespmem:s22+$0xE180];
	v15 =	vmul.f32 v24, v17;
	v10 =	vadd.f32 $1.000000000e+00, v32;
	v35 =	vpop (erf);
	v24 =	vadd.f32 $1.000000000e+00, v33  }
0xd5: {  	v12 =	vld [tilespmem:s22+$0xE100];
	v61 =	vmul.f32 v27, v7;
	(erf) = vpow2.f32 v3;
	v17 =	vadd.f32 $1.000000000e+00, v35  }
0xd6: {  	v5 =	vld [tilespmem:s22+$0xE980];
	v9 =	vmul.f32 v16, v9;
	v14 =	vadd.f32 v4, v14;
	(erf) = vrcp.f32 v10  }
0xd7: {  	v19 =	vsub.f32 v19, v26;
	v7 =	vld [tilespmem:s19+$0xE980];
	v34 =	vmul.f32 $1.442695020e+00, v34;
	(erf) = vrcp.f32 v17  }
0xd8: {  	v3 =	vld [tilespmem:s19+$0xE800];
	v17 =	vadd.f32 v14, v9;
	v9 =	vmul.f32 $1.442695020e+00, v11;
	(erf) = vrcp.f32 v24;
	v24 =	vpop (erf)  }
0xd9: {  	v19 =	vmul.f32 v19, v0;
	v4 =	vld [tilespmem:s19+$0xE000];
	v36 =	vadd.f32 $1.000000000e+00, v24;
	(erf) = vpow2.f32 v34  }
0xda: {  	v26 =	vsub.f32 $1.000000010e-10, v26;
	v10 =	vmul.f32 v15, v6;
	v6 =	vld [tilespmem:s19+$0xE080];
	(erf) = vpow2.f32 v9  }
0xdb: {  	vm14 =	vge.f32 v21, $0.0e+00;
	v19 =	vmul.f32 $1.442695020e+00, v19;
	v14 =	vld [tilespmem:s19+$0xE880];
	(erf) = vrcp.f32 v36  }
0xdc: {  	v26 =	vmul.f32 v26, v0;
	v23 =	vmul.f32 v27, v23;
	v11 =	vld [tilespmem:s19+$0xE100];
	v17 =	vadd.f32 v17, v10  }
0xdd: {  	s26 =	simm.s32 $0x80;
	s11 =	simm.s32 $0x20;
	v31 =	vsub.f32 $1.000000000e+00, v31;
	vm13 =	vge.f32 v18, $0.0e+00;
	v10 =	vld [tilespmem:s19+$0xE180];
	(erf) = vpow2.f32 v19  }
0xde: {  	s18 =	sand.u32 $0x70, s11;
	s0 =	sand.u32 $0x600, s26;
	v20 =	vsel vm12, $0x3F800000, v32;
	v9 =	vld [tilespmem:s19+$0xE900];
	[tilespmem:s22+$0xF900] =	vst v17;
	v17 =	vmul.f32 $1.442695020e+00, v26;
	v19 =	vmul.f32 v29, v25;
	v25 =	vpop (erf)  }
0xdf: {  	s20 =	sor.u32 s18, s0;
	v28 =	vmul.f32 v29, v28;
	v8 =	vld [tilespmem:s22+$0xE900];
	v27 =	vadd.f32 v61, v30;
	v21 =	vsel vm13, $0x3F800000, v35;
	[tilespmem:s22+$0xF980] =	vst v31;
	v18 =	vpop (erf)  }
0xe0: {  	v26 =	vadd.f32 v23, v30;
	v29 =	vld [tilespmem:s20+$0xC000];
	(erf) = vpow2.f32 v17;
	v18 =	vmul.f32 v18, v20;
	v23 =	vpop (erf)  }
0xe1: {  	v30 =	vld [tilespmem:s20+$0xC080];
	v17 =	vsel vm14, $0x3F800000, v33;
	v62 =	vmul.f32 v23, v21;
	v20 =	vpop (erf)  }
0xe2: {  	vm15 =	vge.f32 v22, $0.0e+00;
	v31 =	vld [tilespmem:s20+$0xC100];
	v21 =	vadd.f32 v27, v19;
	v23 =	vmul.f32 v20, v17;
	v63 =	vpop (erf)  }
0xe3: {  	v32 =	vld [tilespmem:s20+$0xD000];
	v17 =	vadd.f32 v26, v28;
	v20 =	vmul.f32 v25, v18;
	v19 =	vmul.f32 v63, v62;
	v22 =	vpop (erf)  }
0xe4: {  	v24 =	vsel vm15, $0x3F800000, v24;
	v27 =	vld [tilespmem:s20+$0xC180];
	v25 =	vsub.f32 $1.000000000e+00, v18;
	v26 =	vsub.f32 $1.000000000e+00, v62;
	v18 =	vpop (erf)  }
0xe5: {  	s24 =	simm.s32 $0xC0;
	v28 =	vld [tilespmem:s20+$0xD180];
	v24 =	vmul.f32 v18, v24;
	v18 =	vmul.f32 v22, v23;
	v33 =	vadd.f32 v19, v20  }
.LBB2_5:
0xe6: {  	p1 =	sne.s32 s24, $0x7C0;
	v22 =	vld [tilespmem:s20+$0xD100];
	v25 =	vmul.f32 v26, v25;
	v23 =	vsub.f32 $1.000000000e+00, v23;
	v26 =	vpop (erf);
	v34 =	vmul.f32 v16, v12  }
0xe7: {  	v16 =	vmul.f32 v16, v8;
	v12 =	vmovc v11;
	v35 =	vld [tilespmem:s20+$0xD080];
	v36 =	vmul.f32 v26, v24;
	v39 =	vadd.f32 v33, v18  }
0xe8: {  	v11 =	vsub.f32 $1.000000000e+02, v29;
	v8 =	vmovc v9;
	v38 =	vsub.f32 $1.000000000e+00, v24;
	v26 =	vld [tilespmem:s20+$0xE000];
	v37 =	vmul.f32 v23, v25  }
0xe9: {  	v30 =	vsub.f32 $1.000000000e+02, v30;
	v24 =	vld [tilespmem:s20+$0xE800];
	v9 =	vadd.f32 v39, v36;
	v33 =	vpop (erf);
	v39 =	vmul.f32 v15, v13  }
0xea: {  	v31 =	vsub.f32 $1.000000000e+02, v31;
	v13 =	vmovc v10;
	v23 =	vmul.f32 v32, v0;
	v32 =	vsub.f32 $1.000000000e+02, v27;
	v25 =	vld [tilespmem:s20+$0xE080]  }
0xeb: {  	v28 =	vmul.f32 v28, v0;
	v10 =	vmul.f32 v22, v0;
	v22 =	vld [tilespmem:s20+$0xE880];
	v29 =	vadd.f32 v9, v33  }
0xec: {  	v40 =	vmul.f32 v11, v1;
	v23 =	vxor.u32 $0x80000000, v23;
	v35 =	vmul.f32 v35, v0;
	v11 =	vld [tilespmem:s20+$0xE100]  }
0xed: {  	v41 =	vand.u32 $0x7FFFFFFF, v23;
	v27 =	vxor.u32 $0x80000000, v10;
	v9 =	vld [tilespmem:s20+$0xE900];
	(erf) = vrcp.f32 v29  }
0xee: {  	v41 =	vsub.f32 $0.0e+00, v41;
	v29 =	vxor.u32 $0x80000000, v35;
	v35 =	vand.u32 $0x7FFFFFFF, v27;
	v10 =	vld [tilespmem:s20+$0xE180]  }
0xef: {  	v30 =	vmul.f32 v30, v1;
	v42 =	vand.u32 $0x7FFFFFFF, v29;
	v35 =	vsub.f32 $0.0e+00, v35;
	v43 =	vld [tilespmem:s20+$0xE980]  }
0xf0: {  	v31 =	vmul.f32 v31, v1;
	v41 =	vmul.f32 $1.442695020e+00, v41;
	v42 =	vsub.f32 $0.0e+00, v42  }
0xf1: {  	v21 =	vadd.f32 v21, v34;
	v32 =	vmul.f32 v32, v1;
	v35 =	vmul.f32 $1.442695020e+00, v35  }
0xf2: {  	v28 =	vxor.u32 $0x80000000, v28;
	v34 =	vmul.f32 $1.442695020e+00, v42;
	(erf) = vpow2.f32 v41  }
0xf3: {  	v41 =	vand.u32 $0x7FFFFFFF, v28;
	v42 =	vmax.f32 v40, v30;
	(erf) = vpow2.f32 v35  }
0xf4: {  	v44 =	vmax.f32 v31, v32;
	v35 =	vsub.f32 $0.0e+00, v41;
	(erf) = vpow2.f32 v34;
	v34 =	vld [tilespmem:s19+$0xF000]  }
0xf5: {  	v16 =	vadd.f32 v17, v16;
	v15 =	vmul.f32 v15, v5;
	v5 =	vmovc v7;
	v42 =	vmax.f32 v42, v44  }
0xf6: {  	v37 =	vmul.f32 v38, v37;
	v17 =	vmul.f32 $1.442695020e+00, v35;
	v35 =	vmax.f32 v42, $1.000000010e-10;
	v38 =	vld [tilespmem:s19+$0xF080];
	v41 =	vpop (erf)  }
0xf7: {  	v21 =	vadd.f32 v21, v39;
	v7 =	vmovc v43;
	v31 =	vsub.f32 v31, v35;
	v20 =	vmul.f32 v41, v20  }
0xf8: {  	v39 =	vsub.f32 v40, v35;
	(erf) = vpow2.f32 v17;
	v17 =	vmul.f32 v41, v19;
	v19 =	vld [tilespmem:s19+$0xF100]  }
0xf9: {  	v15 =	vadd.f32 v16, v15;
	v33 =	vmul.f32 v41, v33;
	v34 =	vmul.f32 v20, v34;
	[tilespmem:s22+$0xF800] =	vst v21  }
0xfa: {  	v30 =	vsub.f32 v30, v35;
	v31 =	vmul.f32 v31, v0;
	v21 =	vmul.f32 v39, v0;
	v39 =	vld [tilespmem:s19+$0xF180]  }
0xfb: {  	v16 =	vmul.f32 v41, v18;
	v40 =	vpop (erf);
	v18 =	vadd.f32 v34, v33;
	v34 =	vmul.f32 v17, v38;
	[tilespmem:s22+$0xF880] =	vst v15;
	s22 =	smov.u32 s19;
	s19 =	smov.u32 s20  }
0xfc: {  	v30 =	vmul.f32 v30, v0;
	v21 =	vmul.f32 $1.442695020e+00, v21;
	v38 =	vadd.f32 $1.000000000e+00, v40;
	v42 =	vpop (erf)  }
0xfd: {  	v15 =	vmul.f32 v41, v36;
	v43 =	vpop (erf);
	v18 =	vadd.f32 v18, v34;
	v19 =	vmul.f32 v16, v19  }
0xfe: {  	v36 =	vadd.f32 $1.000000000e+00, v42;
	v34 =	vadd.f32 $1.000000000e+00, v43;
	(erf) = vpow2.f32 v21  }
0xff: {  	(erf) = vrcp.f32 v38;
	v18 =	vadd.f32 v18, v19;
	v19 =	vmul.f32 v15, v39  }
0x100: {  	v21 =	vmul.f32 $1.442695020e+00, v30;
	v30 =	vsub.f32 v32, v35;
	(erf) = vrcp.f32 v34  }
0x101: {  	v31 =	vmul.f32 $1.442695020e+00, v31;
	(erf) = vrcp.f32 v36;
	v32 =	vpop (erf);
	v18 =	vadd.f32 v18, v19  }
0x102: {  	v30 =	vmul.f32 v30, v0;
	v19 =	vadd.f32 $1.000000000e+00, v32;
	(erf) = vpow2.f32 v21  }
0x103: {  	v21 =	vsub.f32 $1.000000010e-10, v35;
	(erf) = vpow2.f32 v31;
	v31 =	vmul.f32 v20, v4;
	[tilespmem:s22+$0xF900] =	vst v18;
	v4 =	vmovc v26  }
0x104: {  	v18 =	vmul.f32 $1.442695020e+00, v30;
	(erf) = vrcp.f32 v19;
	v19 =	vsub.f32 $1.000000000e+00, v37  }
0x105: {  	v20 =	vmul.f32 v20, v3;
	v3 =	vmovc v24;
	v21 =	vmul.f32 v21, v0;
	v26 =	vadd.f32 v31, v33  }
0x106: {  	s11 =	sadd.s32 $0x10, s11;
	(erf) = vpow2.f32 v18;
	v18 =	vmul.f32 v17, v6;
	[tilespmem:s22+$0xF980] =	vst v19;
	v6 =	vmov v25  }
0x107: {  	s0 =	sand.u32 $0x600, s24;
	s18 =	sand.u32 $0x70, s11;
	v14 =	vmul.f32 v17, v14;
	v20 =	vadd.f32 v20, v33;
	v31 =	vmul.f32 $1.442695020e+00, v21;
	v24 =	vpop (erf)  }
0x108: {  	vm0 =	vge.f32 v23, $0.0e+00;
	vm2 =	vge.f32 v27, $0.0e+00;
	vm1 =	vge.f32 v29, $0.0e+00;
	s20 =	sor.u32 s18, s0;
	v17 =	vpop (erf)  }
0x109: {  	v23 =	vsel vm1, $0x3F800000, v43;
	v21 =	vsel vm0, $0x3F800000, v40;
	v29 =	vld [tilespmem:s20+$0xC000];
	v25 =	vpop (erf);
	(erf) = vpow2.f32 v31  }
.Ltmp1:
0x10a: {  	v33 =	vmul.f32 v17, v21;
	v17 =	vsel vm2, $0x3F800000, v42;
	v30 =	vld [tilespmem:s20+$0xC080];
	v34 =	vmul.f32 v25, v23;
	v19 =	vpop (erf);
	(pc) =	sbr.rel @p1 .LBB2_5-.Ltmp1, $4  }
0x10b: {  	v21 =	vadd.f32 v26, v18;
	v31 =	vld [tilespmem:s20+$0xC100];
	v23 =	vmul.f32 v19, v17;
	v19 =	vpop (erf);
	v17 =	vadd.f32 v20, v14  }
0x10c: {  	vm0 =	vge.f32 v28, $0.0e+00;
	v20 =	vmul.f32 v24, v33;
	v27 =	vld [tilespmem:s20+$0xC180];
	v19 =	vmul.f32 v19, v34;
	v14 =	vpop (erf)  }
0x10d: {  	v18 =	vsel vm0, $0x3F800000, v32;
	v25 =	vsub.f32 $1.000000000e+00, v33;
	v26 =	vsub.f32 $1.000000000e+00, v34;
	v28 =	vld [tilespmem:s20+$0xD180];
	v24 =	vpop (erf)  }
0x10e: {  	s24 =	sadd.s32 $0x40, s24;
	v32 =	vld [tilespmem:s20+$0xD000];
	v24 =	vmul.f32 v24, v18;
	v18 =	vmul.f32 v14, v23;
	v33 =	vadd.f32 v19, v20;
	v14 =	vmovc v22  }
0x10f: {  	v34 =	vld [tilespmem:s20+$0xD100]  }
0x110: {  	v35 =	vld [tilespmem:s20+$0xD080]  }
0x111: {  	v22 =	vpop (erf)  }
0x112: {  	v29 =	vsub.f32 $1.000000000e+02, v29;
	v22 =	vmul.f32 v22, v24;
	v33 =	vadd.f32 v33, v18  }
0x113: {  	v30 =	vsub.f32 $1.000000000e+02, v30;
	v31 =	vsub.f32 $1.000000000e+02, v31;
	v32 =	vmul.f32 v32, v0  }
0x114: {  	v29 =	vmul.f32 v29, v1;
	v33 =	vadd.f32 v33, v22;
	v34 =	vmul.f32 v34, v0  }
0x115: {  	v30 =	vmul.f32 v30, v1;
	v36 =	vpop (erf);
	v35 =	vmul.f32 v35, v0;
	v32 =	vxor.u32 $0x80000000, v32  }
0x116: {  	v33 =	vadd.f32 v33, v36;
	v37 =	vand.u32 $0x7FFFFFFF, v32;
	v34 =	vxor.u32 $0x80000000, v34  }
0x117: {  	v35 =	vxor.u32 $0x80000000, v35;
	v37 =	vsub.f32 $0.0e+00, v37;
	v38 =	vand.u32 $0x7FFFFFFF, v34  }
0x118: {  	v28 =	vmul.f32 v28, v0;
	v44 =	vand.u32 $0x7FFFFFFF, v35;
	v38 =	vsub.f32 $0.0e+00, v38  }
0x119: {  	(erf) = vrcp.f32 v33;
	v33 =	vsub.f32 $0.0e+00, v44;
	v37 =	vmul.f32 $1.442695020e+00, v37  }
0x11a: {  	v27 =	vsub.f32 $1.000000000e+02, v27;
	v31 =	vmul.f32 v31, v1;
	v38 =	vmul.f32 $1.442695020e+00, v38  }
0x11b: {  	v28 =	vxor.u32 $0x80000000, v28;
	v33 =	vmul.f32 $1.442695020e+00, v33;
	(erf) = vpow2.f32 v37  }
0x11c: {  	v27 =	vmul.f32 v27, v1;
	v45 =	vand.u32 $0x7FFFFFFF, v28;
	(erf) = vpow2.f32 v38  }
0x11d: {  	v37 =	vsub.f32 $0.0e+00, v45;
	(erf) = vpow2.f32 v33  }
0x11e: {  	v46 =	vmax.f32 v29, v30;
	v47 =	vmax.f32 v31, v27  }
0x11f: {  	v33 =	vmax.f32 v46, v47;
	v37 =	vmul.f32 $1.442695020e+00, v37  }
0x120: {  	v33 =	vmax.f32 v33, $1.000000010e-10  }
0x121: {  	v29 =	vsub.f32 v29, v33;
	(erf) = vpow2.f32 v37;
	_ =	sdelay $0x1  }
0x122: {  	v37 =	vpop (erf);
	v29 =	vmul.f32 v29, v0  }
0x123: {  	v48 =	vpop (erf)  }
0x124: {  	v30 =	vsub.f32 v30, v33;
	v29 =	vmul.f32 $1.442695020e+00, v29;
	v39 =	vpop (erf)  }
0x125: {  	v31 =	vsub.f32 v31, v33;
	v40 =	vadd.f32 $1.000000000e+00, v48;
	v41 =	vpop (erf)  }
0x126: {  	v30 =	vmul.f32 v30, v0;
	(erf) = vpow2.f32 v29;
	v42 =	vadd.f32 $1.000000000e+00, v41  }
0x127: {  	v49 =	vmul.f32 v31, v0;
	v50 =	vadd.f32 $1.000000000e+00, v39;
	(erf) = vrcp.f32 v40  }
0x128: {  	v27 =	vsub.f32 v27, v33;
	v30 =	vmul.f32 $1.442695020e+00, v30;
	(erf) = vrcp.f32 v42  }
0x129: {  	v29 =	vmul.f32 $1.442695020e+00, v49;
	v51 =	vpop (erf);
	(erf) = vrcp.f32 v50  }
0x12a: {  	v27 =	vmul.f32 v27, v0;
	v52 =	vadd.f32 $1.000000000e+00, v51;
	(erf) = vpow2.f32 v30  }
0x12b: {  	(erf) = vpow2.f32 v29  }
0x12c: {  	v53 =	vsub.f32 $1.000000010e-10, v33;
	v27 =	vmul.f32 $1.442695020e+00, v27;
	(erf) = vrcp.f32 v52;
	_ =	sdelay $0x1  }
0x12d: {  	v54 =	vmul.f32 v53, v0;
	(erf) = vpow2.f32 v27  }
0x12e: {  	v12 =	vmul.f32 v16, v12;
	vm0 =	vge.f32 v32, $0.0e+00;
	v55 =	vpop (erf)  }
0x12f: {  	v63 =	vld [tilespmem:s19+$0xF000];
	vm1 =	vge.f32 v35, $0.0e+00;
	v57 =	vsel vm0, $0x3F800000, v48;
	v29 =	vmul.f32 $1.442695020e+00, v54;
	v56 =	vpop (erf)  }
0x130: {  	v43 =	vld [tilespmem:s20+$0xE180];
	v25 =	vmul.f32 v26, v25;
	v58 =	vsel vm1, $0x3F800000, v41;
	v32 =	vmul.f32 v56, v57;
	v59 =	vpop (erf)  }
0x131: {  	v26 =	vld [tilespmem:s20+$0xE980];
	vm2 =	vge.f32 v34, $0.0e+00;
	(erf) = vpow2.f32 v29;
	v35 =	vmul.f32 v59, v58;
	v61 =	vpop (erf)  }
0x132: {  	vm15 =	vge.f32 v28, $0.0e+00;
	v34 =	vld [tilespmem:s20+$0xE880];
	v60 =	vsel vm2, $0x3F800000, v39;
	v28 =	vmul.f32 v55, v32;
	v62 =	vpop (erf)  }
0x133: {  	v44 =	vld [tilespmem:s19+$0xF080];
	v38 =	vmul.f32 v61, v60;
	v33 =	vmul.f32 v62, v35;
	v48 =	vpop (erf)  }
0x134: {  	v13 =	vmul.f32 v15, v13;
	v12 =	vadd.f32 v21, v12;
	v45 =	vld [tilespmem:s19+$0xF100];
	v49 =	vsel vm15, $0x3F800000, v51;
	v50 =	vpop (erf)  }
0x135: {  	v40 =	vld [tilespmem:s20+$0xE080];
	v51 =	vmul.f32 v48, v38;
	v21 =	vmul.f32 v50, v49;
	v52 =	vadd.f32 v33, v28  }
0x136: {  	v8 =	vmul.f32 v16, v8;
	v12 =	vadd.f32 v12, v13;
	v41 =	vld [tilespmem:s20+$0xE900];
	v53 =	vpop (erf)  }
0x137: {  	v20 =	vmul.f32 v37, v20;
	v30 =	vld [tilespmem:s20+$0xE000];
	v13 =	vmul.f32 v53, v21;
	v39 =	vadd.f32 v52, v51  }
0x138: {  	v5 =	vmul.f32 v15, v5;
	v19 =	vmul.f32 v37, v19;
	v27 =	vld [tilespmem:s20+$0xE800]  }
0x139: {  	v36 =	vmul.f32 v37, v36;
	v42 =	vmul.f32 v20, v63;
	v29 =	vld [tilespmem:s20+$0xE100];
	[tilespmem:s22+$0xF800] =	vst v12;
	v56 =	vadd.f32 v39, v13  }
0x13a: {  	v8 =	vadd.f32 v17, v8;
	v54 =	vsub.f32 $1.000000000e+00, v23;
	v57 =	vmul.f32 v37, v18;
	v55 =	vld [tilespmem:s19+$0xF180];
	v60 =	vpop (erf)  }
0x13b: {  	v58 =	vadd.f32 v42, v36;
	v59 =	vmul.f32 v19, v44;
	v23 =	vadd.f32 v56, v60  }
0x13c: {  	v22 =	vmul.f32 v37, v22;
	v12 =	vmul.f32 v54, v25;
	v61 =	vsub.f32 $1.000000000e+00, v24  }
0x13d: {  	v63 =	vmul.f32 v57, v45;
	v62 =	vadd.f32 v58, v59;
	(erf) = vrcp.f32 v23  }
0x13e: {  	v5 =	vadd.f32 v8, v5;
	v12 =	vmul.f32 v61, v12  }
0x13f: {  	v25 =	vadd.f32 v62, v63;
	v16 =	vmul.f32 v22, v55  }
0x140: {  	v4 =	vmul.f32 v20, v4;
	[tilespmem:s22+$0xF880] =	vst v5;
	v5 =	vsub.f32 $1.000000000e+00, v12  }
0x141: {  	v3 =	vmul.f32 v20, v3;
	v8 =	vadd.f32 v25, v16  }
0x142: {  	v6 =	vmul.f32 v19, v6;
	v4 =	vadd.f32 v4, v36;
	[tilespmem:s19+$0xF980] =	vst v5  }
0x143: {  	v3 =	vadd.f32 v3, v36;
	v37 =	vmul.f32 v19, v14;
	[tilespmem:s19+$0xF900] =	vst v8  }
0x144: {  	v4 =	vadd.f32 v4, v6;
	v5 =	vmul.f32 v57, v11;
	v6 =	vld [tilespmem:s20+$0xF000]  }
0x145: {  	v9 =	vmul.f32 v57, v9;
	v3 =	vadd.f32 v3, v37  }
0x146: {  	v10 =	vmul.f32 v22, v10;
	v7 =	vmul.f32 v22, v7;
	v4 =	vadd.f32 v4, v5;
	v5 =	vld [tilespmem:s20+$0xF080];
	v39 =	vpop (erf)  }
0x147: {  	v36 =	vsub.f32 $1.000000000e+00, v35;
	v3 =	vadd.f32 v3, v9;
	v45 =	vmul.f32 v39, v28  }
0x148: {  	v8 =	vsub.f32 $1.000000000e+00, v32;
	v47 =	vld [tilespmem:s20+$0xF100];
	v4 =	vadd.f32 v4, v10;
	v46 =	vmul.f32 v39, v33  }
0x149: {  	v48 =	vmul.f32 v39, v60;
	v6 =	vmul.f32 v45, v6  }
0x14a: {  	v42 =	vsub.f32 $1.000000000e+00, v38;
	v3 =	vadd.f32 v3, v7;
	v8 =	vmul.f32 v36, v8;
	[tilespmem:s19+$0xF800] =	vst v4  }
0x14b: {  	v4 =	vld [tilespmem:s20+$0xF180];
	v50 =	vmul.f32 v39, v51;
	v5 =	vmul.f32 v46, v5;
	v6 =	vadd.f32 v6, v48  }
0x14c: {  	v49 =	vsub.f32 $1.000000000e+00, v21;
	v8 =	vmul.f32 v42, v8;
	v51 =	vmul.f32 v45, v30  }
0x14d: {  	v52 =	vmul.f32 v45, v27;
	v5 =	vadd.f32 v6, v5;
	v6 =	vmul.f32 v50, v47  }
0x14e: {  	v13 =	vmul.f32 v39, v13;
	v53 =	vmul.f32 v46, v40;
	v9 =	vadd.f32 v51, v48  }
0x14f: {  	v10 =	vmul.f32 v46, v34;
	v5 =	vadd.f32 v5, v6;
	v6 =	vadd.f32 v52, v48  }
0x150: {  	v4 =	vmul.f32 v13, v4;
	v54 =	vmul.f32 v50, v29;
	v9 =	vadd.f32 v9, v53  }
0x151: {  	v8 =	vmul.f32 v49, v8;
	v7 =	vmul.f32 v50, v41;
	v6 =	vadd.f32 v6, v10  }
0x152: {  	v9 =	vadd.f32 v9, v54;
	v4 =	vadd.f32 v5, v4;
	v5 =	vmul.f32 v13, v43  }
0x153: {  	[tilespmem:s19+$0xF880] =	vst v3;
	v3 =	vsub.f32 $1.000000000e+00, v8;
	v6 =	vadd.f32 v6, v7;
	v7 =	vmul.f32 v13, v26  }
0x154: {  	p1 =	sne.s32 s12, $0x1F;
	[tilespmem:s20+$0xF900] =	vst v4;
	v4 =	vadd.f32 v9, v5  }
0x155: {  	s0 =	sshll.u32 @p1 s17, $0xB;
	[tilespmem:s20+$0xF980] =	vst v3;
	v3 =	vadd.f32 v6, v7  }
0x156: {  	s10 =	sshrl.u32 s10, $0x3;
	s0 =	sadd.s32 @p1 s9, s0;
	[tilespmem:s20+$0xF800] =	vst v4  }
0x157: {  	s26 =	simm.s32 $0xF800;
	s10 =	sadd.s32 s6, s10;
	s11 =	smul.u32 @p1 $0x3, s0;
	[tilespmem:s20+$0xF880] =	vst v3  }
0x158: {  	[hbm4b:s10+s7] =	stream.linear.scatter [tilespmem:s26], [sflag:$0x7], $0x800, $0x38;
	[tilespmem:$0x10800] =	vst v63  }
0x159: {  	s17 =	simm.s32 @p1 $0x9000;
	s10 =	sshrl.u32 @p1 s11, $0x3  }
0x15a: {  	s0 =	sshrl.u32 @p1 s0, $0x3;
	s11 =	simm.s32 @p1 $0x0;
	s10 =	sadd.s32 @p1 s2, s10  }
0x15b: {  	[tilespmem:s17], [sflag:$0x3] =	stream.linear.gather @p1 [hbm4b:s10+s11], $0x1800, $0x38;
	[tilespmem:$0x10800] =	vst v63  }
0x15c: {  	s10 =	sadd.s32 @p1 s3, s0;
	s17 =	simm.s32 @p1 $0xC000  }
0x15d: {  	[tilespmem:s17], [sflag:$0x3] =	stream.linear.gather @p1 [hbm4b:s10+s11], $0x800, $0x38;
	[tilespmem:$0x10800] =	vst v63  }
0x15e: {  	s0 =	sadd.s32 @p1 s4, s0;
	s10 =	simm.s32 @p1 $0xD000  }
0x15f: {  	[tilespmem:s10], [sflag:$0x3] =	stream.linear.gather @p1 [hbm4b:s0+s11], $0x800, $0x38;
	[tilespmem:$0x10800] =	vst v63  }
0x160: {  	s0 =	simm.s32 @p1 $0x6  }
0x161: {  	_ =	swait.ge @p1 [sflag:s0], $0x4000  }
0x162: {  	[sflag:s0] =	ssyncset.done @p1 $0x0  }
0x163: {  	[sflag:s0] =	ssyncadd.s32 @p1 $0xFFFFC000;
	s0 =	simm.s32 @p1 $0x1  }
0x164: {  	_ =	swait.ge @p1 [sflag:s0], $0x800  }
0x165: {  	[sflag:s0] =	ssyncset.done @p1 $0x0  }
0x166: {  	s10 =	simm.s32 @p1 $0x1000;
	[sflag:s0] =	ssyncadd.s32 @p1 $0xFFFFF800;
	s0 =	simm.s32 @p1 $0x800  }
0x167: {  	[tilespmem:s10], [sflag:$0x5] =	stream.indirect.gather @p1 [hbm4b:s8+s0], $0x8, s11, s0, $0xb8;
	[tilespmem:$0x10800] =	vst v63  }
0x168: {  	s10 =	sadd.s32 @p1 s14, s16  }
0x169: {  	s10 =	sshrl.u32 @p1 s10, $0x3  }
0x16a: {  	s10 =	sadd.s32 @p1 s1, s10  }
0x16b: {  	[tilespmem:s0], [sflag:$0x2] =	stream.linear.gather @p1 [hbm4b:s10+s11], $0x800, $0x38;
	[tilespmem:$0x10800] =	vst v63  }
0x16c: {  	s0 =	simm.s32 @!p1 $0x6  }
0x16d: {  	_ =	swait.ge @!p1 [sflag:s0], $0x4000  }
0x16e: {  	[sflag:s0] =	ssyncset.done @!p1 $0x0  }
0x16f: {  	[sflag:s0] =	ssyncadd.s32 @!p1 $0xFFFFC000  }
0x170: {  	_ =	swait.ge [sflag:s5], $0x1800  }
0x171: {  	[sflag:s5] =	ssyncset.done $0x0  }
0x172: {  	[sflag:s5] =	ssyncadd.s32 $0xFFFFE800  }
0x173: {  	s10 =	simm.s32 $0x0;
	_ =	swait.ge [sflag:s5], $0x800  }
0x174: {  	v3 =	vmov s10;
	[sflag:s5] =	ssyncset.done $0x0  }
0x175: {  	v3 =	vshll.u32 v3, $0x3;
	[sflag:s5] =	ssyncadd.s32 $0xFFFFF800  }
0x176: {  	v3 =	vor.u32 v2, v3;
	_ =	swait.ge [sflag:s5], $0x800  }
0x177: {  	v4 =	vor.u32 $0x2, v3;
	[sflag:s5] =	ssyncset.done $0x0  }
0x178: {  	s0 =	simm.s32 @!p0 $0x8;
	[sflag:s5] =	ssyncadd.s32 $0xFFFFF800  }
0x179: {  	v5 =	vor.u32 $0x1, v3;
	_ =	swait.ge @!p0 [sflag:s0], $0x800  }
0x17a: {  	v6 =	vor.u32 $0x3, v3;
	[sflag:s0] =	ssyncset.done @!p0 $0x0  }
0x17b: {  	[sflag:s0] =	ssyncadd.s32 @!p0 $0xFFFFF800  }
0x17c: {  	v4 =	vld.idx.msk [tilespmem:v4+s30+$0x0], $0xffff  }
0x17d: {  	v7 =	vld.idx.msk [tilespmem:v3+s30+$0x0], $0xffff  }
0x17e: {  	v3 =	vor.u32 $0x4, v3;
	v5 =	vld.idx.msk [tilespmem:v5+s30+$0x0], $0xffff  }
0x17f: {  	s17 =	simm.s32 $0xB010;
	v6 =	vld.idx.msk [tilespmem:v6+s30+$0x0], $0xffff  }
0x180: {  	v8 =	vld [tilespmem:s17+$0xFFFFF7F0]  }
0x181: {  	s14 =	simm.s32 $0x10;
	v55 =	vld [tilespmem:s17+$0xFFFFFFF0]  }
0x182: {  	v56 =	vmov s14;
	v59 =	vld [tilespmem:s17+$0x7F0]  }
0x183: {  	v57 =	vld.idx.msk [tilespmem:v3+s30+$0x0], $0xffff;
	v3 =	vshll.u32 v56, $0x3  }
0x184: {  	v58 =	vand.u32 $0xFFFF0000, v7;
	v60 =	vand.u32 $0xFFFF0000, v5;
	v61 =	vand.u32 $0xFFFF0000, v6  }
0x185: {  	v7 =	vshll.u32 v7, $0x10;
	v62 =	vshll.u32 v4, $0x10;
	v4 =	vand.u32 $0xFFFF0000, v4  }
0x186: {  	v5 =	vshll.u32 v5, $0x10;
	v7 =	vmul.f32 v7, v8;
	v4 =	vmul.f32 v4, v55  }
0x187: {  	v6 =	vshll.u32 v6, $0x10;
	v10 =	vmul.f32 v58, v8;
	v5 =	vmul.f32 v5, v55  }
0x188: {  	v15 =	vmul.f32 v62, v55;
	v6 =	vmul.f32 v6, v59;
	v4 =	vadd.f32 v4, v7  }
0x189: {  	v7 =	vmul.f32 v60, v8;
	v5 =	vadd.f32 v5, v10;
	v8 =	vmul.f32 v61, v59  }
0x18a: {  	v3 =	vor.u32 v2, v3;
	v11 =	vand.u32 $0xFFFF0000, v57;
	v4 =	vadd.f32 v6, v4  }
0x18b: {  	s11 =	simm.s32 $0xE810;
	v6 =	vadd.f32 v15, v7;
	v5 =	vadd.f32 v8, v5;
	v7 =	vmul.f32 v11, v59  }
0x18c: {  	v63 =	vor.u32 $0x3, v3;
	[tilespmem:s11+$0xFFFFFFF0] =	vst v4  }
0x18d: {  	[tilespmem:s11+$0xFFFFF7F0] =	vst v5;
	v5 =	vor.u32 $0x1, v3;
	v4 =	vadd.f32 v7, v6;
	_ =	sdelay $0x1  }
0x18e: {  	[tilespmem:s11+$0x7F0] =	vst v4;
	v4 =	vor.u32 $0x2, v3  }
0x18f: {  	s22 =	simm.s32 $0xE830  }
0x190: {  	s19 =	simm.s32 $0x0;
	s20 =	simm.s32 $0xB010;
	s0 =	simm.s32 $0x0;
	v6 =	vld.idx.msk [tilespmem:v63+s30+$0x0], $0xffff  }
.LBB2_7:
0x191: {  	s19 =	sadd.s32 $0x2, s19;
	v5 =	vld.idx.msk [tilespmem:v5+s30+$0x0], $0xffff;
	s0 =	sadd.s32 $0x20, s0;
	s17 =	sadd.s32 $0x20, s17  }
0x192: {  	p0 =	slt.u32 s19, $0x7E;
	v7 =	vld [tilespmem:s20+$0x0]  }
0x193: {  	v8 =	vor.u32 $0x4, v3;
	v4 =	vld.idx.msk [tilespmem:v4+s30+$0x0], $0xffff  }
0x194: {  	v3 =	vld.idx.msk [tilespmem:v3+s30+$0x0], $0xffff;
	_ =	sdelay $0x1  }
0x195: {  	v9 =	vmov s0;
	v11 =	vand.u32 $0xFFFF0000, v6;
	v10 =	vld [tilespmem:s20+$0xFFFFF800]  }
0x196: {  	v9 =	vshll.u32 v9, $0x3;
	v6 =	vshll.u32 v6, $0x10;
	v13 =	vshll.u32 v5, $0x10;
	v12 =	vld [tilespmem:s20+$0x800];
	s20 =	smov.u32 s17  }
0x197: {  	v9 =	vor.u32 v2, v9;
	v5 =	vand.u32 $0xFFFF0000, v5;
	v13 =	vmul.f32 v13, v7;
	v8 =	vld.idx.msk [tilespmem:v8+s30+$0x0], $0xffff  }
0x198: {  	v14 =	vor.u32 $0x1, v9;
	v15 =	vor.u32 $0x2, v9;
	v16 =	vand.u32 $0xFFFF0000, v4  }
0x199: {  	v17 =	vor.u32 $0x4, v9;
	v18 =	vand.u32 $0xFFFF0000, v3;
	v3 =	vshll.u32 v3, $0x10  }
0x19a: {  	v19 =	vor.u32 $0x3, v9;
	v18 =	vmul.f32 v18, v10;
	v3 =	vmul.f32 v3, v10  }
0x19b: {  	v4 =	vshll.u32 v4, $0x10;
	v16 =	vmul.f32 v16, v7;
	v11 =	vmul.f32 v11, v12  }
0x19c: {  	v4 =	vmul.f32 v4, v7;
	v5 =	vmul.f32 v5, v10;
	v13 =	vadd.f32 v13, v18  }
0x19d: {  	v6 =	vmul.f32 v6, v12;
	v7 =	vand.u32 $0xFFFF0000, v8;
	v3 =	vadd.f32 v16, v3  }
0x19e: {  	v4 =	vadd.f32 v4, v5;
	v5 =	vmul.f32 v7, v12;
	v8 =	vadd.f32 v11, v13  }
0x19f: {  	v3 =	vadd.f32 v6, v3  }
0x1a0: {  	v4 =	vadd.f32 v5, v4;
	[tilespmem:s11+$0xFFFFF800] =	vst v8  }
0x1a1: {  	[tilespmem:s11+$0x0] =	vst v3  }
0x1a2: {  	[tilespmem:s11+$0x800] =	vst v4;
	s11 =	smov.u32 s22  }
0x1a3: {  	v6 =	vld.idx.msk [tilespmem:v15+s30+$0x0], $0xffff  }
0x1a4: {  	v7 =	vld.idx.msk [tilespmem:v9+s30+$0x0], $0xffff  }
0x1a5: {  	v8 =	vld.idx.msk [tilespmem:v14+s30+$0x0], $0xffff  }
0x1a6: {  	s18 =	sadd.s32 $0x10, s0;
	v9 =	vld.idx.msk [tilespmem:v19+s30+$0x0], $0xffff  }
0x1a7: {  	v3 =	vmov s18;
	v10 =	vld [tilespmem:s17+$0xFFFFF7F0]  }
0x1a8: {  	v11 =	vld [tilespmem:s17+$0xFFFFFFF0]  }
0x1a9: {  	v3 =	vshll.u32 v3, $0x3;
	v12 =	vld.idx.msk [tilespmem:v17+s30+$0x0], $0xffff  }
0x1aa: {  	v3 =	vor.u32 v2, v3;
	v13 =	vand.u32 $0xFFFF0000, v7  }
0x1ab: {  	v5 =	vor.u32 $0x1, v3;
	v4 =	vor.u32 $0x2, v3;
	v15 =	vand.u32 $0xFFFF0000, v8;
	v14 =	vld [tilespmem:s17+$0x7F0]  }
0x1ac: {  	v7 =	vshll.u32 v7, $0x10;
	v17 =	vshll.u32 v6, $0x10;
	v16 =	vand.u32 $0xFFFF0000, v9  }
0x1ad: {  	v6 =	vand.u32 $0xFFFF0000, v6;
	v7 =	vmul.f32 v7, v10;
	v17 =	vmul.f32 v17, v11  }
0x1ae: {  	v8 =	vshll.u32 v8, $0x10;
	v9 =	vshll.u32 v9, $0x10;
	v6 =	vmul.f32 v6, v11  }
0x1af: {  	v13 =	vmul.f32 v13, v10;
	v8 =	vmul.f32 v8, v11;
	v12 =	vand.u32 $0xFFFF0000, v12  }
0x1b0: {  	v6 =	vadd.f32 v6, v7;
	v7 =	vmul.f32 v9, v14;
	v9 =	vmul.f32 v15, v10  }
0x1b1: {  	v11 =	vor.u32 $0x3, v3;
	v8 =	vadd.f32 v8, v13;
	v10 =	vmul.f32 v16, v14  }
0x1b2: {  	v6 =	vadd.f32 v7, v6;
	v7 =	vadd.f32 v17, v9;
	v9 =	vmul.f32 v12, v14  }
.Ltmp2:
0x1b3: {  	v8 =	vadd.f32 v10, v8;
	(pc) =	sbr.rel @p0 .LBB2_7-.Ltmp2, $4  }
0x1b4: {  	[tilespmem:s22+$0xFFFFFFF0] =	vst v6;
	v6 =	vadd.f32 v9, v7  }
0x1b5: {  	[tilespmem:s22+$0xFFFFF7F0] =	vst v8  }
0x1b6: {  	[tilespmem:s22+$0x7F0] =	vst v6  }
0x1b7: {  	s22 =	sadd.s32 $0x20, s22;
	v6 =	vld.idx.msk [tilespmem:v11+s30+$0x0], $0xffff  }
0x1b8: {  	_ =	sdelay $0x3  }
0x1b9: {  	v5 =	vld.idx.msk [tilespmem:v5+s30+$0x0], $0xffff  }
0x1ba: {  	v7 =	vld [tilespmem:s20+$0x0]  }
0x1bb: {  	v4 =	vld.idx.msk [tilespmem:v4+s30+$0x0], $0xffff  }
0x1bc: {  	v8 =	vor.u32 $0x4, v3;
	v3 =	vld.idx.msk [tilespmem:v3+s30+$0x0], $0xffff  }
0x1bd: {  	v10 =	vld [tilespmem:s20+$0x800]  }
0x1be: {  	v9 =	vld [tilespmem:s20+$0xFFFFF800];
	_ =	sdelay $0x1  }
0x1bf: {  	v11 =	vand.u32 $0xFFFF0000, v6  }
0x1c0: {  	v6 =	vshll.u32 v6, $0x10;
	v12 =	vshll.u32 v5, $0x10;
	v8 =	vld.idx.msk [tilespmem:v8+s30+$0x0], $0xffff;
	v5 =	vand.u32 $0xFFFF0000, v5  }
0x1c1: {  	v13 =	vand.u32 $0xFFFF0000, v3;
	v3 =	vshll.u32 v3, $0x10;
	v11 =	vmul.f32 v11, v10  }
0x1c2: {  	v14 =	vand.u32 $0xFFFF0000, v4;
	v12 =	vmul.f32 v12, v7;
	v13 =	vmul.f32 v13, v9  }
0x1c3: {  	v4 =	vshll.u32 v4, $0x10;
	v3 =	vmul.f32 v3, v9;
	v14 =	vmul.f32 v14, v7  }
0x1c4: {  	v5 =	vmul.f32 v5, v9;
	v4 =	vmul.f32 v4, v7;
	v12 =	vadd.f32 v12, v13  }
0x1c5: {  	v6 =	vmul.f32 v6, v10;
	v3 =	vadd.f32 v14, v3;
	v7 =	vand.u32 $0xFFFF0000, v8  }
0x1c6: {  	v4 =	vadd.f32 v4, v5;
	v8 =	vadd.f32 v11, v12;
	v5 =	vmul.f32 v7, v10  }
0x1c7: {  	v3 =	vadd.f32 v6, v3  }
0x1c8: {  	[tilespmem:s11+$0xFFFFF800] =	vst v8;
	v4 =	vadd.f32 v5, v4  }
0x1c9: {  	s0 =	sand.u32 $0x600, s10;
	s22 =	sand.u32 $0x70, s10;
	[tilespmem:s11+$0x0] =	vst v3  }
0x1ca: {  	s10 =	sor.u32 s22, s0;
	[tilespmem:s11+$0x800] =	vst v4  }
0x1cb: {  	v3 =	vld [tilespmem:s10+$0xC800]  }
0x1cc: {  	v4 =	vld [tilespmem:s10+$0xC880]  }
0x1cd: {  	v5 =	vld [tilespmem:s10+$0xC900]  }
0x1ce: {  	v6 =	vld [tilespmem:s10+$0xD800]  }
0x1cf: {  	v7 =	vld [tilespmem:s10+$0xD900]  }
0x1d0: {  	v8 =	vld [tilespmem:s10+$0xD880]  }
0x1d1: {  	v9 =	vld [tilespmem:s10+$0xD980]  }
0x1d2: {  	v10 =	vld [tilespmem:s10+$0xC980];
	_ =	sdelay $0x2  }
0x1d3: {  	v6 =	vmul.f32 v6, v0;
	v3 =	vsub.f32 $1.000000000e+02, v3;
	v4 =	vsub.f32 $1.000000000e+02, v4  }
0x1d4: {  	v7 =	vmul.f32 v7, v0;
	v5 =	vsub.f32 $1.000000000e+02, v5;
	v8 =	vmul.f32 v8, v0  }
0x1d5: {  	v9 =	vmul.f32 v9, v0;
	v10 =	vsub.f32 $1.000000000e+02, v10;
	v6 =	vxor.u32 $0x80000000, v6  }
0x1d6: {  	v7 =	vxor.u32 $0x80000000, v7;
	v8 =	vxor.u32 $0x80000000, v8;
	v11 =	vand.u32 $0x7FFFFFFF, v6  }
0x1d7: {  	v3 =	vmul.f32 v3, v1;
	v12 =	vand.u32 $0x7FFFFFFF, v7;
	v11 =	vsub.f32 $0.0e+00, v11  }
0x1d8: {  	v4 =	vmul.f32 v4, v1;
	v13 =	vand.u32 $0x7FFFFFFF, v8;
	v12 =	vsub.f32 $0.0e+00, v12  }
0x1d9: {  	v5 =	vmul.f32 v5, v1;
	v13 =	vsub.f32 $0.0e+00, v13;
	v11 =	vmul.f32 $1.442695020e+00, v11  }
0x1da: {  	v10 =	vmul.f32 v10, v1;
	v12 =	vmul.f32 $1.442695020e+00, v12  }
0x1db: {  	v9 =	vxor.u32 $0x80000000, v9;
	v13 =	vmul.f32 $1.442695020e+00, v13;
	(erf) = vpow2.f32 v11  }
0x1dc: {  	v11 =	vand.u32 $0x7FFFFFFF, v9;
	(erf) = vpow2.f32 v12  }
0x1dd: {  	v12 =	vmax.f32 v3, v4;
	(erf) = vpow2.f32 v13;
	v13 =	vmax.f32 v5, v10  }
0x1de: {  	v11 =	vsub.f32 $0.0e+00, v11;
	v12 =	vmax.f32 v12, v13  }
0x1df: {  	v12 =	vmax.f32 v12, $1.000000010e-10  }
0x1e0: {  	v11 =	vmul.f32 $1.442695020e+00, v11;
	v3 =	vsub.f32 v3, v12;
	_ =	sdelay $0x1  }
0x1e1: {  	(erf) = vpow2.f32 v11;
	v3 =	vmul.f32 v3, v0;
	_ =	sdelay $0x1  }
0x1e2: {  	v4 =	vsub.f32 v4, v12;
	v11 =	vpop (erf);
	v3 =	vmul.f32 $1.442695020e+00, v3  }
0x1e3: {  	v5 =	vsub.f32 v5, v12;
	v13 =	vpop (erf)  }
0x1e4: {  	v4 =	vmul.f32 v4, v0;
	v14 =	vadd.f32 $1.000000000e+00, v11;
	v15 =	vpop (erf);
	(erf) = vpow2.f32 v3  }
0x1e5: {  	v3 =	vmul.f32 v5, v0;
	v5 =	vadd.f32 $1.000000000e+00, v13;
	v16 =	vadd.f32 $1.000000000e+00, v15  }
0x1e6: {  	(erf) = vrcp.f32 v14  }
0x1e7: {  	v4 =	vmul.f32 $1.442695020e+00, v4;
	(erf) = vrcp.f32 v16  }
0x1e8: {  	v10 =	vsub.f32 v10, v12;
	(erf) = vrcp.f32 v5  }
0x1e9: {  	v3 =	vmul.f32 $1.442695020e+00, v3;
	v5 =	vpop (erf);
	(erf) = vpow2.f32 v4;
	v4 =	vsub.f32 $1.000000010e-10, v12  }
0x1ea: {  	v10 =	vmul.f32 v10, v0;
	v14 =	vadd.f32 $1.000000000e+00, v5  }
0x1eb: {  	(erf) = vpow2.f32 v3;
	v4 =	vmul.f32 v4, v0  }
0x1ec: {  	(erf) = vrcp.f32 v14  }
0x1ed: {  	v3 =	vmul.f32 $1.442695020e+00, v10;
	_ =	sdelay $0x1  }
0x1ee: {  	(erf) = vpow2.f32 v3;
	v3 =	vmul.f32 $1.442695020e+00, v4;
	v4 =	vpop (erf)  }
0x1ef: {  	s24 =	simm.s32 $0x40;
	vm0 =	vge.f32 v6, $0.0e+00;
	vm1 =	vge.f32 v8, $0.0e+00;
	v6 =	vpop (erf)  }
0x1f0: {  	s25 =	sand.u32 $0x70, s14;
	s0 =	sand.u32 $0x600, s24;
	vm2 =	vge.f32 v7, $0.0e+00;
	v7 =	vsel vm0, $0x3F800000, v11;
	v8 =	vsel vm1, $0x3F800000, v15;
	v10 =	vpop (erf)  }
0x1f1: {  	s14 =	sor.u32 s25, s0;
	v6 =	vmul.f32 v6, v7;
	v7 =	vmul.f32 v10, v8;
	v8 =	vsel vm2, $0x3F800000, v13;
	v10 =	vpop (erf)  }
0x1f2: {  	v19 =	vld [tilespmem:s14+$0xC980];
	(erf) = vpow2.f32 v3;
	v8 =	vmul.f32 v10, v8;
	v10 =	vpop (erf)  }
0x1f3: {  	vm11 =	vge.f32 v9, $0.0e+00;
	v4 =	vmul.f32 v4, v6;
	v9 =	vmul.f32 v10, v7;
	v10 =	vpop (erf)  }
0x1f4: {  	v11 =	vld [tilespmem:s14+$0xC880];
	v5 =	vsel vm11, $0x3F800000, v5;
	v14 =	vpop (erf)  }
0x1f5: {  	v15 =	vld [tilespmem:s14+$0xD800];
	v10 =	vmul.f32 v10, v8;
	v5 =	vmul.f32 v14, v5;
	v14 =	vadd.f32 v9, v4  }
0x1f6: {  	v16 =	vld [tilespmem:s14+$0xD900]  }
0x1f7: {  	v19 =	vsub.f32 $1.000000000e+02, v19;
	v12 =	vld [tilespmem:s14+$0xC900];
	v17 =	vpop (erf);
	v14 =	vadd.f32 v14, v10  }
0x1f8: {  	v18 =	vld [tilespmem:s14+$0xD880];
	v6 =	vsub.f32 $1.000000000e+00, v6;
	v7 =	vsub.f32 $1.000000000e+00, v7;
	v17 =	vmul.f32 v17, v5  }
0x1f9: {  	v19 =	vmul.f32 v19, v1;
	v11 =	vsub.f32 $1.000000000e+02, v11;
	v3 =	vld [tilespmem:s14+$0xC800]  }
0x1fa: {  	v15 =	vmul.f32 v15, v0;
	v6 =	vmul.f32 v7, v6;
	v7 =	vadd.f32 v14, v17  }
0x1fb: {  	v11 =	vmul.f32 v11, v1;
	v16 =	vmul.f32 v16, v0;
	v13 =	vld [tilespmem:s14+$0xD980];
	v14 =	vpop (erf)  }
0x1fc: {  	v20 =	vxor.u32 $0x80000000, v15;
	v12 =	vsub.f32 $1.000000000e+02, v12;
	v7 =	vadd.f32 v7, v14  }
0x1fd: {  	v15 =	vmul.f32 v18, v0;
	v18 =	vand.u32 $0x7FFFFFFF, v20;
	v21 =	vxor.u32 $0x80000000, v16  }
0x1fe: {  	v12 =	vmul.f32 v12, v1;
	v3 =	vsub.f32 $1.000000000e+02, v3;
	(erf) = vrcp.f32 v7  }
0x1ff: {  	v7 =	vsub.f32 $0.0e+00, v18;
	v18 =	vxor.u32 $0x80000000, v15;
	v15 =	vand.u32 $0x7FFFFFFF, v21  }
0x200: {  	v13 =	vmul.f32 v13, v0;
	v16 =	vand.u32 $0x7FFFFFFF, v18;
	v15 =	vsub.f32 $0.0e+00, v15  }
0x201: {  	v8 =	vsub.f32 $1.000000000e+00, v8;
	v7 =	vmul.f32 $1.442695020e+00, v7;
	v16 =	vsub.f32 $0.0e+00, v16  }
0x202: {  	v3 =	vmul.f32 v3, v1;
	v22 =	vxor.u32 $0x80000000, v13;
	v15 =	vmul.f32 $1.442695020e+00, v15  }
0x203: {  	v13 =	vand.u32 $0x7FFFFFFF, v22;
	v16 =	vmul.f32 $1.442695020e+00, v16;
	(erf) = vpow2.f32 v7  }
0x204: {  	v24 =	vmax.f32 v12, v19;
	v13 =	vsub.f32 $0.0e+00, v13;
	(erf) = vpow2.f32 v15  }
0x205: {  	v6 =	vmul.f32 v8, v6;
	(erf) = vpow2.f32 v16;
	v16 =	vmax.f32 v3, v11  }
0x206: {  	v5 =	vsub.f32 $1.000000000e+00, v5;
	v13 =	vmul.f32 $1.442695020e+00, v13;
	v15 =	vld [tilespmem:s10+$0xF000];
	v8 =	vmax.f32 v16, v24  }
0x207: {  	v16 =	vld [tilespmem:s10+$0xF080];
	v26 =	vmax.f32 v8, $1.000000010e-10  }
0x208: {  	v23 =	vld [tilespmem:s10+$0xE800];
	v31 =	vmul.f32 v5, v6;
	(erf) = vpow2.f32 v13;
	v24 =	vpop (erf);
	v3 =	vsub.f32 v3, v26  }
0x209: {  	v25 =	vld [tilespmem:s10+$0xE080];
	v5 =	vsub.f32 v11, v26;
	v27 =	vmul.f32 v24, v4;
	v29 =	vmul.f32 v24, v9  }
0x20a: {  	v7 =	vld [tilespmem:s10+$0xE000];
	v4 =	vsub.f32 v12, v26;
	v30 =	vmul.f32 v24, v14;
	v3 =	vmul.f32 v3, v0  }
0x20b: {  	v9 =	vld [tilespmem:s10+$0xF100];
	v34 =	vmul.f32 v5, v0;
	v8 =	vmul.f32 v27, v15  }
0x20c: {  	v28 =	vld [tilespmem:s10+$0xE880];
	vm12 =	vge.f32 v20, $0.0e+00;
	v11 =	vmul.f32 v4, v0;
	v14 =	vmul.f32 v29, v16;
	v32 =	vpop (erf)  }
0x20d: {  	v6 =	vld [tilespmem:s10+$0xF180];
	v16 =	vmul.f32 v24, v10;
	v3 =	vmul.f32 $1.442695020e+00, v3;
	v4 =	vadd.f32 v8, v30;
	v33 =	vpop (erf)  }
0x20e: {  	v13 =	vld [tilespmem:s10+$0xE180];
	v15 =	vmul.f32 v24, v17;
	v10 =	vadd.f32 $1.000000000e+00, v32;
	v35 =	vpop (erf);
	v24 =	vadd.f32 $1.000000000e+00, v33  }
0x20f: {  	v12 =	vld [tilespmem:s10+$0xE100];
	v61 =	vmul.f32 v27, v7;
	(erf) = vpow2.f32 v3;
	v17 =	vadd.f32 $1.000000000e+00, v35  }
0x210: {  	v5 =	vld [tilespmem:s10+$0xE980];
	v9 =	vmul.f32 v16, v9;
	v14 =	vadd.f32 v4, v14;
	(erf) = vrcp.f32 v10  }
0x211: {  	v19 =	vsub.f32 v19, v26;
	v7 =	vld [tilespmem:s14+$0xE980];
	v34 =	vmul.f32 $1.442695020e+00, v34;
	(erf) = vrcp.f32 v17  }
0x212: {  	v3 =	vld [tilespmem:s14+$0xE800];
	v17 =	vadd.f32 v14, v9;
	v9 =	vmul.f32 $1.442695020e+00, v11;
	(erf) = vrcp.f32 v24;
	v24 =	vpop (erf)  }
0x213: {  	v19 =	vmul.f32 v19, v0;
	v4 =	vld [tilespmem:s14+$0xE000];
	v36 =	vadd.f32 $1.000000000e+00, v24;
	(erf) = vpow2.f32 v34  }
0x214: {  	v26 =	vsub.f32 $1.000000010e-10, v26;
	v10 =	vmul.f32 v15, v6;
	v6 =	vld [tilespmem:s14+$0xE080];
	(erf) = vpow2.f32 v9  }
0x215: {  	vm14 =	vge.f32 v21, $0.0e+00;
	v19 =	vmul.f32 $1.442695020e+00, v19;
	v14 =	vld [tilespmem:s14+$0xE880];
	(erf) = vrcp.f32 v36  }
0x216: {  	v26 =	vmul.f32 v26, v0;
	v23 =	vmul.f32 v27, v23;
	v11 =	vld [tilespmem:s14+$0xE100];
	v17 =	vadd.f32 v17, v10  }
0x217: {  	s26 =	simm.s32 $0x80;
	s11 =	simm.s32 $0x20;
	v31 =	vsub.f32 $1.000000000e+00, v31;
	vm13 =	vge.f32 v18, $0.0e+00;
	v10 =	vld [tilespmem:s14+$0xE180];
	(erf) = vpow2.f32 v19  }
0x218: {  	s0 =	sand.u32 $0x600, s26;
	s17 =	sand.u32 $0x70, s11;
	v20 =	vsel vm12, $0x3F800000, v32;
	v9 =	vld [tilespmem:s14+$0xE900];
	[tilespmem:s10+$0x10100] =	vst v17;
	v17 =	vmul.f32 $1.442695020e+00, v26;
	v19 =	vmul.f32 v29, v25;
	v25 =	vpop (erf)  }
0x219: {  	s17 =	sor.u32 s17, s0;
	v28 =	vmul.f32 v29, v28;
	v8 =	vld [tilespmem:s10+$0xE900];
	v27 =	vadd.f32 v61, v30;
	v21 =	vsel vm13, $0x3F800000, v35;
	[tilespmem:s10+$0x10180] =	vst v31;
	v18 =	vpop (erf)  }
0x21a: {  	v26 =	vadd.f32 v23, v30;
	v29 =	vld [tilespmem:s17+$0xC800];
	(erf) = vpow2.f32 v17;
	v18 =	vmul.f32 v18, v20;
	v23 =	vpop (erf)  }
0x21b: {  	v30 =	vld [tilespmem:s17+$0xC880];
	v17 =	vsel vm14, $0x3F800000, v33;
	v62 =	vmul.f32 v23, v21;
	v20 =	vpop (erf)  }
0x21c: {  	vm15 =	vge.f32 v22, $0.0e+00;
	v31 =	vld [tilespmem:s17+$0xC900];
	v21 =	vadd.f32 v27, v19;
	v23 =	vmul.f32 v20, v17;
	v63 =	vpop (erf)  }
0x21d: {  	v32 =	vld [tilespmem:s17+$0xD800];
	v17 =	vadd.f32 v26, v28;
	v20 =	vmul.f32 v25, v18;
	v19 =	vmul.f32 v63, v62;
	v22 =	vpop (erf)  }
0x21e: {  	v24 =	vsel vm15, $0x3F800000, v24;
	v27 =	vld [tilespmem:s17+$0xC980];
	v25 =	vsub.f32 $1.000000000e+00, v18;
	v26 =	vsub.f32 $1.000000000e+00, v62;
	v18 =	vpop (erf)  }
0x21f: {  	s19 =	simm.s32 $0xC0;
	v28 =	vld [tilespmem:s17+$0xD980];
	v24 =	vmul.f32 v18, v24;
	v18 =	vmul.f32 v22, v23;
	v33 =	vadd.f32 v19, v20  }
.LBB2_9:
0x220: {  	p0 =	sne.s32 s19, $0x7C0;
	v22 =	vld [tilespmem:s17+$0xD900];
	v25 =	vmul.f32 v26, v25;
	v23 =	vsub.f32 $1.000000000e+00, v23;
	v26 =	vpop (erf);
	v34 =	vmul.f32 v16, v12  }
0x221: {  	v16 =	vmul.f32 v16, v8;
	v12 =	vmovc v11;
	v35 =	vld [tilespmem:s17+$0xD880];
	v36 =	vmul.f32 v26, v24;
	v39 =	vadd.f32 v33, v18  }
0x222: {  	v11 =	vsub.f32 $1.000000000e+02, v29;
	v8 =	vmovc v9;
	v38 =	vsub.f32 $1.000000000e+00, v24;
	v26 =	vld [tilespmem:s17+$0xE000];
	v37 =	vmul.f32 v23, v25  }
0x223: {  	v30 =	vsub.f32 $1.000000000e+02, v30;
	v24 =	vld [tilespmem:s17+$0xE800];
	v9 =	vadd.f32 v39, v36;
	v33 =	vpop (erf);
	v39 =	vmul.f32 v15, v13  }
0x224: {  	v31 =	vsub.f32 $1.000000000e+02, v31;
	v13 =	vmovc v10;
	v23 =	vmul.f32 v32, v0;
	v32 =	vsub.f32 $1.000000000e+02, v27;
	v25 =	vld [tilespmem:s17+$0xE080]  }
0x225: {  	v28 =	vmul.f32 v28, v0;
	v10 =	vmul.f32 v22, v0;
	v22 =	vld [tilespmem:s17+$0xE880];
	v29 =	vadd.f32 v9, v33  }
0x226: {  	v40 =	vmul.f32 v11, v1;
	v23 =	vxor.u32 $0x80000000, v23;
	v35 =	vmul.f32 v35, v0;
	v11 =	vld [tilespmem:s17+$0xE100]  }
0x227: {  	v41 =	vand.u32 $0x7FFFFFFF, v23;
	v27 =	vxor.u32 $0x80000000, v10;
	v9 =	vld [tilespmem:s17+$0xE900];
	(erf) = vrcp.f32 v29  }
0x228: {  	v41 =	vsub.f32 $0.0e+00, v41;
	v29 =	vxor.u32 $0x80000000, v35;
	v35 =	vand.u32 $0x7FFFFFFF, v27;
	v10 =	vld [tilespmem:s17+$0xE180]  }
0x229: {  	v30 =	vmul.f32 v30, v1;
	v42 =	vand.u32 $0x7FFFFFFF, v29;
	v35 =	vsub.f32 $0.0e+00, v35;
	v43 =	vld [tilespmem:s17+$0xE980]  }
0x22a: {  	v31 =	vmul.f32 v31, v1;
	v41 =	vmul.f32 $1.442695020e+00, v41;
	v42 =	vsub.f32 $0.0e+00, v42  }
0x22b: {  	v21 =	vadd.f32 v21, v34;
	v32 =	vmul.f32 v32, v1;
	v35 =	vmul.f32 $1.442695020e+00, v35  }
0x22c: {  	v28 =	vxor.u32 $0x80000000, v28;
	v34 =	vmul.f32 $1.442695020e+00, v42;
	(erf) = vpow2.f32 v41  }
0x22d: {  	v41 =	vand.u32 $0x7FFFFFFF, v28;
	v42 =	vmax.f32 v40, v30;
	(erf) = vpow2.f32 v35  }
0x22e: {  	v44 =	vmax.f32 v31, v32;
	v35 =	vsub.f32 $0.0e+00, v41;
	(erf) = vpow2.f32 v34;
	v34 =	vld [tilespmem:s14+$0xF000]  }
0x22f: {  	v16 =	vadd.f32 v17, v16;
	v15 =	vmul.f32 v15, v5;
	v5 =	vmovc v7;
	v42 =	vmax.f32 v42, v44  }
0x230: {  	v37 =	vmul.f32 v38, v37;
	v17 =	vmul.f32 $1.442695020e+00, v35;
	v35 =	vmax.f32 v42, $1.000000010e-10;
	v38 =	vld [tilespmem:s14+$0xF080];
	v41 =	vpop (erf)  }
0x231: {  	v21 =	vadd.f32 v21, v39;
	v7 =	vmovc v43;
	v31 =	vsub.f32 v31, v35;
	v20 =	vmul.f32 v41, v20  }
0x232: {  	v39 =	vsub.f32 v40, v35;
	(erf) = vpow2.f32 v17;
	v17 =	vmul.f32 v41, v19;
	v19 =	vld [tilespmem:s14+$0xF100]  }
0x233: {  	v15 =	vadd.f32 v16, v15;
	v33 =	vmul.f32 v41, v33;
	v34 =	vmul.f32 v20, v34;
	[tilespmem:s10+$0x10000] =	vst v21  }
0x234: {  	v30 =	vsub.f32 v30, v35;
	v31 =	vmul.f32 v31, v0;
	v21 =	vmul.f32 v39, v0;
	v39 =	vld [tilespmem:s14+$0xF180]  }
0x235: {  	v16 =	vmul.f32 v41, v18;
	v40 =	vpop (erf);
	v18 =	vadd.f32 v34, v33;
	v34 =	vmul.f32 v17, v38;
	[tilespmem:s10+$0x10080] =	vst v15;
	s10 =	smov.u32 s14;
	s14 =	smov.u32 s17  }
0x236: {  	v30 =	vmul.f32 v30, v0;
	v21 =	vmul.f32 $1.442695020e+00, v21;
	v38 =	vadd.f32 $1.000000000e+00, v40;
	v42 =	vpop (erf)  }
0x237: {  	v15 =	vmul.f32 v41, v36;
	v43 =	vpop (erf);
	v18 =	vadd.f32 v18, v34;
	v19 =	vmul.f32 v16, v19  }
0x238: {  	v36 =	vadd.f32 $1.000000000e+00, v42;
	v34 =	vadd.f32 $1.000000000e+00, v43;
	(erf) = vpow2.f32 v21  }
0x239: {  	(erf) = vrcp.f32 v38;
	v18 =	vadd.f32 v18, v19;
	v19 =	vmul.f32 v15, v39  }
0x23a: {  	v21 =	vmul.f32 $1.442695020e+00, v30;
	v30 =	vsub.f32 v32, v35;
	(erf) = vrcp.f32 v34  }
0x23b: {  	v31 =	vmul.f32 $1.442695020e+00, v31;
	(erf) = vrcp.f32 v36;
	v32 =	vpop (erf);
	v18 =	vadd.f32 v18, v19  }
0x23c: {  	v30 =	vmul.f32 v30, v0;
	v19 =	vadd.f32 $1.000000000e+00, v32;
	(erf) = vpow2.f32 v21  }
0x23d: {  	v21 =	vsub.f32 $1.000000010e-10, v35;
	(erf) = vpow2.f32 v31;
	v31 =	vmul.f32 v20, v4;
	[tilespmem:s10+$0x10100] =	vst v18;
	v4 =	vmovc v26  }
0x23e: {  	v18 =	vmul.f32 $1.442695020e+00, v30;
	(erf) = vrcp.f32 v19;
	v19 =	vsub.f32 $1.000000000e+00, v37  }
0x23f: {  	v20 =	vmul.f32 v20, v3;
	v3 =	vmovc v24;
	v21 =	vmul.f32 v21, v0;
	v26 =	vadd.f32 v31, v33  }
0x240: {  	s11 =	sadd.s32 $0x10, s11;
	(erf) = vpow2.f32 v18;
	v18 =	vmul.f32 v17, v6;
	[tilespmem:s10+$0x10180] =	vst v19;
	v6 =	vmov v25  }
0x241: {  	s0 =	sand.u32 $0x600, s19;
	v14 =	vmul.f32 v17, v14;
	s17 =	sand.u32 $0x70, s11;
	v20 =	vadd.f32 v20, v33;
	v31 =	vmul.f32 $1.442695020e+00, v21;
	v24 =	vpop (erf)  }
0x242: {  	vm0 =	vge.f32 v23, $0.0e+00;
	vm2 =	vge.f32 v27, $0.0e+00;
	vm1 =	vge.f32 v29, $0.0e+00;
	s17 =	sor.u32 s17, s0;
	v17 =	vpop (erf)  }
0x243: {  	v23 =	vsel vm1, $0x3F800000, v43;
	v21 =	vsel vm0, $0x3F800000, v40;
	v29 =	vld [tilespmem:s17+$0xC800];
	v25 =	vpop (erf);
	(erf) = vpow2.f32 v31  }
.Ltmp3:
0x244: {  	v33 =	vmul.f32 v17, v21;
	v17 =	vsel vm2, $0x3F800000, v42;
	v30 =	vld [tilespmem:s17+$0xC880];
	v34 =	vmul.f32 v25, v23;
	v19 =	vpop (erf);
	(pc) =	sbr.rel @p0 .LBB2_9-.Ltmp3, $4  }
0x245: {  	v21 =	vadd.f32 v26, v18;
	v31 =	vld [tilespmem:s17+$0xC900];
	v23 =	vmul.f32 v19, v17;
	v19 =	vpop (erf);
	v17 =	vadd.f32 v20, v14  }
0x246: {  	vm0 =	vge.f32 v28, $0.0e+00;
	v20 =	vmul.f32 v24, v33;
	v27 =	vld [tilespmem:s17+$0xC980];
	v19 =	vmul.f32 v19, v34;
	v14 =	vpop (erf)  }
0x247: {  	v18 =	vsel vm0, $0x3F800000, v32;
	v25 =	vsub.f32 $1.000000000e+00, v33;
	v26 =	vsub.f32 $1.000000000e+00, v34;
	v28 =	vld [tilespmem:s17+$0xD980];
	v24 =	vpop (erf)  }
0x248: {  	s19 =	sadd.s32 $0x40, s19;
	v32 =	vld [tilespmem:s17+$0xD800];
	v24 =	vmul.f32 v24, v18;
	v18 =	vmul.f32 v14, v23;
	v33 =	vadd.f32 v19, v20;
	v14 =	vmovc v22  }
0x249: {  	v34 =	vld [tilespmem:s17+$0xD900]  }
0x24a: {  	v35 =	vld [tilespmem:s17+$0xD880]  }
0x24b: {  	v22 =	vpop (erf)  }
0x24c: {  	v29 =	vsub.f32 $1.000000000e+02, v29;
	v22 =	vmul.f32 v22, v24;
	v33 =	vadd.f32 v33, v18  }
0x24d: {  	v30 =	vsub.f32 $1.000000000e+02, v30;
	v31 =	vsub.f32 $1.000000000e+02, v31;
	v32 =	vmul.f32 v32, v0  }
0x24e: {  	v29 =	vmul.f32 v29, v1;
	v33 =	vadd.f32 v33, v22;
	v34 =	vmul.f32 v34, v0  }
0x24f: {  	v30 =	vmul.f32 v30, v1;
	v36 =	vpop (erf);
	v35 =	vmul.f32 v35, v0;
	v32 =	vxor.u32 $0x80000000, v32  }
0x250: {  	v33 =	vadd.f32 v33, v36;
	v37 =	vand.u32 $0x7FFFFFFF, v32;
	v34 =	vxor.u32 $0x80000000, v34  }
0x251: {  	v35 =	vxor.u32 $0x80000000, v35;
	v37 =	vsub.f32 $0.0e+00, v37;
	v38 =	vand.u32 $0x7FFFFFFF, v34  }
0x252: {  	v28 =	vmul.f32 v28, v0;
	v44 =	vand.u32 $0x7FFFFFFF, v35;
	v38 =	vsub.f32 $0.0e+00, v38  }
0x253: {  	(erf) = vrcp.f32 v33;
	v33 =	vsub.f32 $0.0e+00, v44;
	v37 =	vmul.f32 $1.442695020e+00, v37  }
0x254: {  	v27 =	vsub.f32 $1.000000000e+02, v27;
	v31 =	vmul.f32 v31, v1;
	v38 =	vmul.f32 $1.442695020e+00, v38  }
0x255: {  	v28 =	vxor.u32 $0x80000000, v28;
	v33 =	vmul.f32 $1.442695020e+00, v33;
	(erf) = vpow2.f32 v37  }
0x256: {  	v27 =	vmul.f32 v27, v1;
	v45 =	vand.u32 $0x7FFFFFFF, v28;
	(erf) = vpow2.f32 v38  }
0x257: {  	v37 =	vsub.f32 $0.0e+00, v45;
	(erf) = vpow2.f32 v33  }
0x258: {  	v46 =	vmax.f32 v29, v30;
	v47 =	vmax.f32 v31, v27  }
0x259: {  	v33 =	vmax.f32 v46, v47;
	v37 =	vmul.f32 $1.442695020e+00, v37  }
0x25a: {  	v33 =	vmax.f32 v33, $1.000000010e-10  }
0x25b: {  	v29 =	vsub.f32 v29, v33;
	(erf) = vpow2.f32 v37;
	_ =	sdelay $0x1  }
0x25c: {  	v37 =	vpop (erf);
	v29 =	vmul.f32 v29, v0  }
0x25d: {  	v48 =	vpop (erf)  }
0x25e: {  	v30 =	vsub.f32 v30, v33;
	v29 =	vmul.f32 $1.442695020e+00, v29;
	v39 =	vpop (erf)  }
0x25f: {  	v31 =	vsub.f32 v31, v33;
	v40 =	vadd.f32 $1.000000000e+00, v48;
	v41 =	vpop (erf)  }
0x260: {  	v30 =	vmul.f32 v30, v0;
	(erf) = vpow2.f32 v29;
	v42 =	vadd.f32 $1.000000000e+00, v41  }
0x261: {  	v49 =	vmul.f32 v31, v0;
	v50 =	vadd.f32 $1.000000000e+00, v39;
	(erf) = vrcp.f32 v40  }
0x262: {  	v27 =	vsub.f32 v27, v33;
	v30 =	vmul.f32 $1.442695020e+00, v30;
	(erf) = vrcp.f32 v42  }
0x263: {  	v29 =	vmul.f32 $1.442695020e+00, v49;
	v51 =	vpop (erf);
	(erf) = vrcp.f32 v50  }
0x264: {  	v27 =	vmul.f32 v27, v0;
	v52 =	vadd.f32 $1.000000000e+00, v51;
	(erf) = vpow2.f32 v30  }
0x265: {  	(erf) = vpow2.f32 v29  }
0x266: {  	v53 =	vsub.f32 $1.000000010e-10, v33;
	v27 =	vmul.f32 $1.442695020e+00, v27;
	(erf) = vrcp.f32 v52;
	_ =	sdelay $0x1  }
0x267: {  	v54 =	vmul.f32 v53, v0;
	(erf) = vpow2.f32 v27  }
0x268: {  	v12 =	vmul.f32 v16, v12;
	vm0 =	vge.f32 v32, $0.0e+00;
	v55 =	vpop (erf)  }
0x269: {  	v63 =	vld [tilespmem:s14+$0xF000];
	vm1 =	vge.f32 v35, $0.0e+00;
	v57 =	vsel vm0, $0x3F800000, v48;
	v29 =	vmul.f32 $1.442695020e+00, v54;
	v56 =	vpop (erf)  }
0x26a: {  	v43 =	vld [tilespmem:s17+$0xE180];
	v25 =	vmul.f32 v26, v25;
	v58 =	vsel vm1, $0x3F800000, v41;
	v32 =	vmul.f32 v56, v57;
	v59 =	vpop (erf)  }
0x26b: {  	v26 =	vld [tilespmem:s17+$0xE980];
	vm2 =	vge.f32 v34, $0.0e+00;
	(erf) = vpow2.f32 v29;
	v35 =	vmul.f32 v59, v58;
	v61 =	vpop (erf)  }
0x26c: {  	vm15 =	vge.f32 v28, $0.0e+00;
	v34 =	vld [tilespmem:s17+$0xE880];
	v60 =	vsel vm2, $0x3F800000, v39;
	v28 =	vmul.f32 v55, v32;
	v62 =	vpop (erf)  }
0x26d: {  	v44 =	vld [tilespmem:s14+$0xF080];
	v38 =	vmul.f32 v61, v60;
	v33 =	vmul.f32 v62, v35;
	v48 =	vpop (erf)  }
0x26e: {  	v13 =	vmul.f32 v15, v13;
	v12 =	vadd.f32 v21, v12;
	v45 =	vld [tilespmem:s14+$0xF100];
	v49 =	vsel vm15, $0x3F800000, v51;
	v50 =	vpop (erf)  }
0x26f: {  	v40 =	vld [tilespmem:s17+$0xE080];
	v31 =	vmul.f32 v48, v38;
	v21 =	vmul.f32 v50, v49;
	v51 =	vadd.f32 v33, v28  }
0x270: {  	v8 =	vmul.f32 v16, v8;
	v12 =	vadd.f32 v12, v13;
	v41 =	vld [tilespmem:s17+$0xE900];
	v52 =	vpop (erf)  }
0x271: {  	v20 =	vmul.f32 v37, v20;
	v30 =	vld [tilespmem:s17+$0xE000];
	v13 =	vmul.f32 v52, v21;
	v39 =	vadd.f32 v51, v31  }
0x272: {  	v5 =	vmul.f32 v15, v5;
	v8 =	vadd.f32 v17, v8;
	v19 =	vmul.f32 v37, v19;
	v27 =	vld [tilespmem:s17+$0xE800]  }
0x273: {  	v36 =	vmul.f32 v37, v36;
	v42 =	vmul.f32 v20, v63;
	v29 =	vld [tilespmem:s17+$0xE100];
	[tilespmem:s10+$0x10000] =	vst v12;
	v55 =	vadd.f32 v39, v13  }
0x274: {  	v53 =	vsub.f32 $1.000000000e+00, v23;
	v22 =	vmul.f32 v37, v22;
	v54 =	vld [tilespmem:s14+$0xF180];
	v56 =	vmul.f32 v37, v18;
	v59 =	vpop (erf)  }
0x275: {  	v57 =	vadd.f32 v42, v36;
	v58 =	vmul.f32 v19, v44;
	v23 =	vadd.f32 v55, v59  }
0x276: {  	v4 =	vmul.f32 v20, v4;
	v12 =	vmul.f32 v53, v25;
	v60 =	vsub.f32 $1.000000000e+00, v24  }
0x277: {  	v61 =	vadd.f32 v57, v58;
	v62 =	vmul.f32 v56, v45;
	(erf) = vrcp.f32 v23  }
0x278: {  	v5 =	vadd.f32 v8, v5;
	v12 =	vmul.f32 v60, v12  }
0x279: {  	v4 =	vadd.f32 v4, v36;
	v16 =	vmul.f32 v22, v54;
	v63 =	vadd.f32 v61, v62  }
0x27a: {  	v6 =	vmul.f32 v19, v6;
	v37 =	vsub.f32 $1.000000000e+00, v32;
	v24 =	vsub.f32 $1.000000000e+00, v12  }
0x27b: {  	[tilespmem:s10+$0x10080] =	vst v5;
	v39 =	vsub.f32 $1.000000000e+00, v35;
	v23 =	vadd.f32 v63, v16  }
0x27c: {  	v3 =	vmul.f32 v20, v3;
	v4 =	vadd.f32 v4, v6;
	v25 =	vmul.f32 v56, v11;
	[tilespmem:s14+$0x10180] =	vst v24  }
0x27d: {  	v10 =	vmul.f32 v22, v10;
	v47 =	vsub.f32 $1.000000000e+00, v38;
	v8 =	vmul.f32 v39, v37;
	[tilespmem:s14+$0x10100] =	vst v23  }
0x27e: {  	v3 =	vadd.f32 v3, v36;
	v42 =	vmul.f32 v19, v14;
	v4 =	vadd.f32 v4, v25;
	v36 =	vld [tilespmem:s17+$0xF000]  }
0x27f: {  	v7 =	vmul.f32 v22, v7;
	v52 =	vsub.f32 $1.000000000e+00, v21;
	v8 =	vmul.f32 v47, v8  }
0x280: {  	v9 =	vmul.f32 v56, v9;
	v3 =	vadd.f32 v3, v42;
	v4 =	vadd.f32 v4, v10;
	v45 =	vld [tilespmem:s17+$0xF080];
	v46 =	vpop (erf)  }
0x281: {  	v8 =	vmul.f32 v52, v8;
	v50 =	vld [tilespmem:s17+$0xF100];
	v48 =	vmul.f32 v46, v28  }
0x282: {  	v3 =	vadd.f32 v3, v9;
	[tilespmem:s14+$0x10000] =	vst v4;
	v49 =	vmul.f32 v46, v33;
	v51 =	vmul.f32 v46, v59  }
0x283: {  	v4 =	vld [tilespmem:s17+$0xF180];
	v53 =	vmul.f32 v46, v31;
	v6 =	vmul.f32 v48, v36  }
0x284: {  	v3 =	vadd.f32 v3, v7;
	v13 =	vmul.f32 v46, v13;
	v54 =	vmul.f32 v48, v30  }
0x285: {  	v5 =	vmul.f32 v49, v45;
	v56 =	vmul.f32 v48, v27;
	v6 =	vadd.f32 v6, v51  }
0x286: {  	v55 =	vmul.f32 v53, v50;
	v57 =	vmul.f32 v49, v40;
	v9 =	vadd.f32 v54, v51  }
0x287: {  	v10 =	vmul.f32 v49, v34;
	v58 =	vadd.f32 v56, v51;
	v5 =	vadd.f32 v6, v5  }
0x288: {  	v4 =	vmul.f32 v13, v4;
	v59 =	vmul.f32 v53, v29;
	v9 =	vadd.f32 v9, v57  }
0x289: {  	v60 =	vmul.f32 v53, v41;
	v6 =	vadd.f32 v58, v10;
	v5 =	vadd.f32 v5, v55  }
0x28a: {  	s12 =	sadd.s32 $0x1, s12;
	[tilespmem:s14+$0x10080] =	vst v3;
	v3 =	vsub.f32 $1.000000000e+00, v8;
	v61 =	vmul.f32 v13, v43;
	v9 =	vadd.f32 v9, v59  }
0x28b: {  	p0 =	sne.s32 s12, $0x20;
	v62 =	vmul.f32 v13, v26;
	v6 =	vadd.f32 v6, v60;
	v4 =	vadd.f32 v5, v4  }
.Ltmp4:
0x28c: {  	[tilespmem:s17+$0x10180] =	vst v3;
	v63 =	vadd.f32 v9, v61;
	(pc) =	sbr.rel @p0 .LBB2_2-.Ltmp4, $4  }
0x28d: {  	v3 =	vadd.f32 v6, v62;
	[tilespmem:s17+$0x10100] =	vst v4  }
0x28e: {  	[tilespmem:s17+$0x10000] =	vst v63  }
0x28f: {  	s0 =	sadd.s32 s6, s13;
	s26 =	simm.s32 $0x10000;
	[tilespmem:s17+$0x10080] =	vst v3  }
0x290: {  	[hbm4b:s0+s7] =	stream.linear.scatter [tilespmem:s26], [sflag:$0x8], $0x800, $0x38;
	[tilespmem:$0x10800] =	vst v63  }
0x291: {  	s0 =	simm.s32 $0x7  }
0x292: {  	_ =	swait.ge [sflag:s0], $0x800  }
0x293: {  	[sflag:s0] =	ssyncset.done $0x0  }
0x294: {  	s10 =	simm.s32 $0x8;
	[sflag:s0] =	ssyncadd.s32 $0xFFFFF800  }
0x295: {  	_ =	swait.ge [sflag:s10], $0x800  }
0x296: {  	s11 =	rddreg [dreg:$0xd]  }
0x297: {  	s26 =	rddreg [dreg:$0xc];
	s11 =	sadd.s32 $0x1, s11  }
0x298: {  	p0 =	sne.s32 s11, s26  }
.Ltmp5:
0x299: {  	_ = 	snop;
	(pc) =	sbr.rel @p0 .LBB2_1-.Ltmp5, $3  }
0x29a: {  	_ =	sdelay $0x1  }
0x29b: {  	[sflag:s10] =	ssyncset.done $0x0  }
0x29c: {  	[sflag:s10] =	ssyncadd.s32 $0xFFFFF800  }
0x29d: {  	_ =	sfence.sel $0x180000  }
0x29e: {  	[bflag:$0x0] =	sbarrier.arrive $0xFFFF  }
0x29f: {  	_ =	strace $0x9000004D  }
0x2a0: {  	s0 =	stileid.u32;
	[bflag:$0x2] =	sbarrier.arrive $0xFFFF  }
0x2a1: {  	p0 =	sne.s32 s0, $0x0;
	s0 =	rddreg [dreg:$0x6]  }
0x2a2: {  	s0 =	sadd.s32 @!p0 $0x100000, s0  }
0x2a3: {  	[sflag:s0] =	ssyncadd.tile.s32 @!p0 $0x1;
	_ =	shalt  }
.Lfunc_end2:
_tile_overlayer_lowered:
.L_overlay_start_2:
0x2a4: {  	(tag) =	ssettag $0x2  }
0x2a5: {  	s0 =	rddreg [dreg:$0x0];
	s2 =	stileid.u32  }
0x2a6: {  	s1 =	rddreg [dreg:$0x1];
	p0 =	sne.s32 s2, $0x0  }
0x2a7: {  	s3 =	rddreg [dreg:$0x2];
	[bflag:$0x3] =	sbarrier.arrive $0xFFFF;
	s2 =	simm.s32 @!p0 $0x1C09  }
0x2a8: {  	[timem:s3], [sflag:s2] =	dma.local @!p0 [hbm:s0], s1  }
0x2a9: {  	s0 =	simm.s32 @!p0 $0x9  }
0x2aa: {  	_ =	swait.ge @!p0 [sflag:s0], s1  }
0x2ab: {  	s1 =	ssub.s32 @!p0 $0x0, s1;
	[sflag:s0] =	ssyncset.done @!p0 $0x0  }
0x2ac: {  	[sflag:s0] =	ssyncadd.s32 @!p0 s1  }
0x2ad: {  	[bflag:$0x3] =	sbarrier.arrive $0xFFFF  }
0x2ae: {  	_ =	shalt  }

// kernel: kernel.5.cloned.1.call-start
scs
__scs_entry_jumppad:
0x0: {  	(pc) =	sbr.rel $0x88, $3  }
0x1: {  	(tag) =	ssettag $0x0;
	lr =	simm.s32 $0x1  }
0x2: {  	[smem:$0x3F9B] =	sst lr;
	_ =	strace $0xD0000000  }
0x3: {  	_ = 	snop  }
0x4: {  	_ = 	snop  }
0x5: {  	_ = 	snop  }
0x6: {  	_ = 	snop  }
0x7: {  	_ = 	snop  }
__scs_overlays_trampoline_lowered:
0x8: {  	[smem:$0x3FAA] =	sst s0  }
0x9: {  	[smem:$0x3FAB] =	sst s1  }
0xa: {  	[smem:$0x3FAC] =	sst s2  }
0xb: {  	[smem:$0x3FAD] =	sst s3  }
0xc: {  	[smem:$0x3FAE] =	sst s4  }
0xd: {  	[smem:$0x3FAF] =	sst s5  }
0xe: {  	[smem:$0x3FB0] =	sst s6  }
0xf: {  	[smem:$0x3FB1] =	sst s7  }
0x10: {  	[smem:$0x3FB2] =	sst s8  }
0x11: {  	[smem:$0x3FB3] =	sst s9;
	s0 =	simm.s32 @!p0 $0x0  }
0x12: {  	s1 =	sld [smem:$0x3F99];
	s0 =	simm.s32 @p0 $0x1  }
0x13: {  	[smem:$0x3FB4] =	sst s0;
	s0 =	simm.s32 @!p1 $0x0  }
0x14: {  	s2 =	sld [smem:$0x3F98];
	s0 =	simm.s32 @p1 $0x1  }
0x15: {  	[smem:$0x3FB5] =	sst s0;
	s0 =	simm.s32 @!p2 $0x0  }
0x16: {  	s3 =	sld [smem:$0x3FDB];
	s0 =	simm.s32 @p2 $0x1  }
0x17: {  	s4 =	simm.s32 $0x1BF5;
	[smem:$0x3FB7] =	sst s0  }
0x18: {  	s0 =	sld [smem:$0x3F9A];
	_ =	swait.ge [sflag:s4], $0x0  }
0x19: {  	s7 =	sld [smem:$0x3F9B]  }
0x1a: {  	s8 =	sadd.s32 $0xFFFFE003, lr  }
0x1b: {  	s9 =	sadd.s32 $0xFFFFFEF7, lr;
	s5 =	simm.s32 $0xFFFFFFFF;
	p2 =	slt.u32 s8, $0xFFFFF086  }
0x1c: {  	p1 =	slt.u32 s9, $0xF7A;
	s5 =	simm.s32 @!p2 $0x0  }
0x1d: {  	s5 =	simm.s32 @p1 $0x1;
	p0 =	seq.s32 s7, s2  }
0x1e: {  	s7 =	smul.u32 @!p0 $0xF7A, s2;
	p2 =	seq.s32 @!p0 s5, $0x0  }
0x1f: {  	s9 =	smul.u32 $0xF7A, s1;
	s8 =	simm.s32 @!p0 $0x1BF5;
	p2 =	por !p2, p0  }
0x20: {  	[sflag:s8] =	ssyncset.s32 @!p0 $0xFFFFF086;
	s6 =	sadd.s32 @!p0 s3, s7;
	s7 =	simm.s32 @!p0 $0x108  }
0x21: {  	s3 =	sadd.s32 s3, s9;
	s6 =	sadd.s32 @!p0 $0x88, s6;
	s7 =	simm.s32 @p2 $0x1082  }
0x22: {  	[simem:s7], [sflag:s8] =	dma.local @!p0 [hbm:s6], $0xF7A  }
0x23: {  	s9 =	sor.u32 $0xD0000000, s2;
	s6 =	simm.s32 $0x108;
	_ =	swait.ge @!p0 [sflag:s8], $0x0  }
0x24: {  	s3 =	sadd.s32 $0x88, s3;
	s6 =	simm.s32 @!p1 $0x1082;
	[sflag:s4] =	ssyncset.s32 $0xFFFFF086  }
0x25: {  	[simem:s6], [sflag:s4] =	dma.local [hbm:s3], $0xF7A  }
0x26: {  	[smem:$0x3F9B] =	sst s1;
	(tag) =	ssettag s2;
	_ =	strace s9  }
0x27: {  	s1 =	sld [smem:$0x3FAB]  }
0x28: {  	s2 =	sld [smem:$0x3FAC]  }
0x29: {  	s4 =	sld [smem:$0x3FAE]  }
0x2a: {  	p0 =	seq.s32 s5, $0x0;
	s5 =	sld [smem:$0x3FAF]  }
0x2b: {  	s6 =	sld [smem:$0x3FB0]  }
0x2c: {  	s7 =	sld [smem:$0x3FB1]  }
0x2d: {  	s3 =	simm.s32 $0x108;
	s8 =	sld [smem:$0x3FB2]  }
0x2e: {  	s3 =	simm.s32 @!p0 $0x1082;
	s9 =	sld [smem:$0x3FB3]  }
0x2f: {  	lr =	sadd.s32 s0, s3;
	s0 =	sld [smem:$0x3FAA]  }
0x30: {  	s3 =	sld [smem:$0x3FAD]  }
0x31: {  	[smem:$0x3FB6] =	sst s10  }
0x32: {  	s10 =	sld [smem:$0x3FB4];
	_ =	sdelay $0x3  }
0x33: {  	p0 =	seq.s32 s10, $0x1;
	s10 =	sld [smem:$0x3FB6];
	_ =	sdelay $0x3  }
0x34: {  	[smem:$0x3FB6] =	sst s10  }
0x35: {  	s10 =	sld [smem:$0x3FB5];
	_ =	sdelay $0x3  }
0x36: {  	p1 =	seq.s32 s10, $0x1;
	s10 =	sld [smem:$0x3FB6];
	_ =	sdelay $0x3  }
0x37: {  	[smem:$0x3FB6] =	sst s10  }
0x38: {  	s10 =	sld [smem:$0x3FB7]  }
0x39: {  	_ = 	snop;
	(pc) =	sbr.ind lr, $3  }
0x3a: {  	_ = 	snop  }
0x3b: {  	_ = 	snop  }
0x3c: {  	p2 =	seq.s32 s10, $0x1;
	s10 =	sld [smem:$0x3FB6]  }
0x3d: {  	_ =	shalt  }
0x3e: {  	_ =	shalt  }
0x3f: {  	_ =	shalt  }
0x40: {  	_ =	shalt  }
0x41: {  	_ =	shalt  }
0x42: {  	_ =	shalt  }
0x43: {  	_ =	shalt  }
0x44: {  	_ =	shalt  }
0x45: {  	_ =	shalt  }
0x46: {  	_ =	shalt  }
0x47: {  	_ =	shalt  }
0x48: {  	_ =	shalt  }
0x49: {  	_ =	shalt  }
0x4a: {  	_ =	shalt  }
0x4b: {  	_ =	shalt  }
0x4c: {  	_ =	shalt  }
0x4d: {  	_ =	shalt  }
0x4e: {  	_ =	shalt  }
0x4f: {  	_ =	shalt  }
0x50: {  	_ =	shalt  }
0x51: {  	_ =	shalt  }
0x52: {  	_ =	shalt  }
0x53: {  	_ =	shalt  }
0x54: {  	_ =	shalt  }
0x55: {  	_ =	shalt  }
0x56: {  	_ =	shalt  }
0x57: {  	_ =	shalt  }
0x58: {  	_ =	shalt  }
0x59: {  	_ =	shalt  }
0x5a: {  	_ =	shalt  }
0x5b: {  	_ =	shalt  }
0x5c: {  	_ =	shalt  }
0x5d: {  	_ =	shalt  }
0x5e: {  	_ =	shalt  }
0x5f: {  	_ =	shalt  }
0x60: {  	_ =	shalt  }
0x61: {  	_ =	shalt  }
0x62: {  	_ =	shalt  }
0x63: {  	_ =	shalt  }
0x64: {  	_ =	shalt  }
0x65: {  	_ =	shalt  }
0x66: {  	_ =	shalt  }
0x67: {  	_ =	shalt  }
0x68: {  	_ =	shalt  }
0x69: {  	_ =	shalt  }
0x6a: {  	_ =	shalt  }
0x6b: {  	_ =	shalt  }
0x6c: {  	_ =	shalt  }
0x6d: {  	_ =	shalt  }
0x6e: {  	_ =	shalt  }
0x6f: {  	_ =	shalt  }
0x70: {  	_ =	shalt  }
0x71: {  	_ =	shalt  }
0x72: {  	_ =	shalt  }
0x73: {  	_ =	shalt  }
0x74: {  	_ =	shalt  }
0x75: {  	_ =	shalt  }
0x76: {  	_ =	shalt  }
0x77: {  	_ =	shalt  }
0x78: {  	_ =	shalt  }
0x79: {  	_ =	shalt  }
0x7a: {  	_ =	shalt  }
0x7b: {  	_ =	shalt  }
0x7c: {  	_ =	shalt  }
0x7d: {  	_ =	shalt  }
0x7e: {  	_ =	shalt  }
0x7f: {  	_ =	shalt  }
0x80: {  	_ =	shalt  }
0x81: {  	_ =	shalt  }
0x82: {  	_ =	shalt  }
0x83: {  	_ =	shalt  }
0x84: {  	_ =	shalt  }
0x85: {  	_ =	shalt  }
0x86: {  	_ =	shalt  }
0x87: {  	_ =	shalt  }
.Lfunc_end0:
.L_simem_size_0:
called_computation_lowered:
.L_overlay_start_0:
0x88: {  	s2 =	sld [smem:$0x3FD9]  }
0x89: {  	s3 =	sld [smem:$0x3FFE];
	_ =	sdelay $0x1  }
0x8a: {  	s1 =	srdreg.scid  }
0x8b: {  	s0 =	sand.u32 $0x1, s1  }
0x8c: {  	s17 =	sshll.u32 s0, $0xA;
	s2 =	sadd.s32 s3, s2  }
0x8d: {  	s2 =	sadd.s32 s2, s17  }
0x8e: {  	[smem:$0x3FC2] =	sst s2  }
0x8f: {  	_ = 	snop  }
0x90: {  	s2 =	sld [smem:$0x3FD0];
	(tm) =	ssettm $0x1  }
0x91: {  	s18 =	sld [smem:$0x3FFB];
	_ =	sdelay $0x3  }
0x92: {  	_ =	strace s18  }
0x93: {  	s3 =	sld [smem:$0x3FFC];
	_ =	sdelay $0x3  }
0x94: {  	_ =	strace s3  }
0x95: {  	s3 =	sld [smem:$0x3FFD];
	_ =	sdelay $0x3  }
0x96: {  	_ =	strace s3  }
0x97: {  	_ =	strace $0x8FFFFFFF  }
0x98: {  	s19 =	sld [smem:$0x3FDB];
	_ =	sdelay $0x1  }
0x99: {  	s4 =	simm.s32 $_scs_section_size  }
0x9a: {  	s5 =	simm.s32 $_size__tile_overlayer_lowered;
	s6 =	simm.s32 $_tile_overlayer_lowered  }
0x9b: {  	s22 =	simm.s32 $0x1BFF;
	s21 =	sshll.u32 s6, $0x1;
	s3 =	sadd.s32 s4, s19  }
0x9c: {  	s7 =	simm.s32 $0x0;
	s20 =	sshll.u32 s5, $0x1;
	s5 =	sadd.s32 s21, s3  }
0x9d: {  	[timem:s7], [sflag:s22] =	dma.local [hbm:s5], s20  }
0x9e: {  	_ =	swait.ge [sflag:s22], s20  }
0x9f: {  	s4 =	ssub.s32 $0x0, s20;
	[sflag:s22] =	ssyncset.done $0x0  }
0xa0: {  	[sflag:s22] =	ssyncadd.s32 s4;
	_ =	sdelay $0x1  }
0xa1: {  	s23 =	simm.s32 $0x1B8B  }
0xa2: {  	_ =	swait.ge [sflag:s23], $0x1  }
0xa3: {  	[sflag:s23] =	ssyncset.done $0x0  }
0xa4: {  	s25 =	simm.s32 $0x1B8E;
	s24 =	sld [smem:$0x3FFE];
	[sflag:s23] =	ssyncadd.s32 $0xFFFFFFFF  }
0xa5: {  	s26 =	simm.s32 $execute0_lowered;
	[smem:$0x3FD2] =	sst s25  }
0xa6: {  	s5 =	sshll.u32 s26, $0x1;
	_ =	strace $0x80000046;
	[dreg:$0x1] =	wrdreg $0xFFFFFFFF  }
0xa7: {  	s28 =	simm.s32 $_size_execute0_lowered;
	s3 =	sadd.s32 s3, s5;
	[dreg:$0x0] =	wrdreg $0x0  }
0xa8: {  	s5 =	sshll.u32 s28, $0x1;
	[dreg:$0x2] =	wrdreg s3  }
0xa9: {  	[dreg:$0x3] =	wrdreg s5  }
0xaa: {  	[dreg:$0x4] =	wrdreg $0xC0  }
0xab: {  	_ =	task [dreg:s7], $0x5FFFF  }
0xac: {  	[dreg:$0x1] =	wrdreg $0xFFFFFFFF  }
0xad: {  	[dreg:$0x0] =	wrdreg $0x60  }
0xae: {  	[dreg:$0x2] =	wrdreg s24  }
0xaf: {  	[dreg:$0x3] =	wrdreg s2  }
0xb0: {  	[dreg:$0x4] =	wrdreg $0x9  }
0xb1: {  	_ =	task.clear_ibuf [dreg:s7], $0x5FFFF;
	_ =	strace $0x90000046  }
0xb2: {  	s29 =	simm.s32 $0x9;
	_ =	strace $0x80000048  }
0xb3: {  	_ =	swait.ge [sflag:s29], $0x1  }
0xb4: {  	[sflag:s29] =	ssyncadd.s32 $0xFFFFFFFF  }
0xb5: {  	_ =	strace $0x90000048  }
0xb6: {  	_ =	sfence  }
0xb7: {  	s30 =	sld [smem:$0x0];
	_ =	sdelay $0x2  }
0xb8: {  	s31 =	sshll.u32 s1, $0xD;
	s1 =	sshrl.u32 s1, $0x2  }
0xb9: {  	s3 =	sand.u32 $0x4000, s31;
	s1 =	sadd.s32 s1, s30  }
0xba: {  	s0 =	sor.u32 s3, s0;
	s1 =	sshll.u32 s1, $0x11  }
0xbb: {  	s0 =	sor.u32 s1, s0  }
0xbc: {  	s0 =	sadd.s32 $0x8F2B, s0  }
0xbd: {  	[sflag:s0] =	ssyncadd.remote.s32 $0x1  }
0xbe: {  	_ =	sfence.sel $0xFFFF  }
0xbf: {  	[dreg:$0x0] =	wrdreg $0xFFFFFFFF;
	(pc) =	sbr.abs _section_cstart, $3  }
0xc0: {  	[dreg:$0x1] =	wrdreg $0xFFFFFFFF  }
0xc1: {  	_ =	task.clear_ibuf [dreg:s7], $0x2FFFF;
	_ =	strace $0x9FFFFFFF  }
0xc2: {  	(tm) =	ssettm $0x7FFFFFFF  }
0xc3: {  	_ =	shalt  }
tec
execute0_lowered:
.L_overlay_start_1:
0x0: {  	(tag) =	ssettag $0x1  }
0x1: {  	s3 =	rddreg [dreg:$0x0]  }
0x2: {  	s4 =	rddreg [dreg:$0x1];
	s2 =	simm.s32 $0x0  }
0x3: {  	[smem:$0x7FF] =	sst s2  }
0x4: {  	s0 =	rddreg [dreg:$0x2];
	v0 =	vimm.f32 $2.000000000e+00;
	_ =	strace $0x80000047  }
0x5: {  	s5 =	srdreg.scid;
	s1 =	stileid.u32;
	(erf) = vrcp.f32 v0;
	v0 =	vimm.f32 $4.000000000e+00  }
0x6: {  	s5 =	sand.u32 $0x1, s5;
	s6 =	sshll.u32 s1, $0x1;
	(erf) = vrcp.f32 v0  }
0x7: {  	s6 =	sor.u32 s5, s6  }
0x8: {  	s6 =	smul.u32 $0xC40, s6;
	_ =	sdelay $0x1  }
0x9: {  	s6 =	smin.u32 s6, $0x17A60  }
0xa: {  	s5 =	ssub.s32 $0x2, s5;
	s7 =	smul.u32 $0x3, s6  }
0xb: {  	v2 =	vlaneseq.u32;
	s8 =	sshrl.u32 s5, $0x1;
	v0 =	vimm.s32 $0x52741630  }
0xc: {  	s5 =	ssub.s32 s5, s8;
	s8 =	simm.s32 $0x0;
	v4 =	vunpack.c.l.s4.s8 v0;
	v0 =	vmul.u32 $0x8, v2;
	s7 =	sshrl.u32 s7, $0x3  }
0xd: {  	s5 =	smax.u32 s5, $0x1;
	v2 =	vmul.u32 $0x3, v2;
	s4 =	sadd.s32 s4, s6;
	s3 =	sadd.s32 s7, s3;
	v1 =	vpop (erf)  }
0xe: {  	s6 =	simm.s32 $0x1;
	v4 =	vunpack.c.0.s8.s32 v4;
	v5 =	vor.u32 $0x1, v0;
	v6 =	vor.u32 $0x2, v0;
	s7 =	simm.s32 $0x24C0;
	s3 =	sadd.s32 $0x187800, s3;
	v3 =	vpop (erf)  }
.LBB2_1:
0xf: {  	s9 =	simm.s32 $0x0  }
0x10: {  	s30 =	simm.s32 $0x1;
	v7 =	vadd.s32 s9, v2  }
0x11: {  	[tilespmem:s2], [sflag:$0x1] =	stream.linear.gather [hbm4b:s3+s2], $0x24C0, $0x38;
	v8 =	vadd.s32 s30, v2;
	v7 =	vand.u32 $0x7FF8, v7;
	[tilespmem:$0x86C0] =	vst v63  }
0x12: {  	s10 =	simm.s32 $0x2;
	v7 =	vor.u32 v4, v7  }
0x13: {  	_ =	swait.ge [sflag:s6], $0x24C0;
	v9 =	vadd.s32 s10, v2  }
0x14: {  	[sflag:s6] =	ssyncset.done $0x0  }
0x15: {  	[sflag:s6] =	ssyncadd.s32 $0xFFFFDB40  }
0x16: {  	v8 =	vld.idx.msk [tilespmem:v8+s2+$0x0], $0xffff  }
0x17: {  	v7 =	vld.idx.msk [tilespmem:v7+s2+$0x0], $0xffff  }
0x18: {  	v9 =	vld.idx.msk [tilespmem:v9+s2+$0x0], $0xffff;
	_ =	sdelay $0x3  }
0x19: {  	v8 =	vadd.f32 $1.000000000e+00, v8;
	v7 =	vadd.f32 $1.000000000e+00, v7  }
0x1a: {  	v9 =	vadd.f32 $3.000000000e+00, v9  }
0x1b: {  	v8 =	vmul.f32 v8, v1;
	v14 =	vmul.f32 v7, v1  }
0x1c: {  	v7 =	vmul.f32 v9, v3  }
0x1d: {  	v10 =	vmul.f32 v8, v8;
	v9 =	vmul.f32 v14, v14;
	_ =	sdelay $0x1  }
0x1e: {  	v9 =	vadd.f32 v10, v9;
	v10 =	vmul.f32 v7, v7;
	_ =	sdelay $0x1  }
0x1f: {  	v9 =	vadd.f32 v10, v9;
	_ =	sdelay $0x1  }
0x20: {  	v10 =	vshra.s32 v9, $0x1;
	v9 =	vmul.f32 $5.000000000e-01, v9  }
0x21: {  	v10 =	vsub.s32 $0x5F3759DF, v10  }
0x22: {  	v11 =	vmul.f32 v10, v9;
	_ =	sdelay $0x1  }
0x23: {  	v11 =	vmul.f32 v10, v11;
	_ =	sdelay $0x1  }
0x24: {  	v11 =	vsub.f32 $1.500000000e+00, v11;
	_ =	sdelay $0x1  }
0x25: {  	v10 =	vmul.f32 v10, v11;
	_ =	sdelay $0x1  }
0x26: {  	v11 =	vmul.f32 v10, v9;
	_ =	sdelay $0x1  }
0x27: {  	v11 =	vmul.f32 v11, v10;
	_ =	sdelay $0x1  }
0x28: {  	v11 =	vsub.f32 $1.500000000e+00, v11;
	_ =	sdelay $0x1  }
0x29: {  	v10 =	vmul.f32 v11, v10;
	_ =	sdelay $0x1  }
0x2a: {  	v9 =	vmul.f32 v10, v9;
	_ =	sdelay $0x1  }
0x2b: {  	v9 =	vmul.f32 v9, v10;
	_ =	sdelay $0x1  }
0x2c: {  	v9 =	vsub.f32 $1.500000000e+00, v9  }
0x2d: {  	s31 =	simm.s32 $0x30;
	v11 =	vor.u32 s2, v0  }
0x2e: {  	v12 =	vadd.s32 s31, v2;
	v9 =	vmul.f32 v9, v10;
	v10 =	vor.u32 s2, v5  }
0x2f: {  	s12 =	simm.s32 $0x31;
	v13 =	vand.u32 $0x7FF8, v12;
	v12 =	vor.u32 s2, v6  }
0x30: {  	s11 =	simm.s32 $0x62;
	s10 =	simm.s32 $0x32;
	s9 =	simm.s32 $0x0;
	v13 =	vor.u32 v4, v13;
	v14 =	vmul.f32 v9, v14  }
.LBB2_2:
0x31: {  	p0 =	sne.s32 s11, $0x2492;
	v15 =	vadd.s32 s12, v2;
	v8 =	vmul.f32 v9, v8  }
0x32: {  	v16 =	vadd.s32 s10, v2;
	v7 =	vmul.f32 v9, v7;
	s10 =	smov.u32 s11;
	[tilespmem:v11+s7+$0x0] =	vst.idx.msk $0xffff, v14  }
0x33: {  	[tilespmem:v10+s7+$0x0] =	vst.idx.msk $0xffff, v8  }
0x34: {  	[tilespmem:v12+s7+$0x0] =	vst.idx.msk $0xffff, v7  }
0x35: {  	v7 =	vld.idx.msk [tilespmem:v13+s2+$0x0], $0xffff  }
0x36: {  	v8 =	vld.idx.msk [tilespmem:v15+s2+$0x0], $0xffff  }
0x37: {  	v9 =	vld.idx.msk [tilespmem:v16+s2+$0x0], $0xffff;
	_ =	sdelay $0x4  }
0x38: {  	v7 =	vadd.f32 $1.000000000e+00, v7;
	v8 =	vadd.f32 $1.000000000e+00, v8  }
0x39: {  	v9 =	vadd.f32 $3.000000000e+00, v9  }
0x3a: {  	v14 =	vmul.f32 v7, v1;
	v8 =	vmul.f32 v8, v1  }
0x3b: {  	v7 =	vmul.f32 v9, v3  }
0x3c: {  	v9 =	vmul.f32 v14, v14;
	v10 =	vmul.f32 v8, v8;
	_ =	sdelay $0x1  }
0x3d: {  	v9 =	vadd.f32 v10, v9;
	v10 =	vmul.f32 v7, v7;
	_ =	sdelay $0x1  }
0x3e: {  	v9 =	vadd.f32 v10, v9;
	_ =	sdelay $0x1  }
0x3f: {  	v10 =	vshra.s32 v9, $0x1;
	v9 =	vmul.f32 $5.000000000e-01, v9  }
0x40: {  	v10 =	vsub.s32 $0x5F3759DF, v10  }
0x41: {  	v11 =	vmul.f32 v10, v9;
	_ =	sdelay $0x1  }
0x42: {  	v11 =	vmul.f32 v10, v11;
	_ =	sdelay $0x1  }
0x43: {  	v11 =	vsub.f32 $1.500000000e+00, v11;
	_ =	sdelay $0x1  }
0x44: {  	v10 =	vmul.f32 v10, v11;
	_ =	sdelay $0x1  }
0x45: {  	v11 =	vmul.f32 v10, v9;
	_ =	sdelay $0x1  }
0x46: {  	v11 =	vmul.f32 v11, v10;
	_ =	sdelay $0x1  }
0x47: {  	v11 =	vsub.f32 $1.500000000e+00, v11;
	_ =	sdelay $0x1  }
0x48: {  	v10 =	vmul.f32 v11, v10;
	_ =	sdelay $0x1  }
0x49: {  	v9 =	vmul.f32 v10, v9;
	_ =	sdelay $0x1  }
0x4a: {  	v9 =	vmul.f32 v9, v10;
	_ =	sdelay $0x1  }
.Ltmp0:
0x4b: {  	s9 =	sadd.s32 $0x80, s9;
	v9 =	vsub.f32 $1.500000000e+00, v9;
	(pc) =	sbr.rel @p0 .LBB2_2-.Ltmp0, $4  }
0x4c: {  	s12 =	sadd.s32 $0xFFFFFFFE, s11;
	v11 =	vor.u32 s9, v0  }
0x4d: {  	v12 =	vadd.s32 s12, v2;
	v9 =	vmul.f32 v9, v10;
	v10 =	vor.u32 s9, v5  }
0x4e: {  	v13 =	vand.u32 $0x7FF8, v12;
	v12 =	vor.u32 s9, v6  }
0x4f: {  	s11 =	sadd.s32 $0x30, s11;
	s12 =	sadd.s32 $0xFFFFFFFF, s10;
	v13 =	vor.u32 v4, v13;
	v14 =	vmul.f32 v9, v14  }
0x50: {  	_ =	sdelay $0x2  }
0x51: {  	v15 =	vadd.s32 s12, v2;
	v8 =	vmul.f32 v9, v8  }
0x52: {  	v16 =	vadd.s32 s10, v2;
	v7 =	vmul.f32 v9, v7;
	[tilespmem:v11+s7+$0x0] =	vst.idx.msk $0xffff, v14  }
0x53: {  	[tilespmem:v10+s7+$0x0] =	vst.idx.msk $0xffff, v8  }
0x54: {  	[tilespmem:v12+s7+$0x0] =	vst.idx.msk $0xffff, v7  }
0x55: {  	v7 =	vld.idx.msk [tilespmem:v13+s2+$0x0], $0xffff  }
0x56: {  	v8 =	vld.idx.msk [tilespmem:v15+s2+$0x0], $0xffff  }
0x57: {  	v56 =	vld.idx.msk [tilespmem:v16+s2+$0x0], $0xffff;
	_ =	sdelay $0x3  }
0x58: {  	v7 =	vadd.f32 $1.000000000e+00, v7;
	v8 =	vadd.f32 $1.000000000e+00, v8  }
0x59: {  	v9 =	vadd.f32 $3.000000000e+00, v56  }
0x5a: {  	v7 =	vmul.f32 v7, v1;
	v8 =	vmul.f32 v8, v1  }
0x5b: {  	v9 =	vmul.f32 v9, v3  }
0x5c: {  	v57 =	vmul.f32 v7, v7;
	v58 =	vmul.f32 v8, v8;
	_ =	sdelay $0x1  }
0x5d: {  	v59 =	vmul.f32 v9, v9;
	v10 =	vadd.f32 v58, v57;
	_ =	sdelay $0x1  }
0x5e: {  	v10 =	vadd.f32 v59, v10;
	_ =	sdelay $0x1  }
0x5f: {  	v11 =	vshra.s32 v10, $0x1;
	v10 =	vmul.f32 $5.000000000e-01, v10  }
0x60: {  	v11 =	vsub.s32 $0x5F3759DF, v11  }
0x61: {  	v60 =	vmul.f32 v11, v10;
	_ =	sdelay $0x1  }
0x62: {  	v12 =	vmul.f32 v11, v60;
	_ =	sdelay $0x1  }
0x63: {  	v12 =	vsub.f32 $1.500000000e+00, v12;
	_ =	sdelay $0x1  }
0x64: {  	v11 =	vmul.f32 v11, v12;
	_ =	sdelay $0x1  }
0x65: {  	v12 =	vmul.f32 v11, v10;
	_ =	sdelay $0x1  }
0x66: {  	v12 =	vmul.f32 v12, v11;
	_ =	sdelay $0x1  }
0x67: {  	v12 =	vsub.f32 $1.500000000e+00, v12;
	_ =	sdelay $0x1  }
0x68: {  	v11 =	vmul.f32 v12, v11;
	_ =	sdelay $0x1  }
0x69: {  	v10 =	vmul.f32 v11, v10;
	_ =	sdelay $0x1  }
0x6a: {  	v10 =	vmul.f32 v10, v11;
	_ =	sdelay $0x1  }
0x6b: {  	s9 =	sadd.s32 $0x80, s9;
	v10 =	vsub.f32 $1.500000000e+00, v10  }
0x6c: {  	v61 =	vor.u32 s9, v0  }
0x6d: {  	v62 =	vor.u32 s9, v5;
	v10 =	vmul.f32 v10, v11  }
0x6e: {  	v63 =	vor.u32 s9, v6  }
0x6f: {  	v7 =	vmul.f32 v10, v7  }
0x70: {  	v8 =	vmul.f32 v10, v8  }
0x71: {  	s8 =	sadd.s32 $0x1, s8;
	[tilespmem:v61+s7+$0x0] =	vst.idx.msk $0xffff, v7;
	v7 =	vmul.f32 v10, v9  }
0x72: {  	p0 =	sne.s32 s8, s5;
	[tilespmem:v62+s7+$0x0] =	vst.idx.msk $0xffff, v8  }
.Ltmp1:
0x73: {  	[tilespmem:v63+s7+$0x0] =	vst.idx.msk $0xffff, v7;
	(pc) =	sbr.rel @p0 .LBB2_1-.Ltmp1, $4  }
0x74: {  	[hbm4b:s4+s2] =	stream.linear.scatter [tilespmem:s7], [sflag:$0x1], $0x6200, $0x38;
	[tilespmem:$0x86C0] =	vst v63  }
0x75: {  	_ =	swait.ge [sflag:s6], $0x6200  }
0x76: {  	[sflag:s6] =	ssyncset.done $0x0  }
0x77: {  	[sflag:s6] =	ssyncadd.s32 $0xFFFF9E00  }
0x78: {  	_ =	sfence.sel $0x180000  }
0x79: {  	[bflag:$0x0] =	sbarrier.arrive $0xFFFF  }
0x7a: {  	p0 =	sne.s32 s1, $0x0;
	_ =	strace $0x90000047  }
0x7b: {  	s0 =	sadd.s32 @!p0 $0x100000, s0;
	[bflag:$0x2] =	sbarrier.arrive $0xFFFF  }
0x7c: {  	[sflag:s0] =	ssyncadd.tile.s32 @!p0 $0x1;
	_ =	shalt  }
.Lfunc_end2:
_tile_overlayer_lowered:
.L_overlay_start_2:
0x7d: {  	(tag) =	ssettag $0x2  }
0x7e: {  	s0 =	rddreg [dreg:$0x0];
	s2 =	stileid.u32  }
0x7f: {  	s1 =	rddreg [dreg:$0x1];
	p0 =	sne.s32 s2, $0x0  }
0x80: {  	s3 =	rddreg [dreg:$0x2];
	[bflag:$0x3] =	sbarrier.arrive $0xFFFF;
	s2 =	simm.s32 @!p0 $0x1C01  }
0x81: {  	[timem:s3], [sflag:s2] =	dma.local @!p0 [hbm:s0], s1  }
0x82: {  	s0 =	simm.s32 @!p0 $0x1  }
0x83: {  	_ =	swait.ge @!p0 [sflag:s0], s1  }
0x84: {  	s1 =	ssub.s32 @!p0 $0x0, s1;
	[sflag:s0] =	ssyncset.done @!p0 $0x0  }
0x85: {  	[sflag:s0] =	ssyncadd.s32 @!p0 s1  }
0x86: {  	[bflag:$0x3] =	sbarrier.arrive $0xFFFF  }
0x87: {  	_ =	shalt  }

// kernel: kernel.8.cloned.1.call-start
scs
__scs_entry_jumppad:
0x0: {  	(pc) =	sbr.rel $0x88, $3  }
0x1: {  	(tag) =	ssettag $0x0;
	lr =	simm.s32 $0x1  }
0x2: {  	[smem:$0x3F9B] =	sst lr;
	_ =	strace $0xD0000000  }
0x3: {  	_ = 	snop  }
0x4: {  	_ = 	snop  }
0x5: {  	_ = 	snop  }
0x6: {  	_ = 	snop  }
0x7: {  	_ = 	snop  }
__scs_overlays_trampoline_lowered:
0x8: {  	[smem:$0x3FAA] =	sst s0  }
0x9: {  	[smem:$0x3FAB] =	sst s1  }
0xa: {  	[smem:$0x3FAC] =	sst s2  }
0xb: {  	[smem:$0x3FAD] =	sst s3  }
0xc: {  	[smem:$0x3FAE] =	sst s4  }
0xd: {  	[smem:$0x3FAF] =	sst s5  }
0xe: {  	[smem:$0x3FB0] =	sst s6  }
0xf: {  	[smem:$0x3FB1] =	sst s7  }
0x10: {  	[smem:$0x3FB2] =	sst s8  }
0x11: {  	[smem:$0x3FB3] =	sst s9;
	s0 =	simm.s32 @!p0 $0x0  }
0x12: {  	s1 =	sld [smem:$0x3F99];
	s0 =	simm.s32 @p0 $0x1  }
0x13: {  	[smem:$0x3FB4] =	sst s0;
	s0 =	simm.s32 @!p1 $0x0  }
0x14: {  	s2 =	sld [smem:$0x3F98];
	s0 =	simm.s32 @p1 $0x1  }
0x15: {  	[smem:$0x3FB5] =	sst s0;
	s0 =	simm.s32 @!p2 $0x0  }
0x16: {  	s3 =	sld [smem:$0x3FDB];
	s0 =	simm.s32 @p2 $0x1  }
0x17: {  	s4 =	simm.s32 $0x1BF5;
	[smem:$0x3FB7] =	sst s0  }
0x18: {  	s0 =	sld [smem:$0x3F9A];
	_ =	swait.ge [sflag:s4], $0x0  }
0x19: {  	s7 =	sld [smem:$0x3F9B]  }
0x1a: {  	s8 =	sadd.s32 $0xFFFFE003, lr  }
0x1b: {  	s9 =	sadd.s32 $0xFFFFFEF7, lr;
	s5 =	simm.s32 $0xFFFFFFFF;
	p2 =	slt.u32 s8, $0xFFFFF086  }
0x1c: {  	p1 =	slt.u32 s9, $0xF7A;
	s5 =	simm.s32 @!p2 $0x0  }
0x1d: {  	s5 =	simm.s32 @p1 $0x1;
	p0 =	seq.s32 s7, s2  }
0x1e: {  	s7 =	smul.u32 @!p0 $0xF7A, s2;
	p2 =	seq.s32 @!p0 s5, $0x0  }
0x1f: {  	s9 =	smul.u32 $0xF7A, s1;
	s8 =	simm.s32 @!p0 $0x1BF5;
	p2 =	por !p2, p0  }
0x20: {  	[sflag:s8] =	ssyncset.s32 @!p0 $0xFFFFF086;
	s6 =	sadd.s32 @!p0 s3, s7;
	s7 =	simm.s32 @!p0 $0x108  }
0x21: {  	s3 =	sadd.s32 s3, s9;
	s6 =	sadd.s32 @!p0 $0x88, s6;
	s7 =	simm.s32 @p2 $0x1082  }
0x22: {  	[simem:s7], [sflag:s8] =	dma.local @!p0 [hbm:s6], $0xF7A  }
0x23: {  	s9 =	sor.u32 $0xD0000000, s2;
	s6 =	simm.s32 $0x108;
	_ =	swait.ge @!p0 [sflag:s8], $0x0  }
0x24: {  	s3 =	sadd.s32 $0x88, s3;
	s6 =	simm.s32 @!p1 $0x1082;
	[sflag:s4] =	ssyncset.s32 $0xFFFFF086  }
0x25: {  	[simem:s6], [sflag:s4] =	dma.local [hbm:s3], $0xF7A  }
0x26: {  	[smem:$0x3F9B] =	sst s1;
	(tag) =	ssettag s2;
	_ =	strace s9  }
0x27: {  	s1 =	sld [smem:$0x3FAB]  }
0x28: {  	s2 =	sld [smem:$0x3FAC]  }
0x29: {  	s4 =	sld [smem:$0x3FAE]  }
0x2a: {  	p0 =	seq.s32 s5, $0x0;
	s5 =	sld [smem:$0x3FAF]  }
0x2b: {  	s6 =	sld [smem:$0x3FB0]  }
0x2c: {  	s7 =	sld [smem:$0x3FB1]  }
0x2d: {  	s3 =	simm.s32 $0x108;
	s8 =	sld [smem:$0x3FB2]  }
0x2e: {  	s3 =	simm.s32 @!p0 $0x1082;
	s9 =	sld [smem:$0x3FB3]  }
0x2f: {  	lr =	sadd.s32 s0, s3;
	s0 =	sld [smem:$0x3FAA]  }
0x30: {  	s3 =	sld [smem:$0x3FAD]  }
0x31: {  	[smem:$0x3FB6] =	sst s10  }
0x32: {  	s10 =	sld [smem:$0x3FB4];
	_ =	sdelay $0x3  }
0x33: {  	p0 =	seq.s32 s10, $0x1;
	s10 =	sld [smem:$0x3FB6];
	_ =	sdelay $0x3  }
0x34: {  	[smem:$0x3FB6] =	sst s10  }
0x35: {  	s10 =	sld [smem:$0x3FB5];
	_ =	sdelay $0x3  }
0x36: {  	p1 =	seq.s32 s10, $0x1;
	s10 =	sld [smem:$0x3FB6];
	_ =	sdelay $0x3  }
0x37: {  	[smem:$0x3FB6] =	sst s10  }
0x38: {  	s10 =	sld [smem:$0x3FB7]  }
0x39: {  	_ = 	snop;
	(pc) =	sbr.ind lr, $3  }
0x3a: {  	_ = 	snop  }
0x3b: {  	_ = 	snop  }
0x3c: {  	p2 =	seq.s32 s10, $0x1;
	s10 =	sld [smem:$0x3FB6]  }
0x3d: {  	_ =	shalt  }
0x3e: {  	_ =	shalt  }
0x3f: {  	_ =	shalt  }
0x40: {  	_ =	shalt  }
0x41: {  	_ =	shalt  }
0x42: {  	_ =	shalt  }
0x43: {  	_ =	shalt  }
0x44: {  	_ =	shalt  }
0x45: {  	_ =	shalt  }
0x46: {  	_ =	shalt  }
0x47: {  	_ =	shalt  }
0x48: {  	_ =	shalt  }
0x49: {  	_ =	shalt  }
0x4a: {  	_ =	shalt  }
0x4b: {  	_ =	shalt  }
0x4c: {  	_ =	shalt  }
0x4d: {  	_ =	shalt  }
0x4e: {  	_ =	shalt  }
0x4f: {  	_ =	shalt  }
0x50: {  	_ =	shalt  }
0x51: {  	_ =	shalt  }
0x52: {  	_ =	shalt  }
0x53: {  	_ =	shalt  }
0x54: {  	_ =	shalt  }
0x55: {  	_ =	shalt  }
0x56: {  	_ =	shalt  }
0x57: {  	_ =	shalt  }
0x58: {  	_ =	shalt  }
0x59: {  	_ =	shalt  }
0x5a: {  	_ =	shalt  }
0x5b: {  	_ =	shalt  }
0x5c: {  	_ =	shalt  }
0x5d: {  	_ =	shalt  }
0x5e: {  	_ =	shalt  }
0x5f: {  	_ =	shalt  }
0x60: {  	_ =	shalt  }
0x61: {  	_ =	shalt  }
0x62: {  	_ =	shalt  }
0x63: {  	_ =	shalt  }
0x64: {  	_ =	shalt  }
0x65: {  	_ =	shalt  }
0x66: {  	_ =	shalt  }
0x67: {  	_ =	shalt  }
0x68: {  	_ =	shalt  }
0x69: {  	_ =	shalt  }
0x6a: {  	_ =	shalt  }
0x6b: {  	_ =	shalt  }
0x6c: {  	_ =	shalt  }
0x6d: {  	_ =	shalt  }
0x6e: {  	_ =	shalt  }
0x6f: {  	_ =	shalt  }
0x70: {  	_ =	shalt  }
0x71: {  	_ =	shalt  }
0x72: {  	_ =	shalt  }
0x73: {  	_ =	shalt  }
0x74: {  	_ =	shalt  }
0x75: {  	_ =	shalt  }
0x76: {  	_ =	shalt  }
0x77: {  	_ =	shalt  }
0x78: {  	_ =	shalt  }
0x79: {  	_ =	shalt  }
0x7a: {  	_ =	shalt  }
0x7b: {  	_ =	shalt  }
0x7c: {  	_ =	shalt  }
0x7d: {  	_ =	shalt  }
0x7e: {  	_ =	shalt  }
0x7f: {  	_ =	shalt  }
0x80: {  	_ =	shalt  }
0x81: {  	_ =	shalt  }
0x82: {  	_ =	shalt  }
0x83: {  	_ =	shalt  }
0x84: {  	_ =	shalt  }
0x85: {  	_ =	shalt  }
0x86: {  	_ =	shalt  }
0x87: {  	_ =	shalt  }
.Lfunc_end0:
.L_simem_size_0:
called_computation.1_lowered:
.L_overlay_start_0:
0x88: {  	s2 =	sld [smem:$0x3FD9]  }
0x89: {  	s3 =	sld [smem:$0x3FFE];
	_ =	sdelay $0x1  }
0x8a: {  	s1 =	srdreg.scid  }
0x8b: {  	s0 =	sand.u32 $0x1, s1  }
0x8c: {  	s17 =	sshll.u32 s0, $0xA;
	s2 =	sadd.s32 s3, s2  }
0x8d: {  	s2 =	sadd.s32 s2, s17  }
0x8e: {  	[smem:$0x3FC2] =	sst s2  }
0x8f: {  	_ = 	snop  }
0x90: {  	s2 =	sld [smem:$0x3FD0];
	(tm) =	ssettm $0x1  }
0x91: {  	s18 =	sld [smem:$0x3FFB];
	_ =	sdelay $0x3  }
0x92: {  	_ =	strace s18  }
0x93: {  	s3 =	sld [smem:$0x3FFC];
	_ =	sdelay $0x3  }
0x94: {  	_ =	strace s3  }
0x95: {  	s3 =	sld [smem:$0x3FFD];
	_ =	sdelay $0x3  }
0x96: {  	_ =	strace s3  }
0x97: {  	_ =	strace $0x8FFFFFFF  }
0x98: {  	s19 =	sld [smem:$0x3FDB];
	_ =	sdelay $0x1  }
0x99: {  	s4 =	simm.s32 $_scs_section_size  }
0x9a: {  	s5 =	simm.s32 $_size__tile_overlayer_lowered;
	s6 =	simm.s32 $_tile_overlayer_lowered  }
0x9b: {  	s22 =	simm.s32 $0x1BFF;
	s21 =	sshll.u32 s6, $0x1;
	s3 =	sadd.s32 s4, s19  }
0x9c: {  	s7 =	simm.s32 $0x0;
	s20 =	sshll.u32 s5, $0x1;
	s5 =	sadd.s32 s21, s3  }
0x9d: {  	[timem:s7], [sflag:s22] =	dma.local [hbm:s5], s20  }
0x9e: {  	_ =	swait.ge [sflag:s22], s20  }
0x9f: {  	s4 =	ssub.s32 $0x0, s20;
	[sflag:s22] =	ssyncset.done $0x0  }
0xa0: {  	[sflag:s22] =	ssyncadd.s32 s4;
	_ =	sdelay $0x1  }
0xa1: {  	s23 =	simm.s32 $0x1B8B  }
0xa2: {  	_ =	swait.ge [sflag:s23], $0x1  }
0xa3: {  	[sflag:s23] =	ssyncset.done $0x0  }
0xa4: {  	s25 =	simm.s32 $0x1B8E;
	s24 =	sld [smem:$0x3FFE];
	[sflag:s23] =	ssyncadd.s32 $0xFFFFFFFF  }
0xa5: {  	s26 =	simm.s32 $execute0_lowered;
	[smem:$0x3FD2] =	sst s25  }
0xa6: {  	s5 =	sshll.u32 s26, $0x1;
	_ =	strace $0x80000049;
	[dreg:$0x1] =	wrdreg $0xFFFFFFFF  }
0xa7: {  	s28 =	simm.s32 $_size_execute0_lowered;
	s3 =	sadd.s32 s3, s5;
	[dreg:$0x0] =	wrdreg $0x0  }
0xa8: {  	s5 =	sshll.u32 s28, $0x1;
	[dreg:$0x2] =	wrdreg s3  }
0xa9: {  	[dreg:$0x3] =	wrdreg s5  }
0xaa: {  	[dreg:$0x4] =	wrdreg $0xC0  }
0xab: {  	_ =	task [dreg:s7], $0x5FFFF  }
0xac: {  	[dreg:$0x1] =	wrdreg $0xFFFFFFFF  }
0xad: {  	[dreg:$0x0] =	wrdreg $0x60  }
0xae: {  	[dreg:$0x2] =	wrdreg s24  }
0xaf: {  	[dreg:$0x3] =	wrdreg s2  }
0xb0: {  	[dreg:$0x4] =	wrdreg $0x9  }
0xb1: {  	_ =	task.clear_ibuf [dreg:s7], $0x5FFFF;
	_ =	strace $0x90000049  }
0xb2: {  	s29 =	simm.s32 $0x9;
	_ =	strace $0x8000004B  }
0xb3: {  	_ =	swait.ge [sflag:s29], $0x1  }
0xb4: {  	[sflag:s29] =	ssyncadd.s32 $0xFFFFFFFF  }
0xb5: {  	_ =	strace $0x9000004B  }
0xb6: {  	_ =	sfence  }
0xb7: {  	s30 =	sld [smem:$0x0];
	_ =	sdelay $0x2  }
0xb8: {  	s31 =	sshll.u32 s1, $0xD;
	s1 =	sshrl.u32 s1, $0x2  }
0xb9: {  	s3 =	sand.u32 $0x4000, s31;
	s1 =	sadd.s32 s1, s30  }
0xba: {  	s0 =	sor.u32 s3, s0;
	s1 =	sshll.u32 s1, $0x11  }
0xbb: {  	s0 =	sor.u32 s1, s0  }
0xbc: {  	s0 =	sadd.s32 $0x8F2B, s0  }
0xbd: {  	[sflag:s0] =	ssyncadd.remote.s32 $0x1  }
0xbe: {  	_ =	sfence.sel $0xFFFF  }
0xbf: {  	[dreg:$0x0] =	wrdreg $0xFFFFFFFF;
	(pc) =	sbr.abs _section_cstart, $3  }
0xc0: {  	[dreg:$0x1] =	wrdreg $0xFFFFFFFF  }
0xc1: {  	_ =	task.clear_ibuf [dreg:s7], $0x2FFFF;
	_ =	strace $0x9FFFFFFF  }
0xc2: {  	(tm) =	ssettm $0x7FFFFFFF  }
0xc3: {  	_ =	shalt  }
tec
execute0_lowered:
.L_overlay_start_1:
0x0: {  	(tag) =	ssettag $0x1  }
0x1: {  	s5 =	rddreg [dreg:$0x0]  }
0x2: {  	s1 =	srdreg.scid;
	s0 =	stileid.u32  }
0x3: {  	s2 =	rddreg [dreg:$0x1];
	s3 =	simm.s32 $0x0;
	s9 =	simm.s32 $0x1260  }
0x4: {  	s10 =	simm.s32 $0x1;
	s11 =	simm.s32 $0xA560;
	s12 =	simm.s32 $0x0  }
0x5: {  	s4 =	sand.u32 $0x1, s1;
	s6 =	sshll.u32 s0, $0x1;
	s1 =	rddreg [dreg:$0x2]  }
0x6: {  	[smem:$0x7FF] =	sst s3;
	s6 =	sor.u32 s4, s6;
	s7 =	ssub.s32 $0x2, s4  }
0x7: {  	_ =	strace $0x8000004A;
	s6 =	smul.u32 $0x4980, s6;
	s8 =	sshrl.u32 s7, $0x1  }
0x8: {  	s4 =	sadd.s32 $0xE00, s5;
	s5 =	sadd.s32 $0x13400, s5;
	s7 =	ssub.s32 s7, s8  }
0x9: {  	v0 =	vlaneseq.u32;
	s8 =	simm.s32 $0x2;
	s6 =	smin.u32 s6, $0x8DE40;
	s7 =	smax.u32 s7, $0x1  }
.LBB2_1:
0xa: {  	s13 =	simm.s32 $0x0  }
.LBB2_2:
0xb: {  	s14 =	smul.u32 $0x1260, s13;
	_ =	sdelay $0x1  }
0xc: {  	s14 =	sadd.s32 s6, s14  }
0xd: {  	s15 =	sshrl.u32 s14, $0x3  }
0xe: {  	s16 =	simm.s32 $0x0;
	s15 =	sadd.s32 s4, s15  }
0xf: {  	v1 =	vor.u32 s16, v0;
	[tilespmem:s16], [sflag:$0x2] =	stream.linear.gather [hbm4b:s15+s16], $0x1260, $0x38;
	[tilespmem:$0xD660] =	vst v63  }
0x10: {  	v4 =	vmul.u32 $0x18, v1;
	_ =	swait.ge [sflag:s8], $0x1260  }
0x11: {  	[sflag:s8] =	ssyncset.done $0x0  }
0x12: {  	v3 =	vadd.s32 $0x8, v4;
	[sflag:s8] =	ssyncadd.s32 $0xFFFFEDA0  }
0x13: {  	v5 =	vor.u32 $0x1, v4;
	[tilespmem:s9], [sflag:$0x1] =	stream.indirect.gather [hbm4b:s2+s9], $0x8, s16, s9, $0xb8;
	[tilespmem:$0xD660] =	vst v63  }
0x14: {  	_ =	swait.ge [sflag:s10], $0x9300  }
0x15: {  	v8 =	vor.u32 $0x2, v4;
	[sflag:s10] =	ssyncset.done $0x0  }
0x16: {  	v10 =	vadd.s32 $0x9, v4;
	[sflag:s10] =	ssyncadd.s32 $0xFFFF6D00  }
0x17: {  	v22 =	vadd.s32 $0xA, v4;
	v27 =	vld.idx.msk [tilespmem:v3+s9+$0x0], $0xffff  }
0x18: {  	s30 =	simm.s32 $0x10;
	v25 =	vadd.s32 $0x10, v4;
	v28 =	vld.idx.msk [tilespmem:v5+s9+$0x0], $0xffff  }
0x19: {  	v12 =	vor.u32 s30, v0;
	v26 =	vadd.s32 $0x12, v4;
	v29 =	vld.idx.msk [tilespmem:v4+s9+$0x0], $0xffff  }
0x1a: {  	s31 =	simm.s32 $0x20;
	v14 =	vmul.u32 $0x18, v12;
	v31 =	vshll.u32 v1, $0x3;
	v24 =	vadd.s32 $0x11, v4;
	v30 =	vld.idx.msk [tilespmem:v8+s9+$0x0], $0xffff  }
0x1b: {  	v2 =	vor.u32 s31, v0;
	v21 =	vor.u32 $0x4, v31;
	v23 =	vor.u32 $0x2, v31;
	v10 =	vld.idx.msk [tilespmem:v10+s9+$0x0], $0xffff  }
0x1c: {  	v34 =	vor.u32 $0x1, v31;
	v16 =	vor.u32 $0x1, v14;
	v17 =	vor.u32 $0x2, v14;
	v32 =	vld.idx.msk [tilespmem:v22+s9+$0x0], $0xffff  }
0x1d: {  	v19 =	vadd.s32 $0x9, v14;
	v18 =	vadd.s32 $0xA, v14;
	v3 =	vmul.u32 $0x18, v2;
	v25 =	vld.idx.msk [tilespmem:v25+s9+$0x0], $0xffff  }
0x1e: {  	v20 =	vadd.s32 $0x8, v14;
	v11 =	vadd.s32 $0x11, v14;
	v15 =	vadd.s32 $0x10, v14;
	v26 =	vld.idx.msk [tilespmem:v26+s9+$0x0], $0xffff  }
0x1f: {  	v13 =	vadd.s32 $0x12, v14;
	v22 =	vor.u32 $0x3, v31;
	v56 =	vld.idx.msk [tilespmem:v24+s9+$0x0], $0xffff;
	v7 =	vor.u32 $0x1, v3  }
0x20: {  	v6 =	vor.u32 $0x2, v3;
	v5 =	vadd.s32 $0x9, v3;
	v4 =	vadd.s32 $0xA, v3  }
0x21: {  	v9 =	vadd.s32 $0x8, v3;
	v1 =	vadd.s32 $0x11, v3;
	v8 =	vshrl.u32 v27, $0x10  }
0x22: {  	v33 =	vshrl.u32 v28, $0x10;
	v35 =	vshrl.u32 v29, $0x10;
	v52 =	vshrl.u32 v30, $0x10  }
0x23: {  	v53 =	vshrl.u32 v10, $0x10;
	v54 =	vshrl.u32 v32, $0x10;
	v57 =	vshrl.u32 v25, $0x10  }
0x24: {  	v58 =	vshrl.u32 v26, $0x10;
	v60 =	vshrl.u32 v56, $0x10;
	v8 =	vand.u32 $0x1, v8  }
0x25: {  	v33 =	vand.u32 $0x1, v33;
	v55 =	vand.u32 $0x1, v53;
	v24 =	vand.u32 $0x1, v54  }
0x26: {  	v59 =	vand.u32 $0x1, v57;
	v61 =	vand.u32 $0x1, v60;
	v62 =	vand.u32 $0x1, v58  }
0x27: {  	v8 =	vadd.s32 v8, v27;
	v27 =	vand.u32 $0x1, v35;
	v28 =	vadd.s32 v33, v28  }
0x28: {  	v10 =	vadd.s32 v55, v10;
	v24 =	vadd.s32 v24, v32;
	v25 =	vadd.s32 v59, v25  }
0x29: {  	v26 =	vadd.s32 v62, v26;
	v36 =	vadd.s32 $0x7FFF, v8;
	v8 =	vadd.s32 $0x10, v3  }
0x2a: {  	v27 =	vadd.s32 v27, v29;
	v29 =	vand.u32 $0x1, v52;
	v28 =	vadd.s32 $0x7FFF, v28  }
0x2b: {  	v24 =	vadd.s32 $0x7FFF, v24;
	v63 =	vadd.s32 $0x7FFF, v25;
	v25 =	vadd.s32 v61, v56  }
0x2c: {  	v29 =	vadd.s32 v29, v30;
	v27 =	vadd.s32 $0x7FFF, v27;
	v30 =	vadd.s32 $0x7FFF, v10  }
0x2d: {  	v10 =	vadd.s32 $0x12, v3;
	v24 =	vshrl.u32 v24, $0x10;
	v36 =	vshrl.u32 v36, $0x10  }
0x2e: {  	v28 =	vshrl.u32 v28, $0x10;
	v27 =	vand.u32 $0xFFFF0000, v27;
	v29 =	vadd.s32 $0x7FFF, v29  }
0x2f: {  	v30 =	vand.u32 $0xFFFF0000, v30;
	v29 =	vand.u32 $0xFFFF0000, v29;
	v27 =	vor.u32 v27, v28  }
0x30: {  	v24 =	vor.u32 v30, v24;
	v28 =	vadd.s32 $0x7FFF, v25;
	[tilespmem:v31+s11+$0x0] =	vst.idx.msk $0xffff, v27;
	v27 =	vor.u32 v29, v36  }
0x31: {  	s15 =	simm.s32 $0x30;
	v25 =	vadd.s32 $0x7FFF, v26;
	v26 =	vand.u32 $0xFFFF0000, v63;
	[tilespmem:v34+s11+$0x0] =	vst.idx.msk $0xffff, v27;
	v27 =	vshrl.u32 v28, $0x10  }
.LBB2_3:
0x32: {  	p0 =	sne.s32 s15, $0x610;
	[tilespmem:v23+s11+$0x0] =	vst.idx.msk $0xffff, v24;
	v23 =	vor.u32 v26, v27;
	s16 =	smov.u32 s15;
	s15 =	sadd.s32 $0x10, s15  }
0x33: {  	v24 =	vand.u32 $0xFFFF0000, v25;
	[tilespmem:v22+s11+$0x0] =	vst.idx.msk $0xffff, v23  }
0x34: {  	[tilespmem:v21+s11+$0x0] =	vst.idx.msk $0xffff, v24  }
0x35: {  	v21 =	vor.u32 s16, v0;
	v24 =	vld.idx.msk [tilespmem:v20+s9+$0x0], $0xffff;
	v20 =	vmov v9  }
0x36: {  	v9 =	vmul.u32 $0x18, v21;
	v25 =	vld.idx.msk [tilespmem:v16+s9+$0x0], $0xffff;
	v16 =	vmov v7  }
0x37: {  	v26 =	vld.idx.msk [tilespmem:v14+s9+$0x0], $0xffff;
	v14 =	vmov v3  }
0x38: {  	v7 =	vor.u32 $0x1, v9;
	v3 =	vmovc v9;
	v27 =	vld.idx.msk [tilespmem:v17+s9+$0x0], $0xffff;
	v17 =	vmov v6;
	v6 =	vor.u32 $0x2, v9  }
0x39: {  	v30 =	vshll.u32 v12, $0x3;
	v12 =	vmovc v2;
	v2 =	vmovc v21;
	v22 =	vadd.s32 $0x9, v3;
	v28 =	vadd.s32 $0xA, v3;
	v29 =	vld.idx.msk [tilespmem:v19+s9+$0x0], $0xffff  }
0x3a: {  	v21 =	vor.u32 $0x4, v30;
	v9 =	vadd.s32 $0x8, v3;
	v31 =	vadd.s32 $0x11, v3;
	v19 =	vmovc v5;
	v5 =	vmovc v22;
	v32 =	vld.idx.msk [tilespmem:v18+s9+$0x0], $0xffff  }
0x3b: {  	v23 =	vor.u32 $0x2, v30;
	v22 =	vor.u32 $0x3, v30;
	v33 =	vshrl.u32 v24, $0x10;
	v18 =	vmovc v4;
	v4 =	vmovc v28  }
0x3c: {  	v34 =	vor.u32 $0x1, v30;
	v28 =	vshrl.u32 v25, $0x10;
	v33 =	vand.u32 $0x1, v33  }
0x3d: {  	v35 =	vshrl.u32 v26, $0x10;
	v28 =	vand.u32 $0x1, v28;
	v24 =	vadd.s32 v33, v24;
	v33 =	vld.idx.msk [tilespmem:v15+s9+$0x0], $0xffff;
	v15 =	vmovc v8  }
0x3e: {  	v35 =	vand.u32 $0x1, v35;
	v36 =	vshrl.u32 v27, $0x10;
	v37 =	vadd.s32 $0x7FFF, v24  }
0x3f: {  	v8 =	vadd.s32 $0x10, v3;
	v24 =	vadd.s32 v35, v26;
	v26 =	vand.u32 $0x1, v36;
	v35 =	vld.idx.msk [tilespmem:v11+s9+$0x0], $0xffff;
	v11 =	vmovc v1;
	v1 =	vmovc v31  }
0x40: {  	v25 =	vadd.s32 v28, v25;
	v28 =	vshrl.u32 v29, $0x10;
	v31 =	vshrl.u32 v32, $0x10;
	v36 =	vld.idx.msk [tilespmem:v13+s9+$0x0], $0xffff;
	v13 =	vmovc v10  }
0x41: {  	v25 =	vadd.s32 $0x7FFF, v25;
	v26 =	vadd.s32 v26, v27;
	v10 =	vand.u32 $0x1, v28  }
0x42: {  	v24 =	vadd.s32 $0x7FFF, v24;
	v27 =	vand.u32 $0x1, v31;
	v10 =	vadd.s32 v10, v29  }
0x43: {  	v28 =	vand.u32 $0xFFFF0000, v24;
	v27 =	vadd.s32 v27, v32;
	v24 =	vadd.s32 $0x7FFF, v10  }
0x44: {  	v26 =	vadd.s32 $0x7FFF, v26;
	v10 =	vadd.s32 $0x12, v3;
	v27 =	vadd.s32 $0x7FFF, v27  }
0x45: {  	v29 =	vshrl.u32 v33, $0x10;
	v24 =	vand.u32 $0xFFFF0000, v24;
	v27 =	vshrl.u32 v27, $0x10  }
0x46: {  	v31 =	vand.u32 $0xFFFF0000, v26;
	v24 =	vor.u32 v24, v27;
	v26 =	vshrl.u32 v36, $0x10  }
0x47: {  	v32 =	vshrl.u32 v37, $0x10;
	v27 =	vand.u32 $0x1, v29;
	v29 =	vshrl.u32 v35, $0x10  }
.Ltmp0:
0x48: {  	v27 =	vadd.s32 v27, v33;
	v29 =	vand.u32 $0x1, v29;
	v26 =	vand.u32 $0x1, v26;
	(pc) =	sbr.rel @p0 .LBB2_3-.Ltmp0, $4  }
0x49: {  	v33 =	vshrl.u32 v25, $0x10;
	v27 =	vadd.s32 $0x7FFF, v27;
	v26 =	vadd.s32 v26, v36  }
0x4a: {  	v29 =	vadd.s32 v29, v35;
	v28 =	vor.u32 v28, v33;
	v25 =	vadd.s32 $0x7FFF, v26  }
0x4b: {  	v26 =	vand.u32 $0xFFFF0000, v27;
	v27 =	vadd.s32 $0x7FFF, v29;
	[tilespmem:v30+s11+$0x0] =	vst.idx.msk $0xffff, v28;
	v28 =	vor.u32 v31, v32  }
0x4c: {  	v27 =	vshrl.u32 v27, $0x10;
	[tilespmem:v34+s11+$0x0] =	vst.idx.msk $0xffff, v28  }
0x4d: {  	_ =	sdelay $0x3  }
0x4e: {  	[tilespmem:v23+s11+$0x0] =	vst.idx.msk $0xffff, v24;
	v53 =	vor.u32 v26, v27  }
0x4f: {  	v54 =	vand.u32 $0xFFFF0000, v25;
	[tilespmem:v22+s11+$0x0] =	vst.idx.msk $0xffff, v53  }
0x50: {  	[tilespmem:v21+s11+$0x0] =	vst.idx.msk $0xffff, v54  }
0x51: {  	v20 =	vld.idx.msk [tilespmem:v20+s9+$0x0], $0xffff  }
0x52: {  	v16 =	vld.idx.msk [tilespmem:v16+s9+$0x0], $0xffff  }
0x53: {  	v14 =	vld.idx.msk [tilespmem:v14+s9+$0x0], $0xffff  }
0x54: {  	v17 =	vld.idx.msk [tilespmem:v17+s9+$0x0], $0xffff  }
0x55: {  	v19 =	vld.idx.msk [tilespmem:v19+s9+$0x0], $0xffff  }
0x56: {  	v18 =	vld.idx.msk [tilespmem:v18+s9+$0x0], $0xffff  }
0x57: {  	v15 =	vld.idx.msk [tilespmem:v15+s9+$0x0], $0xffff  }
0x58: {  	v13 =	vld.idx.msk [tilespmem:v13+s9+$0x0], $0xffff  }
0x59: {  	v12 =	vshll.u32 v12, $0x3;
	v11 =	vld.idx.msk [tilespmem:v11+s9+$0x0], $0xffff  }
0x5a: {  	v55 =	vor.u32 $0x4, v12;
	v57 =	vor.u32 $0x2, v12  }
0x5b: {  	v58 =	vor.u32 $0x3, v12;
	v60 =	vor.u32 $0x1, v12;
	v56 =	vshrl.u32 v20, $0x10  }
0x5c: {  	v59 =	vshrl.u32 v16, $0x10;
	v61 =	vshrl.u32 v14, $0x10;
	v63 =	vshrl.u32 v17, $0x10  }
0x5d: {  	v31 =	vshrl.u32 v19, $0x10;
	v32 =	vshrl.u32 v18, $0x10;
	v35 =	vshrl.u32 v15, $0x10  }
0x5e: {  	v36 =	vshrl.u32 v13, $0x10;
	v38 =	vshrl.u32 v11, $0x10;
	v22 =	vand.u32 $0x1, v56  }
0x5f: {  	v25 =	vand.u32 $0x1, v59;
	v62 =	vand.u32 $0x1, v61;
	v30 =	vand.u32 $0x1, v63  }
0x60: {  	v33 =	vand.u32 $0x1, v31;
	v34 =	vand.u32 $0x1, v32;
	v37 =	vand.u32 $0x1, v35  }
0x61: {  	v39 =	vand.u32 $0x1, v38;
	v40 =	vand.u32 $0x1, v36;
	v20 =	vadd.s32 v22, v20  }
0x62: {  	v14 =	vadd.s32 v62, v14;
	v16 =	vadd.s32 v25, v16;
	v17 =	vadd.s32 v30, v17  }
0x63: {  	v19 =	vadd.s32 v33, v19;
	v18 =	vadd.s32 v34, v18;
	v15 =	vadd.s32 v37, v15  }
0x64: {  	v11 =	vadd.s32 v39, v11;
	v13 =	vadd.s32 v40, v13;
	v20 =	vadd.s32 $0x7FFF, v20  }
0x65: {  	v16 =	vadd.s32 $0x7FFF, v16;
	v14 =	vadd.s32 $0x7FFF, v14;
	v19 =	vadd.s32 $0x7FFF, v19  }
0x66: {  	v17 =	vadd.s32 $0x7FFF, v17;
	v18 =	vadd.s32 $0x7FFF, v18;
	v15 =	vadd.s32 $0x7FFF, v15  }
0x67: {  	v11 =	vadd.s32 $0x7FFF, v11;
	v14 =	vand.u32 $0xFFFF0000, v14;
	v16 =	vshrl.u32 v16, $0x10  }
0x68: {  	v17 =	vand.u32 $0xFFFF0000, v17;
	v20 =	vshrl.u32 v20, $0x10;
	v14 =	vor.u32 v14, v16  }
0x69: {  	v19 =	vand.u32 $0xFFFF0000, v19;
	v18 =	vshrl.u32 v18, $0x10;
	v41 =	vor.u32 v17, v20;
	[tilespmem:v12+s11+$0x0] =	vst.idx.msk $0xffff, v14  }
0x6a: {  	v42 =	vand.u32 $0xFFFF0000, v15;
	v11 =	vshrl.u32 v11, $0x10;
	v18 =	vor.u32 v19, v18;
	[tilespmem:v60+s11+$0x0] =	vst.idx.msk $0xffff, v41  }
0x6b: {  	v43 =	vadd.s32 $0x7FFF, v13;
	v11 =	vor.u32 v42, v11;
	[tilespmem:v57+s11+$0x0] =	vst.idx.msk $0xffff, v18  }
0x6c: {  	v12 =	vand.u32 $0xFFFF0000, v43;
	[tilespmem:v58+s11+$0x0] =	vst.idx.msk $0xffff, v11  }
0x6d: {  	[tilespmem:v55+s11+$0x0] =	vst.idx.msk $0xffff, v12  }
0x6e: {  	v9 =	vld.idx.msk [tilespmem:v9+s9+$0x0], $0xffff  }
0x6f: {  	v7 =	vld.idx.msk [tilespmem:v7+s9+$0x0], $0xffff  }
0x70: {  	v3 =	vld.idx.msk [tilespmem:v3+s9+$0x0], $0xffff  }
0x71: {  	v6 =	vld.idx.msk [tilespmem:v6+s9+$0x0], $0xffff  }
0x72: {  	v5 =	vld.idx.msk [tilespmem:v5+s9+$0x0], $0xffff  }
0x73: {  	v4 =	vld.idx.msk [tilespmem:v4+s9+$0x0], $0xffff  }
0x74: {  	v8 =	vld.idx.msk [tilespmem:v8+s9+$0x0], $0xffff  }
0x75: {  	v10 =	vld.idx.msk [tilespmem:v10+s9+$0x0], $0xffff  }
0x76: {  	v2 =	vshll.u32 v2, $0x3;
	v1 =	vld.idx.msk [tilespmem:v1+s9+$0x0], $0xffff  }
0x77: {  	v44 =	vor.u32 $0x4, v2;
	v46 =	vor.u32 $0x2, v2  }
0x78: {  	v47 =	vor.u32 $0x3, v2;
	v49 =	vor.u32 $0x1, v2;
	v45 =	vshrl.u32 v9, $0x10  }
0x79: {  	v48 =	vshrl.u32 v7, $0x10;
	v50 =	vshrl.u32 v3, $0x10;
	v52 =	vshrl.u32 v6, $0x10  }
0x7a: {  	v54 =	vshrl.u32 v5, $0x10;
	v55 =	vshrl.u32 v4, $0x10;
	v58 =	vshrl.u32 v8, $0x10  }
0x7b: {  	v59 =	vshrl.u32 v10, $0x10;
	v61 =	vshrl.u32 v1, $0x10;
	v12 =	vand.u32 $0x1, v45  }
0x7c: {  	v15 =	vand.u32 $0x1, v48;
	v51 =	vand.u32 $0x1, v50;
	v53 =	vand.u32 $0x1, v52  }
0x7d: {  	v56 =	vand.u32 $0x1, v54;
	v57 =	vand.u32 $0x1, v55;
	v60 =	vand.u32 $0x1, v58  }
0x7e: {  	v62 =	vand.u32 $0x1, v61;
	v63 =	vand.u32 $0x1, v59;
	v9 =	vadd.s32 v12, v9  }
0x7f: {  	v3 =	vadd.s32 v51, v3;
	v7 =	vadd.s32 v15, v7;
	v6 =	vadd.s32 v53, v6  }
0x80: {  	v5 =	vadd.s32 v56, v5;
	v4 =	vadd.s32 v57, v4;
	v1 =	vadd.s32 v62, v1  }
0x81: {  	v9 =	vadd.s32 $0x7FFF, v9;
	v7 =	vadd.s32 $0x7FFF, v7;
	v3 =	vadd.s32 $0x7FFF, v3  }
0x82: {  	v5 =	vadd.s32 $0x7FFF, v5;
	v6 =	vadd.s32 $0x7FFF, v6;
	v4 =	vadd.s32 $0x7FFF, v4  }
0x83: {  	v3 =	vand.u32 $0xFFFF0000, v3;
	v5 =	vand.u32 $0xFFFF0000, v5;
	v4 =	vshrl.u32 v4, $0x10  }
0x84: {  	v6 =	vand.u32 $0xFFFF0000, v6;
	v9 =	vshrl.u32 v9, $0x10;
	v7 =	vshrl.u32 v7, $0x10  }
0x85: {  	v4 =	vor.u32 v5, v4;
	v5 =	vadd.s32 v60, v8;
	v3 =	vor.u32 v3, v7  }
0x86: {  	v1 =	vadd.s32 $0x7FFF, v1;
	v5 =	vadd.s32 $0x7FFF, v5;
	[tilespmem:v2+s11+$0x0] =	vst.idx.msk $0xffff, v3;
	v2 =	vor.u32 v6, v9  }
0x87: {  	s14 =	smulhi.u32 $0xAAAAAAAB, s14;
	v1 =	vshrl.u32 v1, $0x10;
	v3 =	vadd.s32 v63, v10;
	v5 =	vand.u32 $0xFFFF0000, v5;
	[tilespmem:v49+s11+$0x0] =	vst.idx.msk $0xffff, v2  }
0x88: {  	s13 =	sadd.s32 $0x1, s13;
	v2 =	vadd.s32 $0x7FFF, v3;
	[tilespmem:v46+s11+$0x0] =	vst.idx.msk $0xffff, v4;
	v1 =	vor.u32 v5, v1  }
0x89: {  	p0 =	sne.s32 s13, $0x4;
	s14 =	sshrl.u32 s14, $0x1;
	v2 =	vand.u32 $0xFFFF0000, v2;
	[tilespmem:v47+s11+$0x0] =	vst.idx.msk $0xffff, v1  }
.Ltmp1:
0x8a: {  	s14 =	sadd.s32 s5, s14;
	[tilespmem:v44+s11+$0x0] =	vst.idx.msk $0xffff, v2;
	(pc) =	sbr.rel @p0 .LBB2_2-.Ltmp1, $4  }
0x8b: {  	[hbm4b:s14+s3] =	stream.linear.scatter [tilespmem:s11], [sflag:$0x2], $0x3100, $0x38;
	[tilespmem:$0xD660] =	vst v63  }
0x8c: {  	_ =	swait.ge [sflag:s8], $0x3100  }
0x8d: {  	[sflag:s8] =	ssyncset.done $0x0  }
0x8e: {  	[sflag:s8] =	ssyncadd.s32 $0xFFFFCF00  }
0x8f: {  	s12 =	sadd.s32 $0x1, s12  }
0x90: {  	p0 =	sne.s32 s12, s7  }
.Ltmp2:
0x91: {  	_ = 	snop;
	(pc) =	sbr.rel @p0 .LBB2_1-.Ltmp2, $1  }
0x92: {  	_ =	sdelay $0x3  }
0x93: {  	_ =	sfence.sel $0x180000  }
0x94: {  	[bflag:$0x0] =	sbarrier.arrive $0xFFFF  }
0x95: {  	p0 =	sne.s32 s0, $0x0;
	_ =	strace $0x9000004A  }
0x96: {  	s0 =	sadd.s32 @!p0 $0x100000, s1;
	[bflag:$0x2] =	sbarrier.arrive $0xFFFF  }
0x97: {  	[sflag:s0] =	ssyncadd.tile.s32 @!p0 $0x1;
	_ =	shalt  }
.Lfunc_end2:
_tile_overlayer_lowered:
.L_overlay_start_2:
0x98: {  	(tag) =	ssettag $0x2  }
0x99: {  	s0 =	rddreg [dreg:$0x0];
	s2 =	stileid.u32  }
0x9a: {  	s1 =	rddreg [dreg:$0x1];
	p0 =	sne.s32 s2, $0x0  }
0x9b: {  	s3 =	rddreg [dreg:$0x2];
	[bflag:$0x3] =	sbarrier.arrive $0xFFFF;
	s2 =	simm.s32 @!p0 $0x1C02  }
0x9c: {  	[timem:s3], [sflag:s2] =	dma.local @!p0 [hbm:s0], s1  }
0x9d: {  	s0 =	simm.s32 @!p0 $0x2  }
0x9e: {  	_ =	swait.ge @!p0 [sflag:s0], s1  }
0x9f: {  	s1 =	ssub.s32 @!p0 $0x0, s1;
	[sflag:s0] =	ssyncset.done @!p0 $0x0  }
0xa0: {  	[sflag:s0] =	ssyncadd.s32 @!p0 s1  }
0xa1: {  	[bflag:$0x3] =	sbarrier.arrive $0xFFFF  }
0xa2: {  	_ =	shalt  }

</sc_bundles>
